<compile_context>
chip_gen: v7x
topology: tpu7x:2x2x1
jax: 0.10.2.dev20260603
libtpu: 0.0.44.dev20260713+nightly
codegen_flags: <defaults>
</compile_context>

<pallas_src>
import functools

import jax
import jax.numpy as jnp
from jax import lax
from jax.experimental import pallas as pl
from jax.experimental.pallas import tpu as pltpu
from jax.experimental.pallas import tpu_sc as plsc

N = 10000
E = 160000
D = 256
G = 512
H = 128
HC = 16
BN = 1000
NB = N // BN
F32 = jnp.float32


_EPT = E // 16
_CH = 80
_NCH = _EPT // _CH
_NCHP = 128
_R0 = 640
_WB = 80

_EPT_C = E // 32
_CHC = 125
_NCHC = _EPT_C // _CHC


def _tile_rows(s):
    r0 = s * _R0
    nch = jnp.minimum((N - r0) // _WB, _R0 // _WB)
    return r0, nch


def _zero_acc(s, wbuf, acc):
    r0, nch = _tile_rows(s)

    def zacc(j, carry):
        pltpu.sync_copy(wbuf, acc.at[pl.ds(r0 + j * _WB, _WB)])
        return carry

    lax.fori_loop(0, nch, zacc, 0)


def _write_acc(c, s, wbuf, acc, out_hbm):
    r0, nch = _tile_rows(s)

    def wb(j, carry):
        rj = r0 + j * _WB
        pltpu.sync_copy(acc.at[pl.ds(rj, _WB)], wbuf)
        pltpu.sync_copy(wbuf, out_hbm.at[pl.ds(c * N + rj, _WB)])
        return carry

    lax.fori_loop(0, nch, wb, 0)

def _zero_vmem_rows(buf, nrows):
    zero16 = jnp.zeros((16,), F32)

    def body(r, carry):
        for k in range(H // 16):
            buf[r, pl.ds(k * 16, 16)] = zero16
        return carry

    lax.fori_loop(0, nrows, body, 0)


@functools.cache
def _make_spmm_sc():
    mesh = plsc.VectorSubcoreMesh(
        core_axis_name="c", subcore_axis_name="s", num_cores=2, num_subcores=16
    )
    return pl.kernel(
        _spmm_sc_body,
        out_type=jax.ShapeDtypeStruct((2 * N, H), F32),
        mesh=mesh,
        scratch_types=[
            pltpu.VMEM((_EPT,), jnp.int32),
            pltpu.VMEM((_NCHP, _CH), jnp.int32),
            pltpu.VMEM((_CH, H), F32),
            pltpu.VMEM((_CH, H), F32),
            pltpu.VMEM_SHARED((N, H), F32),
            pltpu.SemaphoreType.DMA,
            pltpu.SemaphoreType.DMA,
        ],
    )


def _spmm_sc(h2, src2, dst):
    return _make_spmm_sc()(h2, src2, dst)


def _spmm_sc_body(
    h_hbm, src2_hbm, dst3_hbm, out_hbm,
    isrc, idst, rowsa, rowsb, acc, sema, semb
):
    c = lax.axis_index("c")
    s = lax.axis_index("s")

    _zero_vmem_rows(rowsa, _CH)
    _zero_acc(s, rowsa, acc)
    pltpu.sync_copy(src2_hbm.at[pl.ds(c * E + s * _EPT, _EPT)], isrc)
    pltpu.sync_copy(dst3_hbm.at[pl.ds(s * _NCHP, _NCHP)], idst)
    plsc.subcore_barrier()

    def src_at(ci):
        return isrc.at[pl.ds(ci * _CH, _CH)]

    pltpu.async_copy(h_hbm.at[src_at(0)], rowsa, sema)
    bufs = ((rowsa, sema), (rowsb, semb))

    def pair(k, carry):
        for b in range(2):
            crows, csem = bufs[b]
            nrows, nsem = bufs[1 - b]
            ci = 2 * k + b
            pltpu.async_copy(h_hbm.at[src_at(ci + 1)], nrows, nsem)
            pltpu.make_async_copy(h_hbm.at[src_at(ci)], crows, csem).wait()
            pltpu.sync_copy(crows, acc.at[idst.at[ci]], add=True)
        return carry

    lax.fori_loop(0, (_NCH - 1) // 2, pair, 0)
    pltpu.make_async_copy(h_hbm.at[src_at(_NCH - 1)], rowsa, sema).wait()
    pltpu.sync_copy(rowsa, acc.at[idst.at[_NCH - 1]], add=True)
    plsc.subcore_barrier()

    _write_acc(c, s, rowsa, acc, out_hbm)


@functools.cache
def _make_count_sc():
    mesh = plsc.VectorSubcoreMesh(
        core_axis_name="c", subcore_axis_name="s", num_cores=2, num_subcores=16
    )
    return pl.kernel(
        _count_sc_body,
        out_type=jax.ShapeDtypeStruct((2 * N, H), F32),
        mesh=mesh,
        scratch_types=[
            pltpu.VMEM((_NCHC, _CHC), jnp.int32),
            pltpu.VMEM((_CHC, H), F32),
            pltpu.VMEM((_WB, H), F32),
            pltpu.VMEM_SHARED((N, H), F32),
        ],
    )


def _count_sc(dst):
    return _make_count_sc()(dst)


def _count_sc_body(dstc_hbm, out_hbm, idst, ones, wbuf, acc):
    c = lax.axis_index("c")
    s = lax.axis_index("s")

    _zero_vmem_rows(wbuf, _WB)
    one16 = jnp.ones((16,), F32)

    def fill(r, carry):
        for k in range(H // 16):
            ones[r, pl.ds(k * 16, 16)] = one16
        return carry

    lax.fori_loop(0, _CHC, fill, 0)

    _zero_acc(s, wbuf, acc)
    pltpu.sync_copy(dstc_hbm.at[pl.ds((c * 16 + s) * _NCHC, _NCHC)], idst)
    plsc.subcore_barrier()

    def step(i, carry):
        pltpu.sync_copy(ones, acc.at[idst.at[i]], add=True)
        return carry

    lax.fori_loop(0, _NCHC, step, 0)
    plsc.subcore_barrier()

    _write_acc(c, s, wbuf, acc, out_hbm)




def _encode_body(x_ref, t_ref, out_ref):
    x = x_ref[...]
    acc = jnp.zeros((BN, H), F32)
    tb = t_ref[...]
    for f in range(9):
        col = x[:, f : f + 1]
        oh = (lax.broadcasted_iota(jnp.int32, (BN, 128), 1) == col).astype(F32)
        acc = acc + jnp.dot(
            oh, tb[f * 128 : (f + 1) * 128, :], preferred_element_type=F32, precision=lax.Precision.HIGHEST
        )
    out_ref[...] = acc


def _encode(x, tables):
    return pl.pallas_call(
        _encode_body,
        grid=(2, NB),
        in_specs=[
            pl.BlockSpec((BN, 9), lambda h, i: (i, 0)),
            pl.BlockSpec((9 * 128, H), lambda h, i: (0, h)),
        ],
        out_specs=pl.BlockSpec((BN, H), lambda h, i: (h * NB + i, 0)),
        out_shape=jax.ShapeDtypeStruct((2 * N, H), F32),
    )(x, tables)


def _layer_body(
    agg_a, agg_b, h_a, h_b, cnt_a, cnt_b, wl, wr, bias, g_ref, b_ref,
    out_ref, z_scr, s1_scr, s2_scr
):
    t = pl.program_id(1)

    @pl.when(t < NB)
    def _():
        inv = 1.0 / jnp.maximum(cnt_a[...] + cnt_b[...], 1.0)
        m = jnp.concatenate([agg_a[...] * inv, agg_b[...] * inv], axis=1)
        hp = jnp.concatenate([h_a[...], h_b[...]], axis=1)
        z = (
            jnp.dot(m, wl[...], preferred_element_type=F32)
            + jnp.dot(hp, wr[...], preferred_element_type=F32)
            + bias[0]
        )
        z_scr[t] = z
        cs = jnp.sum(z, axis=0, keepdims=True)

        @pl.when(t == 0)
        def _():
            s1_scr[...] = cs

        @pl.when(t > 0)
        def _():
            s1_scr[...] += cs

    @pl.when((t >= NB) & (t < 2 * NB))
    def _():
        mean = s1_scr[...] * (1.0 / N)
        dz = z_scr[t - NB] - mean
        cv = jnp.sum(dz * dz, axis=0, keepdims=True)

        @pl.when(t == NB)
        def _():
            s2_scr[...] = cv

        @pl.when(t > NB)
        def _():
            s2_scr[...] += cv

    @pl.when(t >= 2 * NB)
    def _():
        mean = s1_scr[...] * (1.0 / N)
        var = s2_scr[...] * (1.0 / N)
        rstd = lax.rsqrt(var + 1e-5)
        h = (z_scr[t - 2 * NB] - mean) * rstd * g_ref[0] + b_ref[0]
        out_ref[...] = jnp.maximum(h, 0.0)


def _layer_tc(agg2, h2, cnt2, wl, wr, bias2, g2, b2):
    half_a = pl.BlockSpec((BN, H), lambda h, t: (jnp.minimum(t, NB - 1), 0))
    half_b = pl.BlockSpec(
        (BN, H), lambda h, t: (NB + jnp.minimum(t, NB - 1), 0)
    )
    stat = pl.BlockSpec((1, 1, H), lambda h, t: (h, 0, 0))
    return pl.pallas_call(
        _layer_body,
        grid=(2, 3 * NB),
        in_specs=[
            half_a,
            half_b,
            half_a,
            half_b,
            half_a,
            half_b,
            pl.BlockSpec((D, H), lambda h, t: (0, h)),
            pl.BlockSpec((D, H), lambda h, t: (0, h)),
            stat,
            stat,
            stat,
        ],
        out_specs=pl.BlockSpec(
            (BN, H), lambda h, t: (h * NB + jnp.maximum(t - 2 * NB, 0), 0)
        ),
        out_shape=jax.ShapeDtypeStruct((2 * N, H), F32),
        scratch_shapes=[
            pltpu.VMEM((NB, BN, H), F32),
            pltpu.VMEM((1, H), F32),
            pltpu.VMEM((1, H), F32),
        ],
    )(agg2, agg2, h2, h2, cnt2, cnt2, wl, wr, bias2, g2, b2)


def _poolmlp_body(
    batch_ref, h0_ref, h1_ref, h2_ref, h3_ref, w1_ref, b1_ref, g1_ref,
    bb1_ref, w2_ref, b2_ref, g2_ref, bb2_ref, w3_ref, b3_ref, out_ref, hg_scr
):
    t = pl.program_id(0)

    @pl.when(t < 2 * NB)
    def _():
        h = t // NB
        i = lax.rem(t, NB)
        nr = h0_ref[...] + h1_ref[...] + h2_ref[...] + h3_ref[...]
        bt = batch_ref[...]
        oh = (lax.broadcasted_iota(jnp.int32, (BN, G), 1) == bt).astype(F32)
        contrib = lax.dot_general(
            oh, nr, (((0,), (0,)), ((), ())), preferred_element_type=F32,
            precision=lax.Precision.HIGHEST,
        )

        @pl.when(i == 0)
        def _():
            hg_scr[h] = contrib

        @pl.when(i > 0)
        def _():
            hg_scr[h] += contrib

    @pl.when(t == 2 * NB)
    def _():
        def bn(a, g, b):
            mean = jnp.mean(a, axis=0, keepdims=True)
            d = a - mean
            var = jnp.mean(d * d, axis=0, keepdims=True)
            return d * lax.rsqrt(var + 1e-5) * g + b

        hg = jnp.concatenate([hg_scr[0], hg_scr[1]], axis=1)
        a = jnp.dot(hg, w1_ref[...], preferred_element_type=F32) + b1_ref[...]
        a = jnp.maximum(bn(a, g1_ref[...], bb1_ref[...]), 0.0)
        a = jnp.dot(a, w2_ref[...], preferred_element_type=F32) + b2_ref[...]
        a = jnp.maximum(bn(a, g2_ref[...], bb2_ref[...]), 0.0)
        out_ref[...] = (
            jnp.dot(a, w3_ref[...], preferred_element_type=F32) + b3_ref[...]
        )


def _poolmlp(batch_col, h0, h1, h2, h3, w1, b1, g1, bb1, w2, b2, g2, bb2, w3, b3):
    blk = pl.BlockSpec((BN, H), lambda t: (jnp.minimum(t, 2 * NB - 1), 0))
    full = lambda shape: pl.BlockSpec(shape, lambda t: tuple(0 for _ in shape))
    return pl.pallas_call(
        _poolmlp_body,
        grid=(2 * NB + 1,),
        in_specs=[
            pl.BlockSpec(
                (BN, 1),
                lambda t: (jnp.where(t < 2 * NB, lax.rem(t, NB), 0), 0),
            ),
            blk,
            blk,
            blk,
            blk,
            full((D, 2 * D)),
            full((1, 2 * D)),
            full((1, 2 * D)),
            full((1, 2 * D)),
            full((2 * D, D)),
            full((1, D)),
            full((1, D)),
            full((1, D)),
            full((D, 1)),
            full((1, 1)),
        ],
        out_specs=pl.BlockSpec((G, 1), lambda t: (0, 0)),
        out_shape=jax.ShapeDtypeStruct((G, 1), F32),
        scratch_shapes=[pltpu.VMEM((2, G, H), F32)],
    )(batch_col, h0, h1, h2, h3, w1, b1, g1, bb1, w2, b2, g2, bb2, w3, b3)




def kernel(
    x, edge_index, edge_attr, batch, node_tables, edge_tables, W_l, b_l, W_r,
    b_r, bn_g, bn_b, W1, b1, gn1_g, gn1_b, W2, b2, gn2_g, gn2_b, W3, b3
):
    src = edge_index[0]
    dst = edge_index[1]
    src2 = jnp.concatenate([src, src + N], axis=0)
    dst3 = jnp.pad(
        dst.reshape(16, _NCH, _CH), ((0, 0), (0, _NCHP - _NCH), (0, 0))
    ).reshape(16 * _NCHP, _CH)
    dstc = dst.reshape(E // _CHC, _CHC)
    tables = node_tables.reshape(9 * 128, D)

    h2 = _encode(x, tables)
    cnt2 = _count_sc(dstc)

    hs = [h2]
    for l in range(3):
        agg2 = _spmm_sc(h2, src2, dst3)
        bias2 = (b_l[l] + b_r[l]).reshape(2, 1, H)
        h2 = _layer_tc(
            agg2, h2, cnt2, W_l[l], W_r[l], bias2,
            bn_g[l].reshape(2, 1, H), bn_b[l].reshape(2, 1, H),
        )
        hs.append(h2)

    return _poolmlp(
        batch.reshape(N, 1), hs[0], hs[1], hs[2], hs[3],
        W1, b1.reshape(1, 2 * D), gn1_g.reshape(1, 2 * D), gn1_b.reshape(1, 2 * D),
        W2, b2.reshape(1, D), gn2_g.reshape(1, D), gn2_b.reshape(1, D),
        W3, b3.reshape(1, 1),
    )

# --- scband reference (transcript-rebuilt; emitter-appended) ---
"""Pipeline reference for scband-net-70643622085084 (READ-ONLY COPY).

The authoritative reference and input builder live on the scoring server;
editing this copy changes nothing except your own understanding.
"""

import jax, jax.numpy as jnp
import numpy as np

N = 10000
E = 160000
D = 256
G = 512
NL = 4

def _bn(h, g, b):
    m = jnp.mean(h, axis=0, keepdims=True)
    v = jnp.var(h, axis=0, keepdims=True)
    return (h - m) / jnp.sqrt(v + 1e-5) * g + b

def setup_inputs(seed: int = 0):
    key = jax.random.key(seed)
    k = lambda i: jax.random.fold_in(key, i)
    s = 0.05
    inp = {}
    inp["x"] = jax.random.randint(k(0), (N, 9), 0, 119, dtype=jnp.int32)
    inp["edge_index"] = jax.random.randint(k(1), (2, E), 0, N, dtype=jnp.int32)
    inp["edge_attr"] = jax.random.randint(k(2), (E, 3), 0, 5, dtype=jnp.int32)
    inp["batch"] = jnp.sort(jax.random.randint(k(3), (N,), 0, G, dtype=jnp.int32))
    inp["node_tables"] = jax.random.normal(k(4), (9, 128, D), dtype=jnp.float32) * s
    inp["edge_tables"] = jax.random.normal(k(5), (3, 16, D), dtype=jnp.float32) * s
    inp["W_l"] = jax.random.normal(k(6), (NL, D, D), dtype=jnp.float32) * s
    inp["b_l"] = jnp.zeros((NL, D), dtype=jnp.float32)
    inp["W_r"] = jax.random.normal(k(7), (NL, D, D), dtype=jnp.float32) * s
    inp["b_r"] = jnp.zeros((NL, D), dtype=jnp.float32)
    inp["bn_g"] = jnp.ones((NL, D), dtype=jnp.float32)
    inp["bn_b"] = jnp.zeros((NL, D), dtype=jnp.float32)
    inp["W1"] = jax.random.normal(k(8), (D, 2 * D), dtype=jnp.float32) * s
    inp["b1"] = jnp.zeros((2 * D,), dtype=jnp.float32)
    inp["gn1_g"] = jnp.ones((2 * D,), dtype=jnp.float32)
    inp["gn1_b"] = jnp.zeros((2 * D,), dtype=jnp.float32)
    inp["W2"] = jax.random.normal(k(9), (2 * D, D), dtype=jnp.float32) * s
    inp["b2"] = jnp.zeros((D,), dtype=jnp.float32)
    inp["gn2_g"] = jnp.ones((D,), dtype=jnp.float32)
    inp["gn2_b"] = jnp.zeros((D,), dtype=jnp.float32)
    inp["W3"] = jax.random.normal(k(10), (D, 1), dtype=jnp.float32) * s
    inp["b3"] = jnp.zeros((1,), dtype=jnp.float32)
    return inp

def reference(x, edge_index, edge_attr, batch, node_tables, edge_tables, W_l, b_l, W_r, b_r, bn_g, bn_b, W1, b1, gn1_g, gn1_b, W2, b2, gn2_g, gn2_b, W3, b3):
    # NodeEncoder: sum of per-column categorical embeddings
    h0 = jnp.zeros((N, D), dtype=jnp.float32)
    for f in range(9):
        h0 = h0 + node_tables[f][x[:, f]]
    # EdgeEncoder (computed as in original forward, but SAGEConv ignores it)
    edge_emb = jnp.zeros((E, D), dtype=jnp.float32)
    for f in range(3):
        edge_emb = edge_emb + edge_tables[f][edge_attr[:, f]]
    src = edge_index[0]
    dst = edge_index[1]
    h_list = [h0]
    for layer in range(NL):
        hp = h_list[layer]
        # SAGEConv: mean aggregation of neighbor messages + root transform
        msg = hp[src]
        agg = jax.ops.segment_sum(msg, dst, num_segments=N)
        cnt = jax.ops.segment_sum(jnp.ones((E,), dtype=jnp.float32), dst, num_segments=N)
        mean = agg / jnp.clip(cnt, 1.0)[:, None]
        h = mean @ W_l[layer] + b_l[layer] + hp @ W_r[layer] + b_r[layer]
        h = _bn(h, bn_g[layer], bn_b[layer])
        if layer < NL - 1:
            h = jax.nn.relu(h)  # dropout is identity in eval
        h_list.append(h)
    # JK='sum' over h_list[0..num_layer-1] (as written in the original code)
    node_rep = h_list[0]
    for layer in range(1, NL):
        node_rep = node_rep + h_list[layer]
    # global_add_pool
    hg = jax.ops.segment_sum(node_rep, batch, num_segments=G)
    hg = jax.nn.relu(_bn(hg @ W1 + b1, gn1_g, gn1_b))
    hg = jax.nn.relu(_bn(hg @ W2 + b2, gn2_g, gn2_b))
    return hg @ W3 + b3

if __name__ == "__main__":
    import jax
    _d = setup_inputs()
    print(jax.jit(kernel)(*tuple(_d.values())))

</pallas_src>

<mosaic_0001>
#map = affine_map<(d0, d1) -> (0, 0)>
#map1 = affine_map<(d0, d1) -> (0)>
module attributes {stable_mosaic.version = 14 : i64} {
  func.func @_spmm_sc_body(%arg0: i32, %arg1: i32, %arg2: memref<20000x128xf32, #tpu.memory_space<hbm>>, %arg3: memref<320000xi32, #tpu.memory_space<hbm>>, %arg4: memref<2048x80xi32, #tpu.memory_space<hbm>>, %arg5: memref<20000x128xf32, #tpu.memory_space<hbm>>, %arg6: memref<10000xi32, #tpu.memory_space<vmem>>, %arg7: memref<128x80xi32, #tpu.memory_space<vmem>>, %arg8: memref<80x128xf32, #tpu.memory_space<vmem>>, %arg9: memref<80x128xf32, #tpu.memory_space<vmem>>, %arg10: memref<10000x128xf32, #tpu.memory_space<vmem_shared>>, %arg11: memref<!tpu.dma_semaphore, #tpu.memory_space<semaphore_mem>>, %arg12: memref<!tpu.dma_semaphore, #tpu.memory_space<semaphore_mem>>) attributes {dimension_semantics = [#tpu.dimension_semantics<core_parallel>, #tpu.dimension_semantics<subcore_parallel>], iteration_bounds = array<i64: 2, 16>, scalar_prefetch = 0 : i64, scratch_operands = 7 : i64, tpu.core_type = #tpu.core_type<sc_vector_subcore>, window_params = [{transform_indices = #map}, {transform_indices = #map1}, {transform_indices = #map}, {transform_indices = #map}]} {
    %broadcast_in_dim3A = arith.constant 0.000000e+00 : f32
    %broadcast_in_dim3A_0 = vector.broadcast %broadcast_in_dim3A : f32 to vector<16xf32>
    %scan3A = arith.constant 0 : i32
    %scan3A_1 = arith.constant 0 : i32
    %scan3A_2 = arith.constant 80 : i32
    %scan3A_3 = arith.addi %scan3A_1, %scan3A_2 : i32
    %scan3A_4 = arith.constant 1 : i32
    scf.for %scan3A_96 = %scan3A_1 to %scan3A_3 step %scan3A_4  : i32 {
      %swap3A = arith.index_cast %scan3A_96 : i32 to index
      %swap3A_97 = arith.constant 0 : index
      %swap3A_98 = tpu.vector_load %arg8[%swap3A, %swap3A_97] {strides = array<i32>} : memref<80x128xf32, #tpu.memory_space<vmem>>, vector<1x16xf32>,
      %swap3A_99 = vector.shape_cast %swap3A_98 : vector<1x16xf32> to vector<16xf32>
      %swap3A_100 = vector.shape_cast %broadcast_in_dim3A_0 : vector<16xf32> to vector<1x16xf32>
      tpu.vector_store %arg8[%swap3A, %swap3A_97], %swap3A_100 {strides = array<i32>} : memref<80x128xf32, #tpu.memory_space<vmem>>, vector<1x16xf32>,
      %swap3A_101 = arith.index_cast %scan3A_96 : i32 to index
      %swap3A_102 = arith.constant 16 : index
      %swap3A_103 = tpu.vector_load %arg8[%swap3A_101, %swap3A_102] {strides = array<i32>} : memref<80x128xf32, #tpu.memory_space<vmem>>, vector<1x16xf32>,
      %swap3A_104 = vector.shape_cast %swap3A_103 : vector<1x16xf32> to vector<16xf32>
      %swap3A_105 = vector.shape_cast %broadcast_in_dim3A_0 : vector<16xf32> to vector<1x16xf32>
      tpu.vector_store %arg8[%swap3A_101, %swap3A_102], %swap3A_105 {strides = array<i32>} : memref<80x128xf32, #tpu.memory_space<vmem>>, vector<1x16xf32>,
      %swap3A_106 = arith.index_cast %scan3A_96 : i32 to index
      %swap3A_107 = arith.constant 32 : index
      %swap3A_108 = tpu.vector_load %arg8[%swap3A_106, %swap3A_107] {strides = array<i32>} : memref<80x128xf32, #tpu.memory_space<vmem>>, vector<1x16xf32>,
      %swap3A_109 = vector.shape_cast %swap3A_108 : vector<1x16xf32> to vector<16xf32>
      %swap3A_110 = vector.shape_cast %broadcast_in_dim3A_0 : vector<16xf32> to vector<1x16xf32>
      tpu.vector_store %arg8[%swap3A_106, %swap3A_107], %swap3A_110 {strides = array<i32>} : memref<80x128xf32, #tpu.memory_space<vmem>>, vector<1x16xf32>,
      %swap3A_111 = arith.index_cast %scan3A_96 : i32 to index
      %swap3A_112 = arith.constant 48 : index
      %swap3A_113 = tpu.vector_load %arg8[%swap3A_111, %swap3A_112] {strides = array<i32>} : memref<80x128xf32, #tpu.memory_space<vmem>>, vector<1x16xf32>,
      %swap3A_114 = vector.shape_cast %swap3A_113 : vector<1x16xf32> to vector<16xf32>
      %swap3A_115 = vector.shape_cast %broadcast_in_dim3A_0 : vector<16xf32> to vector<1x16xf32>
      tpu.vector_store %arg8[%swap3A_111, %swap3A_112], %swap3A_115 {strides = array<i32>} : memref<80x128xf32, #tpu.memory_space<vmem>>, vector<1x16xf32>,
      %swap3A_116 = arith.index_cast %scan3A_96 : i32 to index
      %swap3A_117 = arith.constant 64 : index
      %swap3A_118 = tpu.vector_load %arg8[%swap3A_116, %swap3A_117] {strides = array<i32>} : memref<80x128xf32, #tpu.memory_space<vmem>>, vector<1x16xf32>,
      %swap3A_119 = vector.shape_cast %swap3A_118 : vector<1x16xf32> to vector<16xf32>
      %swap3A_120 = vector.shape_cast %broadcast_in_dim3A_0 : vector<16xf32> to vector<1x16xf32>
      tpu.vector_store %arg8[%swap3A_116, %swap3A_117], %swap3A_120 {strides = array<i32>} : memref<80x128xf32, #tpu.memory_space<vmem>>, vector<1x16xf32>,
      %swap3A_121 = arith.index_cast %scan3A_96 : i32 to index
      %swap3A_122 = arith.constant 80 : index
      %swap3A_123 = tpu.vector_load %arg8[%swap3A_121, %swap3A_122] {strides = array<i32>} : memref<80x128xf32, #tpu.memory_space<vmem>>, vector<1x16xf32>,
      %swap3A_124 = vector.shape_cast %swap3A_123 : vector<1x16xf32> to vector<16xf32>
      %swap3A_125 = vector.shape_cast %broadcast_in_dim3A_0 : vector<16xf32> to vector<1x16xf32>
      tpu.vector_store %arg8[%swap3A_121, %swap3A_122], %swap3A_125 {strides = array<i32>} : memref<80x128xf32, #tpu.memory_space<vmem>>, vector<1x16xf32>,
      %swap3A_126 = arith.index_cast %scan3A_96 : i32 to index
      %swap3A_127 = arith.constant 96 : index
      %swap3A_128 = tpu.vector_load %arg8[%swap3A_126, %swap3A_127] {strides = array<i32>} : memref<80x128xf32, #tpu.memory_space<vmem>>, vector<1x16xf32>,
      %swap3A_129 = vector.shape_cast %swap3A_128 : vector<1x16xf32> to vector<16xf32>
      %swap3A_130 = vector.shape_cast %broadcast_in_dim3A_0 : vector<16xf32> to vector<1x16xf32>
      tpu.vector_store %arg8[%swap3A_126, %swap3A_127], %swap3A_130 {strides = array<i32>} : memref<80x128xf32, #tpu.memory_space<vmem>>, vector<1x16xf32>,
      %swap3A_131 = arith.index_cast %scan3A_96 : i32 to index
      %swap3A_132 = arith.constant 112 : index
      %swap3A_133 = tpu.vector_load %arg8[%swap3A_131, %swap3A_132] {strides = array<i32>} : memref<80x128xf32, #tpu.memory_space<vmem>>, vector<1x16xf32>,
      %swap3A_134 = vector.shape_cast %swap3A_133 : vector<1x16xf32> to vector<16xf32>
      %swap3A_135 = vector.shape_cast %broadcast_in_dim3A_0 : vector<16xf32> to vector<1x16xf32>
      tpu.vector_store %arg8[%swap3A_131, %swap3A_132], %swap3A_135 {strides = array<i32>} : memref<80x128xf32, #tpu.memory_space<vmem>>, vector<1x16xf32>,
    }
    %scan3A_5 = arith.constant 80 : i32
    %mul3A = arith.constant 640 : i32
    %mul3A_6 = arith.muli %arg1, %mul3A : i32
    %sub3A = arith.constant 10000 : i32
    %sub3A_7 = arith.subi %sub3A, %mul3A_6 : i32
    %jit3A = arith.constant 80 : i32
    %div3A = arith.divsi %sub3A_7, %jit3A : i32
    %sign3A = arith.constant 0 : i32
    %sign3A_8 = arith.cmpi sgt, %sub3A_7, %sign3A : i32
    %sign3A_9 = arith.extui %sign3A_8 : i1 to i32
    %sign3A_10 = arith.constant 0 : i32
    %sign3A_11 = arith.cmpi slt, %sub3A_7, %sign3A_10 : i32
    %sign3A_12 = arith.extui %sign3A_11 : i1 to i32
    %sign3A_13 = arith.subi %sign3A_9, %sign3A_12 : i32
    %sign3A_14 = arith.constant 0 : i32
    %sign3A_15 = arith.cmpi sgt, %jit3A, %sign3A_14 : i32
    %sign3A_16 = arith.extui %sign3A_15 : i1 to i32
    %sign3A_17 = arith.constant 0 : i32
    %sign3A_18 = arith.cmpi slt, %jit3A, %sign3A_17 : i32
    %sign3A_19 = arith.extui %sign3A_18 : i1 to i32
    %sign3A_20 = arith.subi %sign3A_16, %sign3A_19 : i32
    %ne3A = arith.cmpi ne, %sign3A_13, %sign3A_20 : i32
    %rem3A = arith.remsi %sub3A_7, %jit3A : i32
    %ne3A_21 = arith.constant 0 : i32
    %ne3A_22 = arith.cmpi ne, %rem3A, %ne3A_21 : i32
    %and3A = arith.andi %ne3A, %ne3A_22 : i1
    %sub3A_23 = arith.constant 1 : i32
    %sub3A_24 = arith.subi %div3A, %sub3A_23 : i32
    %select_n3A = arith.select %and3A, %sub3A_24, %div3A : i32
    %min3A = arith.constant 8 : i32
    %min3A_25 = arith.minsi %select_n3A, %min3A : i32
    %while3A = arith.constant 0 : i32
    %while3A_26 = arith.constant 0 : i32
    %while3A_27 = arith.subi %min3A_25, %while3A_26 : i32
    %while3A_28 = arith.addi %while3A_26, %while3A_27 : i32
    %while3A_29 = arith.constant 1 : i32
    %while3A_30 = arith.divsi %while3A_27, %while3A_29 : i32
    %while3A_31 = arith.muli %while3A_30, %while3A_29 : i32
    %while3A_32 = arith.addi %while3A_26, %while3A_31 : i32
    %while3A_33 = arith.constant 1 : i32
    scf.for %while3A_96 = %while3A_26 to %while3A_32 step %while3A_33  : i32 {
      %mul3A_97 = arith.constant 80 : i32
      %mul3A_98 = arith.muli %while3A_96, %mul3A_97 : i32
      %add3A_99 = arith.addi %mul3A_6, %mul3A_98 : i32
      "tpu.region"() ({
        %run_scoped3A_100 = tpu.sem_alloc : memref<!tpu.dma_semaphore, #tpu.memory_space<semaphore_mem>>
        %dma_start3A_101 = arith.constant 0 : i32
        %dma_start3A_102 = tpu.memref_slice %arg10[%add3A_99, %dma_start3A_101] : memref<10000x128xf32, #tpu.memory_space<vmem_shared>> -> memref<80x128xf32, #tpu.memory_space<vmem_shared>>
        %dma_start3A_103 = arith.constant 0 : i32
        %dma_start3A_104 = tpu.memref_slice %arg10[%add3A_99, %dma_start3A_103] : memref<10000x128xf32, #tpu.memory_space<vmem_shared>> -> memref<80x128xf32, #tpu.memory_space<vmem_shared>>
        tpu.enqueue_dma source(%arg8 : memref<80x128xf32, #tpu.memory_space<vmem>>) target(%dma_start3A_104 : memref<80x128xf32, #tpu.memory_space<vmem_shared>>) target_semaphore(%run_scoped3A_100 : memref<!tpu.dma_semaphore, #tpu.memory_space<semaphore_mem>>)
        %dma_wait3A_105 = arith.constant 0 : i32
        %dma_wait3A_106 = tpu.memref_slice %arg10[%add3A_99, %dma_wait3A_105] : memref<10000x128xf32, #tpu.memory_space<vmem_shared>> -> memref<80x128xf32, #tpu.memory_space<vmem_shared>>
        %dma_wait3A_107 = arith.constant 0 : i32
        %dma_wait3A_108 = tpu.memref_slice %arg10[%add3A_99, %dma_wait3A_107] : memref<10000x128xf32, #tpu.memory_space<vmem_shared>> -> memref<80x128xf32, #tpu.memory_space<vmem_shared>>
        tpu.wait_dma2 semaphore(%run_scoped3A_100 : memref<!tpu.dma_semaphore, #tpu.memory_space<semaphore_mem>>) src(%arg8 : memref<80x128xf32, #tpu.memory_space<vmem>>) dst(%dma_wait3A_108 : memref<80x128xf32, #tpu.memory_space<vmem_shared>>)
        tpu.yield
      }) : () -> ()
    }
    %while3A_34 = arith.constant 1 : i32
    scf.for %while3A_96 = %while3A_32 to %while3A_28 step %while3A_34  : i32 {
      %mul3A_97 = arith.constant 80 : i32
      %mul3A_98 = arith.muli %while3A_96, %mul3A_97 : i32
      %add3A_99 = arith.addi %mul3A_6, %mul3A_98 : i32
      "tpu.region"() ({
        %run_scoped3A_100 = tpu.sem_alloc : memref<!tpu.dma_semaphore, #tpu.memory_space<semaphore_mem>>
        %dma_start3A_101 = arith.constant 0 : i32
        %dma_start3A_102 = tpu.memref_slice %arg10[%add3A_99, %dma_start3A_101] : memref<10000x128xf32, #tpu.memory_space<vmem_shared>> -> memref<80x128xf32, #tpu.memory_space<vmem_shared>>
        %dma_start3A_103 = arith.constant 0 : i32
        %dma_start3A_104 = tpu.memref_slice %arg10[%add3A_99, %dma_start3A_103] : memref<10000x128xf32, #tpu.memory_space<vmem_shared>> -> memref<80x128xf32, #tpu.memory_space<vmem_shared>>
        tpu.enqueue_dma source(%arg8 : memref<80x128xf32, #tpu.memory_space<vmem>>) target(%dma_start3A_104 : memref<80x128xf32, #tpu.memory_space<vmem_shared>>) target_semaphore(%run_scoped3A_100 : memref<!tpu.dma_semaphore, #tpu.memory_space<semaphore_mem>>)
        %dma_wait3A_105 = arith.constant 0 : i32
        %dma_wait3A_106 = tpu.memref_slice %arg10[%add3A_99, %dma_wait3A_105] : memref<10000x128xf32, #tpu.memory_space<vmem_shared>> -> memref<80x128xf32, #tpu.memory_space<vmem_shared>>
        %dma_wait3A_107 = arith.constant 0 : i32
        %dma_wait3A_108 = tpu.memref_slice %arg10[%add3A_99, %dma_wait3A_107] : memref<10000x128xf32, #tpu.memory_space<vmem_shared>> -> memref<80x128xf32, #tpu.memory_space<vmem_shared>>
        tpu.wait_dma2 semaphore(%run_scoped3A_100 : memref<!tpu.dma_semaphore, #tpu.memory_space<semaphore_mem>>) src(%arg8 : memref<80x128xf32, #tpu.memory_space<vmem>>) dst(%dma_wait3A_108 : memref<80x128xf32, #tpu.memory_space<vmem_shared>>)
        tpu.yield
      }) : () -> ()
    }
    %mul3A_35 = arith.constant 160000 : i32
    %mul3A_36 = arith.muli %arg0, %mul3A_35 : i32
    %mul3A_37 = arith.constant 10000 : i32
    %mul3A_38 = arith.muli %arg1, %mul3A_37 : i32
    %add3A = arith.addi %mul3A_36, %mul3A_38 : i32
    "tpu.region"() ({
      %run_scoped3A_96 = tpu.sem_alloc : memref<!tpu.dma_semaphore, #tpu.memory_space<semaphore_mem>>
      %dma_start3A_97 = tpu.memref_slice %arg3[%add3A] : memref<320000xi32, #tpu.memory_space<hbm>> -> memref<10000xi32, #tpu.memory_space<hbm>>
      %dma_start3A_98 = tpu.memref_slice %arg3[%add3A] : memref<320000xi32, #tpu.memory_space<hbm>> -> memref<10000xi32, #tpu.memory_space<hbm>>
      tpu.enqueue_dma source(%dma_start3A_98 : memref<10000xi32, #tpu.memory_space<hbm>>) target(%arg6 : memref<10000xi32, #tpu.memory_space<vmem>>) target_semaphore(%run_scoped3A_96 : memref<!tpu.dma_semaphore, #tpu.memory_space<semaphore_mem>>)
      %dma_wait3A_99 = tpu.memref_slice %arg3[%add3A] : memref<320000xi32, #tpu.memory_space<hbm>> -> memref<10000xi32, #tpu.memory_space<hbm>>
      %dma_wait3A_100 = tpu.memref_slice %arg3[%add3A] : memref<320000xi32, #tpu.memory_space<hbm>> -> memref<10000xi32, #tpu.memory_space<hbm>>
      tpu.wait_dma2 semaphore(%run_scoped3A_96 : memref<!tpu.dma_semaphore, #tpu.memory_space<semaphore_mem>>) src(%dma_wait3A_100 : memref<10000xi32, #tpu.memory_space<hbm>>) dst(%arg6 : memref<10000xi32, #tpu.memory_space<vmem>>)
      tpu.yield
    }) : () -> ()
    %mul3A_39 = arith.constant 128 : i32
    %mul3A_40 = arith.muli %arg1, %mul3A_39 : i32
    "tpu.region"() ({
      %run_scoped3A_96 = tpu.sem_alloc : memref<!tpu.dma_semaphore, #tpu.memory_space<semaphore_mem>>
      %dma_start3A_97 = arith.constant 0 : i32
      %dma_start3A_98 = tpu.memref_slice %arg4[%mul3A_40, %dma_start3A_97] : memref<2048x80xi32, #tpu.memory_space<hbm>> -> memref<128x80xi32, #tpu.memory_space<hbm>>
      %dma_start3A_99 = arith.constant 0 : i32
      %dma_start3A_100 = tpu.memref_slice %arg4[%mul3A_40, %dma_start3A_99] : memref<2048x80xi32, #tpu.memory_space<hbm>> -> memref<128x80xi32, #tpu.memory_space<hbm>>
      tpu.enqueue_dma source(%dma_start3A_100 : memref<128x80xi32, #tpu.memory_space<hbm>>) target(%arg7 : memref<128x80xi32, #tpu.memory_space<vmem>>) target_semaphore(%run_scoped3A_96 : memref<!tpu.dma_semaphore, #tpu.memory_space<semaphore_mem>>)
      %dma_wait3A_101 = arith.constant 0 : i32
      %dma_wait3A_102 = tpu.memref_slice %arg4[%mul3A_40, %dma_wait3A_101] : memref<2048x80xi32, #tpu.memory_space<hbm>> -> memref<128x80xi32, #tpu.memory_space<hbm>>
      %dma_wait3A_103 = arith.constant 0 : i32
      %dma_wait3A_104 = tpu.memref_slice %arg4[%mul3A_40, %dma_wait3A_103] : memref<2048x80xi32, #tpu.memory_space<hbm>> -> memref<128x80xi32, #tpu.memory_space<hbm>>
      tpu.wait_dma2 semaphore(%run_scoped3A_96 : memref<!tpu.dma_semaphore, #tpu.memory_space<semaphore_mem>>) src(%dma_wait3A_104 : memref<128x80xi32, #tpu.memory_space<hbm>>) dst(%arg7 : memref<128x80xi32, #tpu.memory_space<vmem>>)
      tpu.yield
    }) : () -> ()
    %barrier3A = arith.constant 0 : index
    tpu.barrier barrier_id(%barrier3A)
    %dma_start3A = arith.constant 0 : i32
    %dma_start3A_41 = tpu.memref_slice %arg6[%dma_start3A] : memref<10000xi32, #tpu.memory_space<vmem>> -> memref<80xi32, #tpu.memory_space<vmem>>
    %dma_start3A_42 = arith.constant 0 : i32
    %dma_start3A_43 = arith.constant 0 : i32
    %dma_start3A_44 = tpu.memref_slice %arg2[%dma_start3A_42, %dma_start3A_43] : memref<20000x128xf32, #tpu.memory_space<hbm>> -> memref<20000x128xf32, #tpu.memory_space<hbm>>
    tpu.enqueue_indirect_dma source(%dma_start3A_44 : memref<20000x128xf32, #tpu.memory_space<hbm>>) target(%arg8 : memref<80x128xf32, #tpu.memory_space<vmem>>) offsets(%dma_start3A_41 : memref<80xi32, #tpu.memory_space<vmem>>) semaphore(%arg11 : memref<!tpu.dma_semaphore, #tpu.memory_space<semaphore_mem>>)
    %scan3A_45 = arith.constant 0 : i32
    %scan3A_46 = arith.constant 0 : i32
    %scan3A_47 = arith.constant 62 : i32
    %scan3A_48 = arith.addi %scan3A_46, %scan3A_47 : i32
    %scan3A_49 = arith.constant 1 : i32
    scf.for %scan3A_96 = %scan3A_46 to %scan3A_48 step %scan3A_49  : i32 {
      %mul3A_97 = arith.constant 2 : i32
      %mul3A_98 = arith.muli %mul3A_97, %scan3A_96 : i32
      %add3A_99 = arith.constant 0 : i32
      %add3A_100 = arith.addi %mul3A_98, %add3A_99 : i32
      %add3A_101 = arith.constant 1 : i32
      %add3A_102 = arith.addi %add3A_100, %add3A_101 : i32
      %mul3A_103 = arith.constant 80 : i32
      %mul3A_104 = arith.muli %add3A_102, %mul3A_103 : i32
      %dma_start3A_105 = tpu.memref_slice %arg6[%mul3A_104] : memref<10000xi32, #tpu.memory_space<vmem>> -> memref<80xi32, #tpu.memory_space<vmem>>
      %dma_start3A_106 = arith.constant 0 : i32
      %dma_start3A_107 = arith.constant 0 : i32
      %dma_start3A_108 = tpu.memref_slice %arg2[%dma_start3A_106, %dma_start3A_107] : memref<20000x128xf32, #tpu.memory_space<hbm>> -> memref<20000x128xf32, #tpu.memory_space<hbm>>
      tpu.enqueue_indirect_dma source(%dma_start3A_108 : memref<20000x128xf32, #tpu.memory_space<hbm>>) target(%arg9 : memref<80x128xf32, #tpu.memory_space<vmem>>) offsets(%dma_start3A_105 : memref<80xi32, #tpu.memory_space<vmem>>) semaphore(%arg12 : memref<!tpu.dma_semaphore, #tpu.memory_space<semaphore_mem>>)
      %mul3A_109 = arith.constant 80 : i32
      %mul3A_110 = arith.muli %add3A_100, %mul3A_109 : i32
      %dma_wait3A_111 = tpu.memref_slice %arg6[%mul3A_110] : memref<10000xi32, #tpu.memory_space<vmem>> -> memref<80xi32, #tpu.memory_space<vmem>>
      %dma_wait3A_112 = arith.constant 0 : i32
      %dma_wait3A_113 = arith.constant 0 : i32
      %dma_wait3A_114 = tpu.memref_slice %arg2[%dma_wait3A_112, %dma_wait3A_113] : memref<20000x128xf32, #tpu.memory_space<hbm>> -> memref<20000x128xf32, #tpu.memory_space<hbm>>
      tpu.wait_indirect_dma semaphore(%arg11 : memref<!tpu.dma_semaphore, #tpu.memory_space<semaphore_mem>>) src(%dma_wait3A_114 : memref<20000x128xf32, #tpu.memory_space<hbm>>) dst(%arg8 : memref<80x128xf32, #tpu.memory_space<vmem>>)
      "tpu.region"() ({
        %run_scoped3A_133 = tpu.sem_alloc : memref<!tpu.dma_semaphore, #tpu.memory_space<semaphore_mem>>
        %dma_start3A_134 = arith.constant 0 : i32
        %dma_start3A_135 = tpu.memref_slice %arg7[%add3A_100, %dma_start3A_134] : memref<128x80xi32, #tpu.memory_space<vmem>> -> memref<1x80xi32, #tpu.memory_space<vmem>>
        %dma_start3A_136 = tpu.memref_squeeze %dma_start3A_135 : memref<1x80xi32, #tpu.memory_space<vmem>> -> memref<80xi32, #tpu.memory_space<vmem>>
        %dma_start3A_137 = arith.constant 0 : i32
        %dma_start3A_138 = arith.constant 0 : i32
        %dma_start3A_139 = tpu.memref_slice %arg10[%dma_start3A_137, %dma_start3A_138] : memref<10000x128xf32, #tpu.memory_space<vmem_shared>> -> memref<10000x128xf32, #tpu.memory_space<vmem_shared>>
        tpu.enqueue_indirect_dma source(%arg8 : memref<80x128xf32, #tpu.memory_space<vmem>>) target(%dma_start3A_139 : memref<10000x128xf32, #tpu.memory_space<vmem_shared>>) offsets(%dma_start3A_136 : memref<80xi32, #tpu.memory_space<vmem>>) semaphore(%run_scoped3A_133 : memref<!tpu.dma_semaphore, #tpu.memory_space<semaphore_mem>>) {add = true}
        %dma_wait3A_140 = arith.constant 0 : i32
        %dma_wait3A_141 = tpu.memref_slice %arg7[%add3A_100, %dma_wait3A_140] : memref<128x80xi32, #tpu.memory_space<vmem>> -> memref<1x80xi32, #tpu.memory_space<vmem>>
        %dma_wait3A_142 = tpu.memref_squeeze %dma_wait3A_141 : memref<1x80xi32, #tpu.memory_space<vmem>> -> memref<80xi32, #tpu.memory_space<vmem>>
        %dma_wait3A_143 = arith.constant 0 : i32
        %dma_wait3A_144 = arith.constant 0 : i32
        %dma_wait3A_145 = tpu.memref_slice %arg10[%dma_wait3A_143, %dma_wait3A_144] : memref<10000x128xf32, #tpu.memory_space<vmem_shared>> -> memref<10000x128xf32, #tpu.memory_space<vmem_shared>>
        tpu.wait_indirect_dma semaphore(%run_scoped3A_133 : memref<!tpu.dma_semaphore, #tpu.memory_space<semaphore_mem>>) src(%arg8 : memref<80x128xf32, #tpu.memory_space<vmem>>) dst(%dma_wait3A_145 : memref<10000x128xf32, #tpu.memory_space<vmem_shared>>)
        tpu.yield
      }) : () -> ()
      %mul3A_115 = arith.constant 2 : i32
      %mul3A_116 = arith.muli %mul3A_115, %scan3A_96 : i32
      %add3A_117 = arith.constant 1 : i32
      %add3A_118 = arith.addi %mul3A_116, %add3A_117 : i32
      %add3A_119 = arith.constant 1 : i32
      %add3A_120 = arith.addi %add3A_118, %add3A_119 : i32
      %mul3A_121 = arith.constant 80 : i32
      %mul3A_122 = arith.muli %add3A_120, %mul3A_121 : i32
      %dma_start3A_123 = tpu.memref_slice %arg6[%mul3A_122] : memref<10000xi32, #tpu.memory_space<vmem>> -> memref<80xi32, #tpu.memory_space<vmem>>
      %dma_start3A_124 = arith.constant 0 : i32
      %dma_start3A_125 = arith.constant 0 : i32
      %dma_start3A_126 = tpu.memref_slice %arg2[%dma_start3A_124, %dma_start3A_125] : memref<20000x128xf32, #tpu.memory_space<hbm>> -> memref<20000x128xf32, #tpu.memory_space<hbm>>
      tpu.enqueue_indirect_dma source(%dma_start3A_126 : memref<20000x128xf32, #tpu.memory_space<hbm>>) target(%arg8 : memref<80x128xf32, #tpu.memory_space<vmem>>) offsets(%dma_start3A_123 : memref<80xi32, #tpu.memory_space<vmem>>) semaphore(%arg11 : memref<!tpu.dma_semaphore, #tpu.memory_space<semaphore_mem>>)
      %mul3A_127 = arith.constant 80 : i32
      %mul3A_128 = arith.muli %add3A_118, %mul3A_127 : i32
      %dma_wait3A_129 = tpu.memref_slice %arg6[%mul3A_128] : memref<10000xi32, #tpu.memory_space<vmem>> -> memref<80xi32, #tpu.memory_space<vmem>>
      %dma_wait3A_130 = arith.constant 0 : i32
      %dma_wait3A_131 = arith.constant 0 : i32
      %dma_wait3A_132 = tpu.memref_slice %arg2[%dma_wait3A_130, %dma_wait3A_131] : memref<20000x128xf32, #tpu.memory_space<hbm>> -> memref<20000x128xf32, #tpu.memory_space<hbm>>
      tpu.wait_indirect_dma semaphore(%arg12 : memref<!tpu.dma_semaphore, #tpu.memory_space<semaphore_mem>>) src(%dma_wait3A_132 : memref<20000x128xf32, #tpu.memory_space<hbm>>) dst(%arg9 : memref<80x128xf32, #tpu.memory_space<vmem>>)
      "tpu.region"() ({
        %run_scoped3A_133 = tpu.sem_alloc : memref<!tpu.dma_semaphore, #tpu.memory_space<semaphore_mem>>
        %dma_start3A_134 = arith.constant 0 : i32
        %dma_start3A_135 = tpu.memref_slice %arg7[%add3A_118, %dma_start3A_134] : memref<128x80xi32, #tpu.memory_space<vmem>> -> memref<1x80xi32, #tpu.memory_space<vmem>>
        %dma_start3A_136 = tpu.memref_squeeze %dma_start3A_135 : memref<1x80xi32, #tpu.memory_space<vmem>> -> memref<80xi32, #tpu.memory_space<vmem>>
        %dma_start3A_137 = arith.constant 0 : i32
        %dma_start3A_138 = arith.constant 0 : i32
        %dma_start3A_139 = tpu.memref_slice %arg10[%dma_start3A_137, %dma_start3A_138] : memref<10000x128xf32, #tpu.memory_space<vmem_shared>> -> memref<10000x128xf32, #tpu.memory_space<vmem_shared>>
        tpu.enqueue_indirect_dma source(%arg9 : memref<80x128xf32, #tpu.memory_space<vmem>>) target(%dma_start3A_139 : memref<10000x128xf32, #tpu.memory_space<vmem_shared>>) offsets(%dma_start3A_136 : memref<80xi32, #tpu.memory_space<vmem>>) semaphore(%run_scoped3A_133 : memref<!tpu.dma_semaphore, #tpu.memory_space<semaphore_mem>>) {add = true}
        %dma_wait3A_140 = arith.constant 0 : i32
        %dma_wait3A_141 = tpu.memref_slice %arg7[%add3A_118, %dma_wait3A_140] : memref<128x80xi32, #tpu.memory_space<vmem>> -> memref<1x80xi32, #tpu.memory_space<vmem>>
        %dma_wait3A_142 = tpu.memref_squeeze %dma_wait3A_141 : memref<1x80xi32, #tpu.memory_space<vmem>> -> memref<80xi32, #tpu.memory_space<vmem>>
        %dma_wait3A_143 = arith.constant 0 : i32
        %dma_wait3A_144 = arith.constant 0 : i32
        %dma_wait3A_145 = tpu.memref_slice %arg10[%dma_wait3A_143, %dma_wait3A_144] : memref<10000x128xf32, #tpu.memory_space<vmem_shared>> -> memref<10000x128xf32, #tpu.memory_space<vmem_shared>>
        tpu.wait_indirect_dma semaphore(%run_scoped3A_133 : memref<!tpu.dma_semaphore, #tpu.memory_space<semaphore_mem>>) src(%arg9 : memref<80x128xf32, #tpu.memory_space<vmem>>) dst(%dma_wait3A_145 : memref<10000x128xf32, #tpu.memory_space<vmem_shared>>)
        tpu.yield
      }) : () -> ()
    }
    %scan3A_50 = arith.constant 62 : i32
    %dma_wait3A = arith.constant 9920 : i32
    %dma_wait3A_51 = tpu.memref_slice %arg6[%dma_wait3A] : memref<10000xi32, #tpu.memory_space<vmem>> -> memref<80xi32, #tpu.memory_space<vmem>>
    %dma_wait3A_52 = arith.constant 0 : i32
    %dma_wait3A_53 = arith.constant 0 : i32
    %dma_wait3A_54 = tpu.memref_slice %arg2[%dma_wait3A_52, %dma_wait3A_53] : memref<20000x128xf32, #tpu.memory_space<hbm>> -> memref<20000x128xf32, #tpu.memory_space<hbm>>
    tpu.wait_indirect_dma semaphore(%arg11 : memref<!tpu.dma_semaphore, #tpu.memory_space<semaphore_mem>>) src(%dma_wait3A_54 : memref<20000x128xf32, #tpu.memory_space<hbm>>) dst(%arg8 : memref<80x128xf32, #tpu.memory_space<vmem>>)
    %run_scoped3A = arith.constant 124 : i32
    "tpu.region"() ({
      %run_scoped3A_96 = tpu.sem_alloc : memref<!tpu.dma_semaphore, #tpu.memory_space<semaphore_mem>>
      %dma_start3A_97 = arith.constant 0 : i32
      %dma_start3A_98 = tpu.memref_slice %arg7[%run_scoped3A, %dma_start3A_97] : memref<128x80xi32, #tpu.memory_space<vmem>> -> memref<1x80xi32, #tpu.memory_space<vmem>>
      %dma_start3A_99 = tpu.memref_squeeze %dma_start3A_98 : memref<1x80xi32, #tpu.memory_space<vmem>> -> memref<80xi32, #tpu.memory_space<vmem>>
      %dma_start3A_100 = arith.constant 0 : i32
      %dma_start3A_101 = arith.constant 0 : i32
      %dma_start3A_102 = tpu.memref_slice %arg10[%dma_start3A_100, %dma_start3A_101] : memref<10000x128xf32, #tpu.memory_space<vmem_shared>> -> memref<10000x128xf32, #tpu.memory_space<vmem_shared>>
      tpu.enqueue_indirect_dma source(%arg8 : memref<80x128xf32, #tpu.memory_space<vmem>>) target(%dma_start3A_102 : memref<10000x128xf32, #tpu.memory_space<vmem_shared>>) offsets(%dma_start3A_99 : memref<80xi32, #tpu.memory_space<vmem>>) semaphore(%run_scoped3A_96 : memref<!tpu.dma_semaphore, #tpu.memory_space<semaphore_mem>>) {add = true}
      %dma_wait3A_103 = arith.constant 0 : i32
      %dma_wait3A_104 = tpu.memref_slice %arg7[%run_scoped3A, %dma_wait3A_103] : memref<128x80xi32, #tpu.memory_space<vmem>> -> memref<1x80xi32, #tpu.memory_space<vmem>>
      %dma_wait3A_105 = tpu.memref_squeeze %dma_wait3A_104 : memref<1x80xi32, #tpu.memory_space<vmem>> -> memref<80xi32, #tpu.memory_space<vmem>>
      %dma_wait3A_106 = arith.constant 0 : i32
      %dma_wait3A_107 = arith.constant 0 : i32
      %dma_wait3A_108 = tpu.memref_slice %arg10[%dma_wait3A_106, %dma_wait3A_107] : memref<10000x128xf32, #tpu.memory_space<vmem_shared>> -> memref<10000x128xf32, #tpu.memory_space<vmem_shared>>
      tpu.wait_indirect_dma semaphore(%run_scoped3A_96 : memref<!tpu.dma_semaphore, #tpu.memory_space<semaphore_mem>>) src(%arg8 : memref<80x128xf32, #tpu.memory_space<vmem>>) dst(%dma_wait3A_108 : memref<10000x128xf32, #tpu.memory_space<vmem_shared>>)
      tpu.yield
    }) : () -> ()
    %barrier3A_55 = arith.constant 0 : index
    tpu.barrier barrier_id(%barrier3A_55)
    %mul3A_56 = arith.constant 640 : i32
    %mul3A_57 = arith.muli %arg1, %mul3A_56 : i32
    %sub3A_58 = arith.constant 10000 : i32
    %sub3A_59 = arith.subi %sub3A_58, %mul3A_57 : i32
    %jit3A_60 = arith.constant 80 : i32
    %div3A_61 = arith.divsi %sub3A_59, %jit3A_60 : i32
    %sign3A_62 = arith.constant 0 : i32
    %sign3A_63 = arith.cmpi sgt, %sub3A_59, %sign3A_62 : i32
    %sign3A_64 = arith.extui %sign3A_63 : i1 to i32
    %sign3A_65 = arith.constant 0 : i32
    %sign3A_66 = arith.cmpi slt, %sub3A_59, %sign3A_65 : i32
    %sign3A_67 = arith.extui %sign3A_66 : i1 to i32
    %sign3A_68 = arith.subi %sign3A_64, %sign3A_67 : i32
    %sign3A_69 = arith.constant 0 : i32
    %sign3A_70 = arith.cmpi sgt, %jit3A_60, %sign3A_69 : i32
    %sign3A_71 = arith.extui %sign3A_70 : i1 to i32
    %sign3A_72 = arith.constant 0 : i32
    %sign3A_73 = arith.cmpi slt, %jit3A_60, %sign3A_72 : i32
    %sign3A_74 = arith.extui %sign3A_73 : i1 to i32
    %sign3A_75 = arith.subi %sign3A_71, %sign3A_74 : i32
    %ne3A_76 = arith.cmpi ne, %sign3A_68, %sign3A_75 : i32
    %rem3A_77 = arith.remsi %sub3A_59, %jit3A_60 : i32
    %ne3A_78 = arith.constant 0 : i32
    %ne3A_79 = arith.cmpi ne, %rem3A_77, %ne3A_78 : i32
    %and3A_80 = arith.andi %ne3A_76, %ne3A_79 : i1
    %sub3A_81 = arith.constant 1 : i32
    %sub3A_82 = arith.subi %div3A_61, %sub3A_81 : i32
    %select_n3A_83 = arith.select %and3A_80, %sub3A_82, %div3A_61 : i32
    %min3A_84 = arith.constant 8 : i32
    %min3A_85 = arith.minsi %select_n3A_83, %min3A_84 : i32
    %while3A_86 = arith.constant 0 : i32
    %while3A_87 = arith.constant 0 : i32
    %while3A_88 = arith.subi %min3A_85, %while3A_87 : i32
    %while3A_89 = arith.addi %while3A_87, %while3A_88 : i32
    %while3A_90 = arith.constant 1 : i32
    %while3A_91 = arith.divsi %while3A_88, %while3A_90 : i32
    %while3A_92 = arith.muli %while3A_91, %while3A_90 : i32
    %while3A_93 = arith.addi %while3A_87, %while3A_92 : i32
    %while3A_94 = arith.constant 1 : i32
    scf.for %while3A_96 = %while3A_87 to %while3A_93 step %while3A_94  : i32 {
      %mul3A_97 = arith.constant 80 : i32
      %mul3A_98 = arith.muli %while3A_96, %mul3A_97 : i32
      %add3A_99 = arith.addi %mul3A_57, %mul3A_98 : i32
      "tpu.region"() ({
        %run_scoped3A_103 = tpu.sem_alloc : memref<!tpu.dma_semaphore, #tpu.memory_space<semaphore_mem>>
        %dma_start3A_104 = arith.constant 0 : i32
        %dma_start3A_105 = tpu.memref_slice %arg10[%add3A_99, %dma_start3A_104] : memref<10000x128xf32, #tpu.memory_space<vmem_shared>> -> memref<80x128xf32, #tpu.memory_space<vmem_shared>>
        %dma_start3A_106 = arith.constant 0 : i32
        %dma_start3A_107 = tpu.memref_slice %arg10[%add3A_99, %dma_start3A_106] : memref<10000x128xf32, #tpu.memory_space<vmem_shared>> -> memref<80x128xf32, #tpu.memory_space<vmem_shared>>
        tpu.enqueue_dma source(%dma_start3A_107 : memref<80x128xf32, #tpu.memory_space<vmem_shared>>) target(%arg8 : memref<80x128xf32, #tpu.memory_space<vmem>>) target_semaphore(%run_scoped3A_103 : memref<!tpu.dma_semaphore, #tpu.memory_space<semaphore_mem>>)
        %dma_wait3A_108 = arith.constant 0 : i32
        %dma_wait3A_109 = tpu.memref_slice %arg10[%add3A_99, %dma_wait3A_108] : memref<10000x128xf32, #tpu.memory_space<vmem_shared>> -> memref<80x128xf32, #tpu.memory_space<vmem_shared>>
        %dma_wait3A_110 = arith.constant 0 : i32
        %dma_wait3A_111 = tpu.memref_slice %arg10[%add3A_99, %dma_wait3A_110] : memref<10000x128xf32, #tpu.memory_space<vmem_shared>> -> memref<80x128xf32, #tpu.memory_space<vmem_shared>>
        tpu.wait_dma2 semaphore(%run_scoped3A_103 : memref<!tpu.dma_semaphore, #tpu.memory_space<semaphore_mem>>) src(%dma_wait3A_111 : memref<80x128xf32, #tpu.memory_space<vmem_shared>>) dst(%arg8 : memref<80x128xf32, #tpu.memory_space<vmem>>)
        tpu.yield
      }) : () -> ()
      %mul3A_100 = arith.constant 10000 : i32
      %mul3A_101 = arith.muli %arg0, %mul3A_100 : i32
      %add3A_102 = arith.addi %mul3A_101, %add3A_99 : i32
      "tpu.region"() ({
        %run_scoped3A_103 = tpu.sem_alloc : memref<!tpu.dma_semaphore, #tpu.memory_space<semaphore_mem>>
        %dma_start3A_104 = arith.constant 0 : i32
        %dma_start3A_105 = tpu.memref_slice %arg5[%add3A_102, %dma_start3A_104] : memref<20000x128xf32, #tpu.memory_space<hbm>> -> memref<80x128xf32, #tpu.memory_space<hbm>>
        %dma_start3A_106 = arith.constant 0 : i32
        %dma_start3A_107 = tpu.memref_slice %arg5[%add3A_102, %dma_start3A_106] : memref<20000x128xf32, #tpu.memory_space<hbm>> -> memref<80x128xf32, #tpu.memory_space<hbm>>
        tpu.enqueue_dma source(%arg8 : memref<80x128xf32, #tpu.memory_space<vmem>>) target(%dma_start3A_107 : memref<80x128xf32, #tpu.memory_space<hbm>>) target_semaphore(%run_scoped3A_103 : memref<!tpu.dma_semaphore, #tpu.memory_space<semaphore_mem>>)
        %dma_wait3A_108 = arith.constant 0 : i32
        %dma_wait3A_109 = tpu.memref_slice %arg5[%add3A_102, %dma_wait3A_108] : memref<20000x128xf32, #tpu.memory_space<hbm>> -> memref<80x128xf32, #tpu.memory_space<hbm>>
        %dma_wait3A_110 = arith.constant 0 : i32
        %dma_wait3A_111 = tpu.memref_slice %arg5[%add3A_102, %dma_wait3A_110] : memref<20000x128xf32, #tpu.memory_space<hbm>> -> memref<80x128xf32, #tpu.memory_space<hbm>>
        tpu.wait_dma2 semaphore(%run_scoped3A_103 : memref<!tpu.dma_semaphore, #tpu.memory_space<semaphore_mem>>) src(%arg8 : memref<80x128xf32, #tpu.memory_space<vmem>>) dst(%dma_wait3A_111 : memref<80x128xf32, #tpu.memory_space<hbm>>)
        tpu.yield
      }) : () -> ()
    }
    %while3A_95 = arith.constant 1 : i32
    scf.for %while3A_96 = %while3A_93 to %while3A_89 step %while3A_95  : i32 {
      %mul3A_97 = arith.constant 80 : i32
      %mul3A_98 = arith.muli %while3A_96, %mul3A_97 : i32
      %add3A_99 = arith.addi %mul3A_57, %mul3A_98 : i32
      "tpu.region"() ({
        %run_scoped3A_103 = tpu.sem_alloc : memref<!tpu.dma_semaphore, #tpu.memory_space<semaphore_mem>>
        %dma_start3A_104 = arith.constant 0 : i32
        %dma_start3A_105 = tpu.memref_slice %arg10[%add3A_99, %dma_start3A_104] : memref<10000x128xf32, #tpu.memory_space<vmem_shared>> -> memref<80x128xf32, #tpu.memory_space<vmem_shared>>
        %dma_start3A_106 = arith.constant 0 : i32
        %dma_start3A_107 = tpu.memref_slice %arg10[%add3A_99, %dma_start3A_106] : memref<10000x128xf32, #tpu.memory_space<vmem_shared>> -> memref<80x128xf32, #tpu.memory_space<vmem_shared>>
        tpu.enqueue_dma source(%dma_start3A_107 : memref<80x128xf32, #tpu.memory_space<vmem_shared>>) target(%arg8 : memref<80x128xf32, #tpu.memory_space<vmem>>) target_semaphore(%run_scoped3A_103 : memref<!tpu.dma_semaphore, #tpu.memory_space<semaphore_mem>>)
        %dma_wait3A_108 = arith.constant 0 : i32
        %dma_wait3A_109 = tpu.memref_slice %arg10[%add3A_99, %dma_wait3A_108] : memref<10000x128xf32, #tpu.memory_space<vmem_shared>> -> memref<80x128xf32, #tpu.memory_space<vmem_shared>>
        %dma_wait3A_110 = arith.constant 0 : i32
        %dma_wait3A_111 = tpu.memref_slice %arg10[%add3A_99, %dma_wait3A_110] : memref<10000x128xf32, #tpu.memory_space<vmem_shared>> -> memref<80x128xf32, #tpu.memory_space<vmem_shared>>
        tpu.wait_dma2 semaphore(%run_scoped3A_103 : memref<!tpu.dma_semaphore, #tpu.memory_space<semaphore_mem>>) src(%dma_wait3A_111 : memref<80x128xf32, #tpu.memory_space<vmem_shared>>) dst(%arg8 : memref<80x128xf32, #tpu.memory_space<vmem>>)
        tpu.yield
      }) : () -> ()
      %mul3A_100 = arith.constant 10000 : i32
      %mul3A_101 = arith.muli %arg0, %mul3A_100 : i32
      %add3A_102 = arith.addi %mul3A_101, %add3A_99 : i32
      "tpu.region"() ({
        %run_scoped3A_103 = tpu.sem_alloc : memref<!tpu.dma_semaphore, #tpu.memory_space<semaphore_mem>>
        %dma_start3A_104 = arith.constant 0 : i32
        %dma_start3A_105 = tpu.memref_slice %arg5[%add3A_102, %dma_start3A_104] : memref<20000x128xf32, #tpu.memory_space<hbm>> -> memref<80x128xf32, #tpu.memory_space<hbm>>
        %dma_start3A_106 = arith.constant 0 : i32
        %dma_start3A_107 = tpu.memref_slice %arg5[%add3A_102, %dma_start3A_106] : memref<20000x128xf32, #tpu.memory_space<hbm>> -> memref<80x128xf32, #tpu.memory_space<hbm>>
        tpu.enqueue_dma source(%arg8 : memref<80x128xf32, #tpu.memory_space<vmem>>) target(%dma_start3A_107 : memref<80x128xf32, #tpu.memory_space<hbm>>) target_semaphore(%run_scoped3A_103 : memref<!tpu.dma_semaphore, #tpu.memory_space<semaphore_mem>>)
        %dma_wait3A_108 = arith.constant 0 : i32
        %dma_wait3A_109 = tpu.memref_slice %arg5[%add3A_102, %dma_wait3A_108] : memref<20000x128xf32, #tpu.memory_space<hbm>> -> memref<80x128xf32, #tpu.memory_space<hbm>>
        %dma_wait3A_110 = arith.constant 0 : i32
        %dma_wait3A_111 = tpu.memref_slice %arg5[%add3A_102, %dma_wait3A_110] : memref<20000x128xf32, #tpu.memory_space<hbm>> -> memref<80x128xf32, #tpu.memory_space<hbm>>
        tpu.wait_dma2 semaphore(%run_scoped3A_103 : memref<!tpu.dma_semaphore, #tpu.memory_space<semaphore_mem>>) src(%arg8 : memref<80x128xf32, #tpu.memory_space<vmem>>) dst(%dma_wait3A_111 : memref<80x128xf32, #tpu.memory_space<hbm>>)
        tpu.yield
      }) : () -> ()
    }
    return
  }
}

#map = affine_map<(d0, d1) -> (0, 0)>
#map1 = affine_map<(d0, d1) -> (0)>
module attributes {stable_mosaic.version = 14 : i64} {
  func.func @_spmm_sc_body(%arg0: i32, %arg1: i32, %arg2: memref<20000x128xf32, #tpu.memory_space<hbm>>, %arg3: memref<320000xi32, #tpu.memory_space<hbm>>, %arg4: memref<2048x80xi32, #tpu.memory_space<hbm>>, %arg5: memref<20000x128xf32, #tpu.memory_space<hbm>>, %arg6: memref<10000xi32, #tpu.memory_space<vmem>>, %arg7: memref<128x80xi32, #tpu.memory_space<vmem>>, %arg8: memref<80x128xf32, #tpu.memory_space<vmem>>, %arg9: memref<80x128xf32, #tpu.memory_space<vmem>>, %arg10: memref<10000x128xf32, #tpu.memory_space<vmem_shared>>, %arg11: memref<!tpu.dma_semaphore, #tpu.memory_space<semaphore_mem>>, %arg12: memref<!tpu.dma_semaphore, #tpu.memory_space<semaphore_mem>>) attributes {dimension_semantics = [#tpu.dimension_semantics<core_parallel>, #tpu.dimension_semantics<subcore_parallel>], iteration_bounds = array<i64: 2, 16>, scalar_prefetch = 0 : i64, scratch_operands = 7 : i64, tpu.core_type = #tpu.core_type<sc_vector_subcore>, window_params = [{transform_indices = #map}, {transform_indices = #map1}, {transform_indices = #map}, {transform_indices = #map}]} {
    %broadcast_in_dim3A = arith.constant 0.000000e+00 : f32
    %broadcast_in_dim3A_0 = vector.broadcast %broadcast_in_dim3A : f32 to vector<16xf32>
    %scan3A = arith.constant 0 : i32
    %scan3A_1 = arith.constant 0 : i32
    %scan3A_2 = arith.constant 80 : i32
    %scan3A_3 = arith.addi %scan3A_1, %scan3A_2 : i32
    %scan3A_4 = arith.constant 1 : i32
    scf.for %scan3A_96 = %scan3A_1 to %scan3A_3 step %scan3A_4  : i32 {
      %swap3A = arith.index_cast %scan3A_96 : i32 to index
      %swap3A_97 = arith.constant 0 : index
      %swap3A_98 = tpu.vector_load %arg8[%swap3A, %swap3A_97] {strides = array<i32>} : memref<80x128xf32, #tpu.memory_space<vmem>>, vector<1x16xf32>,
      %swap3A_99 = vector.shape_cast %swap3A_98 : vector<1x16xf32> to vector<16xf32>
      %swap3A_100 = vector.shape_cast %broadcast_in_dim3A_0 : vector<16xf32> to vector<1x16xf32>
      tpu.vector_store %arg8[%swap3A, %swap3A_97], %swap3A_100 {strides = array<i32>} : memref<80x128xf32, #tpu.memory_space<vmem>>, vector<1x16xf32>,
      %swap3A_101 = arith.index_cast %scan3A_96 : i32 to index
      %swap3A_102 = arith.constant 16 : index
      %swap3A_103 = tpu.vector_load %arg8[%swap3A_101, %swap3A_102] {strides = array<i32>} : memref<80x128xf32, #tpu.memory_space<vmem>>, vector<1x16xf32>,
      %swap3A_104 = vector.shape_cast %swap3A_103 : vector<1x16xf32> to vector<16xf32>
      %swap3A_105 = vector.shape_cast %broadcast_in_dim3A_0 : vector<16xf32> to vector<1x16xf32>
      tpu.vector_store %arg8[%swap3A_101, %swap3A_102], %swap3A_105 {strides = array<i32>} : memref<80x128xf32, #tpu.memory_space<vmem>>, vector<1x16xf32>,
      %swap3A_106 = arith.index_cast %scan3A_96 : i32 to index
      %swap3A_107 = arith.constant 32 : index
      %swap3A_108 = tpu.vector_load %arg8[%swap3A_106, %swap3A_107] {strides = array<i32>} : memref<80x128xf32, #tpu.memory_space<vmem>>, vector<1x16xf32>,
      %swap3A_109 = vector.shape_cast %swap3A_108 : vector<1x16xf32> to vector<16xf32>
      %swap3A_110 = vector.shape_cast %broadcast_in_dim3A_0 : vector<16xf32> to vector<1x16xf32>
      tpu.vector_store %arg8[%swap3A_106, %swap3A_107], %swap3A_110 {strides = array<i32>} : memref<80x128xf32, #tpu.memory_space<vmem>>, vector<1x16xf32>,
      %swap3A_111 = arith.index_cast %scan3A_96 : i32 to index
      %swap3A_112 = arith.constant 48 : index
      %swap3A_113 = tpu.vector_load %arg8[%swap3A_111, %swap3A_112] {strides = array<i32>} : memref<80x128xf32, #tpu.memory_space<vmem>>, vector<1x16xf32>,
      %swap3A_114 = vector.shape_cast %swap3A_113 : vector<1x16xf32> to vector<16xf32>
      %swap3A_115 = vector.shape_cast %broadcast_in_dim3A_0 : vector<16xf32> to vector<1x16xf32>
      tpu.vector_store %arg8[%swap3A_111, %swap3A_112], %swap3A_115 {strides = array<i32>} : memref<80x128xf32, #tpu.memory_space<vmem>>, vector<1x16xf32>,
      %swap3A_116 = arith.index_cast %scan3A_96 : i32 to index
      %swap3A_117 = arith.constant 64 : index
      %swap3A_118 = tpu.vector_load %arg8[%swap3A_116, %swap3A_117] {strides = array<i32>} : memref<80x128xf32, #tpu.memory_space<vmem>>, vector<1x16xf32>,
      %swap3A_119 = vector.shape_cast %swap3A_118 : vector<1x16xf32> to vector<16xf32>
      %swap3A_120 = vector.shape_cast %broadcast_in_dim3A_0 : vector<16xf32> to vector<1x16xf32>
      tpu.vector_store %arg8[%swap3A_116, %swap3A_117], %swap3A_120 {strides = array<i32>} : memref<80x128xf32, #tpu.memory_space<vmem>>, vector<1x16xf32>,
      %swap3A_121 = arith.index_cast %scan3A_96 : i32 to index
      %swap3A_122 = arith.constant 80 : index
      %swap3A_123 = tpu.vector_load %arg8[%swap3A_121, %swap3A_122] {strides = array<i32>} : memref<80x128xf32, #tpu.memory_space<vmem>>, vector<1x16xf32>,
      %swap3A_124 = vector.shape_cast %swap3A_123 : vector<1x16xf32> to vector<16xf32>
      %swap3A_125 = vector.shape_cast %broadcast_in_dim3A_0 : vector<16xf32> to vector<1x16xf32>
      tpu.vector_store %arg8[%swap3A_121, %swap3A_122], %swap3A_125 {strides = array<i32>} : memref<80x128xf32, #tpu.memory_space<vmem>>, vector<1x16xf32>,
      %swap3A_126 = arith.index_cast %scan3A_96 : i32 to index
      %swap3A_127 = arith.constant 96 : index
      %swap3A_128 = tpu.vector_load %arg8[%swap3A_126, %swap3A_127] {strides = array<i32>} : memref<80x128xf32, #tpu.memory_space<vmem>>, vector<1x16xf32>,
      %swap3A_129 = vector.shape_cast %swap3A_128 : vector<1x16xf32> to vector<16xf32>
      %swap3A_130 = vector.shape_cast %broadcast_in_dim3A_0 : vector<16xf32> to vector<1x16xf32>
      tpu.vector_store %arg8[%swap3A_126, %swap3A_127], %swap3A_130 {strides = array<i32>} : memref<80x128xf32, #tpu.memory_space<vmem>>, vector<1x16xf32>,
      %swap3A_131 = arith.index_cast %scan3A_96 : i32 to index
      %swap3A_132 = arith.constant 112 : index
      %swap3A_133 = tpu.vector_load %arg8[%swap3A_131, %swap3A_132] {strides = array<i32>} : memref<80x128xf32, #tpu.memory_space<vmem>>, vector<1x16xf32>,
      %swap3A_134 = vector.shape_cast %swap3A_133 : vector<1x16xf32> to vector<16xf32>
      %swap3A_135 = vector.shape_cast %broadcast_in_dim3A_0 : vector<16xf32> to vector<1x16xf32>
      tpu.vector_store %arg8[%swap3A_131, %swap3A_132], %swap3A_135 {strides = array<i32>} : memref<80x128xf32, #tpu.memory_space<vmem>>, vector<1x16xf32>,
    }
    %scan3A_5 = arith.constant 80 : i32
    %mul3A = arith.constant 640 : i32
    %mul3A_6 = arith.muli %arg1, %mul3A : i32
    %sub3A = arith.constant 10000 : i32
    %sub3A_7 = arith.subi %sub3A, %mul3A_6 : i32
    %jit3A = arith.constant 80 : i32
    %div3A = arith.divsi %sub3A_7, %jit3A : i32
    %sign3A = arith.constant 0 : i32
    %sign3A_8 = arith.cmpi sgt, %sub3A_7, %sign3A : i32
    %sign3A_9 = arith.extui %sign3A_8 : i1 to i32
    %sign3A_10 = arith.constant 0 : i32
    %sign3A_11 = arith.cmpi slt, %sub3A_7, %sign3A_10 : i32
    %sign3A_12 = arith.extui %sign3A_11 : i1 to i32
    %sign3A_13 = arith.subi %sign3A_9, %sign3A_12 : i32
    %sign3A_14 = arith.constant 0 : i32
    %sign3A_15 = arith.cmpi sgt, %jit3A, %sign3A_14 : i32
    %sign3A_16 = arith.extui %sign3A_15 : i1 to i32
    %sign3A_17 = arith.constant 0 : i32
    %sign3A_18 = arith.cmpi slt, %jit3A, %sign3A_17 : i32
    %sign3A_19 = arith.extui %sign3A_18 : i1 to i32
    %sign3A_20 = arith.subi %sign3A_16, %sign3A_19 : i32
    %ne3A = arith.cmpi ne, %sign3A_13, %sign3A_20 : i32
    %rem3A = arith.remsi %sub3A_7, %jit3A : i32
    %ne3A_21 = arith.constant 0 : i32
    %ne3A_22 = arith.cmpi ne, %rem3A, %ne3A_21 : i32
    %and3A = arith.andi %ne3A, %ne3A_22 : i1
    %sub3A_23 = arith.constant 1 : i32
    %sub3A_24 = arith.subi %div3A, %sub3A_23 : i32
    %select_n3A = arith.select %and3A, %sub3A_24, %div3A : i32
    %min3A = arith.constant 8 : i32
    %min3A_25 = arith.minsi %select_n3A, %min3A : i32
    %while3A = arith.constant 0 : i32
    %while3A_26 = arith.constant 0 : i32
    %while3A_27 = arith.subi %min3A_25, %while3A_26 : i32
    %while3A_28 = arith.addi %while3A_26, %while3A_27 : i32
    %while3A_29 = arith.constant 1 : i32
    %while3A_30 = arith.divsi %while3A_27, %while3A_29 : i32
    %while3A_31 = arith.muli %while3A_30, %while3A_29 : i32
    %while3A_32 = arith.addi %while3A_26, %while3A_31 : i32
    %while3A_33 = arith.constant 1 : i32
    scf.for %while3A_96 = %while3A_26 to %while3A_32 step %while3A_33  : i32 {
      %mul3A_97 = arith.constant 80 : i32
      %mul3A_98 = arith.muli %while3A_96, %mul3A_97 : i32
      %add3A_99 = arith.addi %mul3A_6, %mul3A_98 : i32
      "tpu.region"() ({
        %run_scoped3A_100 = tpu.sem_alloc : memref<!tpu.dma_semaphore, #tpu.memory_space<semaphore_mem>>
        %dma_start3A_101 = arith.constant 0 : i32
        %dma_start3A_102 = tpu.memref_slice %arg10[%add3A_99, %dma_start3A_101] : memref<10000x128xf32, #tpu.memory_space<vmem_shared>> -> memref<80x128xf32, #tpu.memory_space<vmem_shared>>
        %dma_start3A_103 = arith.constant 0 : i32
        %dma_start3A_104 = tpu.memref_slice %arg10[%add3A_99, %dma_start3A_103] : memref<10000x128xf32, #tpu.memory_space<vmem_shared>> -> memref<80x128xf32, #tpu.memory_space<vmem_shared>>
        tpu.enqueue_dma source(%arg8 : memref<80x128xf32, #tpu.memory_space<vmem>>) target(%dma_start3A_104 : memref<80x128xf32, #tpu.memory_space<vmem_shared>>) target_semaphore(%run_scoped3A_100 : memref<!tpu.dma_semaphore, #tpu.memory_space<semaphore_mem>>)
        %dma_wait3A_105 = arith.constant 0 : i32
        %dma_wait3A_106 = tpu.memref_slice %arg10[%add3A_99, %dma_wait3A_105] : memref<10000x128xf32, #tpu.memory_space<vmem_shared>> -> memref<80x128xf32, #tpu.memory_space<vmem_shared>>
        %dma_wait3A_107 = arith.constant 0 : i32
        %dma_wait3A_108 = tpu.memref_slice %arg10[%add3A_99, %dma_wait3A_107] : memref<10000x128xf32, #tpu.memory_space<vmem_shared>> -> memref<80x128xf32, #tpu.memory_space<vmem_shared>>
        tpu.wait_dma2 semaphore(%run_scoped3A_100 : memref<!tpu.dma_semaphore, #tpu.memory_space<semaphore_mem>>) src(%arg8 : memref<80x128xf32, #tpu.memory_space<vmem>>) dst(%dma_wait3A_108 : memref<80x128xf32, #tpu.memory_space<vmem_shared>>)
        tpu.yield
      }) : () -> ()
    }
    %while3A_34 = arith.constant 1 : i32
    scf.for %while3A_96 = %while3A_32 to %while3A_28 step %while3A_34  : i32 {
      %mul3A_97 = arith.constant 80 : i32
      %mul3A_98 = arith.muli %while3A_96, %mul3A_97 : i32
      %add3A_99 = arith.addi %mul3A_6, %mul3A_98 : i32
      "tpu.region"() ({
        %run_scoped3A_100 = tpu.sem_alloc : memref<!tpu.dma_semaphore, #tpu.memory_space<semaphore_mem>>
        %dma_start3A_101 = arith.constant 0 : i32
        %dma_start3A_102 = tpu.memref_slice %arg10[%add3A_99, %dma_start3A_101] : memref<10000x128xf32, #tpu.memory_space<vmem_shared>> -> memref<80x128xf32, #tpu.memory_space<vmem_shared>>
        %dma_start3A_103 = arith.constant 0 : i32
        %dma_start3A_104 = tpu.memref_slice %arg10[%add3A_99, %dma_start3A_103] : memref<10000x128xf32, #tpu.memory_space<vmem_shared>> -> memref<80x128xf32, #tpu.memory_space<vmem_shared>>
        tpu.enqueue_dma source(%arg8 : memref<80x128xf32, #tpu.memory_space<vmem>>) target(%dma_start3A_104 : memref<80x128xf32, #tpu.memory_space<vmem_shared>>) target_semaphore(%run_scoped3A_100 : memref<!tpu.dma_semaphore, #tpu.memory_space<semaphore_mem>>)
        %dma_wait3A_105 = arith.constant 0 : i32
        %dma_wait3A_106 = tpu.memref_slice %arg10[%add3A_99, %dma_wait3A_105] : memref<10000x128xf32, #tpu.memory_space<vmem_shared>> -> memref<80x128xf32, #tpu.memory_space<vmem_shared>>
        %dma_wait3A_107 = arith.constant 0 : i32
        %dma_wait3A_108 = tpu.memref_slice %arg10[%add3A_99, %dma_wait3A_107] : memref<10000x128xf32, #tpu.memory_space<vmem_shared>> -> memref<80x128xf32, #tpu.memory_space<vmem_shared>>
        tpu.wait_dma2 semaphore(%run_scoped3A_100 : memref<!tpu.dma_semaphore, #tpu.memory_space<semaphore_mem>>) src(%arg8 : memref<80x128xf32, #tpu.memory_space<vmem>>) dst(%dma_wait3A_108 : memref<80x128xf32, #tpu.memory_space<vmem_shared>>)
        tpu.yield
      }) : () -> ()
    }
    %mul3A_35 = arith.constant 160000 : i32
    %mul3A_36 = arith.muli %arg0, %mul3A_35 : i32
    %mul3A_37 = arith.constant 10000 : i32
    %mul3A_38 = arith.muli %arg1, %mul3A_37 : i32
    %add3A = arith.addi %mul3A_36, %mul3A_38 : i32
    "tpu.region"() ({
      %run_scoped3A_96 = tpu.sem_alloc : memref<!tpu.dma_semaphore, #tpu.memory_space<semaphore_mem>>
      %dma_start3A_97 = tpu.memref_slice %arg3[%add3A] : memref<320000xi32, #tpu.memory_space<hbm>> -> memref<10000xi32, #tpu.memory_space<hbm>>
      %dma_start3A_98 = tpu.memref_slice %arg3[%add3A] : memref<320000xi32, #tpu.memory_space<hbm>> -> memref<10000xi32, #tpu.memory_space<hbm>>
      tpu.enqueue_dma source(%dma_start3A_98 : memref<10000xi32, #tpu.memory_space<hbm>>) target(%arg6 : memref<10000xi32, #tpu.memory_space<vmem>>) target_semaphore(%run_scoped3A_96 : memref<!tpu.dma_semaphore, #tpu.memory_space<semaphore_mem>>)
      %dma_wait3A_99 = tpu.memref_slice %arg3[%add3A] : memref<320000xi32, #tpu.memory_space<hbm>> -> memref<10000xi32, #tpu.memory_space<hbm>>
      %dma_wait3A_100 = tpu.memref_slice %arg3[%add3A] : memref<320000xi32, #tpu.memory_space<hbm>> -> memref<10000xi32, #tpu.memory_space<hbm>>
      tpu.wait_dma2 semaphore(%run_scoped3A_96 : memref<!tpu.dma_semaphore, #tpu.memory_space<semaphore_mem>>) src(%dma_wait3A_100 : memref<10000xi32, #tpu.memory_space<hbm>>) dst(%arg6 : memref<10000xi32, #tpu.memory_space<vmem>>)
      tpu.yield
    }) : () -> ()
    %mul3A_39 = arith.constant 128 : i32
    %mul3A_40 = arith.muli %arg1, %mul3A_39 : i32
    "tpu.region"() ({
      %run_scoped3A_96 = tpu.sem_alloc : memref<!tpu.dma_semaphore, #tpu.memory_space<semaphore_mem>>
      %dma_start3A_97 = arith.constant 0 : i32
      %dma_start3A_98 = tpu.memref_slice %arg4[%mul3A_40, %dma_start3A_97] : memref<2048x80xi32, #tpu.memory_space<hbm>> -> memref<128x80xi32, #tpu.memory_space<hbm>>
      %dma_start3A_99 = arith.constant 0 : i32
      %dma_start3A_100 = tpu.memref_slice %arg4[%mul3A_40, %dma_start3A_99] : memref<2048x80xi32, #tpu.memory_space<hbm>> -> memref<128x80xi32, #tpu.memory_space<hbm>>
      tpu.enqueue_dma source(%dma_start3A_100 : memref<128x80xi32, #tpu.memory_space<hbm>>) target(%arg7 : memref<128x80xi32, #tpu.memory_space<vmem>>) target_semaphore(%run_scoped3A_96 : memref<!tpu.dma_semaphore, #tpu.memory_space<semaphore_mem>>)
      %dma_wait3A_101 = arith.constant 0 : i32
      %dma_wait3A_102 = tpu.memref_slice %arg4[%mul3A_40, %dma_wait3A_101] : memref<2048x80xi32, #tpu.memory_space<hbm>> -> memref<128x80xi32, #tpu.memory_space<hbm>>
      %dma_wait3A_103 = arith.constant 0 : i32
      %dma_wait3A_104 = tpu.memref_slice %arg4[%mul3A_40, %dma_wait3A_103] : memref<2048x80xi32, #tpu.memory_space<hbm>> -> memref<128x80xi32, #tpu.memory_space<hbm>>
      tpu.wait_dma2 semaphore(%run_scoped3A_96 : memref<!tpu.dma_semaphore, #tpu.memory_space<semaphore_mem>>) src(%dma_wait3A_104 : memref<128x80xi32, #tpu.memory_space<hbm>>) dst(%arg7 : memref<128x80xi32, #tpu.memory_space<vmem>>)
      tpu.yield
    }) : () -> ()
    %barrier3A = arith.constant 0 : index
    tpu.barrier barrier_id(%barrier3A)
    %dma_start3A = arith.constant 0 : i32
    %dma_start3A_41 = tpu.memref_slice %arg6[%dma_start3A] : memref<10000xi32, #tpu.memory_space<vmem>> -> memref<80xi32, #tpu.memory_space<vmem>>
    %dma_start3A_42 = arith.constant 0 : i32
    %dma_start3A_43 = arith.constant 0 : i32
    %dma_start3A_44 = tpu.memref_slice %arg2[%dma_start3A_42, %dma_start3A_43] : memref<20000x128xf32, #tpu.memory_space<hbm>> -> memref<20000x128xf32, #tpu.memory_space<hbm>>
    tpu.enqueue_indirect_dma source(%dma_start3A_44 : memref<20000x128xf32, #tpu.memory_space<hbm>>) target(%arg8 : memref<80x128xf32, #tpu.memory_space<vmem>>) offsets(%dma_start3A_41 : memref<80xi32, #tpu.memory_space<vmem>>) semaphore(%arg11 : memref<!tpu.dma_semaphore, #tpu.memory_space<semaphore_mem>>)
    %scan3A_45 = arith.constant 0 : i32
    %scan3A_46 = arith.constant 0 : i32
    %scan3A_47 = arith.constant 62 : i32
    %scan3A_48 = arith.addi %scan3A_46, %scan3A_47 : i32
    %scan3A_49 = arith.constant 1 : i32
    scf.for %scan3A_96 = %scan3A_46 to %scan3A_48 step %scan3A_49  : i32 {
      %mul3A_97 = arith.constant 2 : i32
      %mul3A_98 = arith.muli %mul3A_97, %scan3A_96 : i32
      %add3A_99 = arith.constant 0 : i32
      %add3A_100 = arith.addi %mul3A_98, %add3A_99 : i32
      %add3A_101 = arith.constant 1 : i32
      %add3A_102 = arith.addi %add3A_100, %add3A_101 : i32
      %mul3A_103 = arith.constant 80 : i32
      %mul3A_104 = arith.muli %add3A_102, %mul3A_103 : i32
      %dma_start3A_105 = tpu.memref_slice %arg6[%mul3A_104] : memref<10000xi32, #tpu.memory_space<vmem>> -> memref<80xi32, #tpu.memory_space<vmem>>
      %dma_start3A_106 = arith.constant 0 : i32
      %dma_start3A_107 = arith.constant 0 : i32
      %dma_start3A_108 = tpu.memref_slice %arg2[%dma_start3A_106, %dma_start3A_107] : memref<20000x128xf32, #tpu.memory_space<hbm>> -> memref<20000x128xf32, #tpu.memory_space<hbm>>
      tpu.enqueue_indirect_dma source(%dma_start3A_108 : memref<20000x128xf32, #tpu.memory_space<hbm>>) target(%arg9 : memref<80x128xf32, #tpu.memory_space<vmem>>) offsets(%dma_start3A_105 : memref<80xi32, #tpu.memory_space<vmem>>) semaphore(%arg12 : memref<!tpu.dma_semaphore, #tpu.memory_space<semaphore_mem>>)
      %mul3A_109 = arith.constant 80 : i32
      %mul3A_110 = arith.muli %add3A_100, %mul3A_109 : i32
      %dma_wait3A_111 = tpu.memref_slice %arg6[%mul3A_110] : memref<10000xi32, #tpu.memory_space<vmem>> -> memref<80xi32, #tpu.memory_space<vmem>>
      %dma_wait3A_112 = arith.constant 0 : i32
      %dma_wait3A_113 = arith.constant 0 : i32
      %dma_wait3A_114 = tpu.memref_slice %arg2[%dma_wait3A_112, %dma_wait3A_113] : memref<20000x128xf32, #tpu.memory_space<hbm>> -> memref<20000x128xf32, #tpu.memory_space<hbm>>
      tpu.wait_indirect_dma semaphore(%arg11 : memref<!tpu.dma_semaphore, #tpu.memory_space<semaphore_mem>>) src(%dma_wait3A_114 : memref<20000x128xf32, #tpu.memory_space<hbm>>) dst(%arg8 : memref<80x128xf32, #tpu.memory_space<vmem>>)
      "tpu.region"() ({
        %run_scoped3A_133 = tpu.sem_alloc : memref<!tpu.dma_semaphore, #tpu.memory_space<semaphore_mem>>
        %dma_start3A_134 = arith.constant 0 : i32
        %dma_start3A_135 = tpu.memref_slice %arg7[%add3A_100, %dma_start3A_134] : memref<128x80xi32, #tpu.memory_space<vmem>> -> memref<1x80xi32, #tpu.memory_space<vmem>>
        %dma_start3A_136 = tpu.memref_squeeze %dma_start3A_135 : memref<1x80xi32, #tpu.memory_space<vmem>> -> memref<80xi32, #tpu.memory_space<vmem>>
        %dma_start3A_137 = arith.constant 0 : i32
        %dma_start3A_138 = arith.constant 0 : i32
        %dma_start3A_139 = tpu.memref_slice %arg10[%dma_start3A_137, %dma_start3A_138] : memref<10000x128xf32, #tpu.memory_space<vmem_shared>> -> memref<10000x128xf32, #tpu.memory_space<vmem_shared>>
        tpu.enqueue_indirect_dma source(%arg8 : memref<80x128xf32, #tpu.memory_space<vmem>>) target(%dma_start3A_139 : memref<10000x128xf32, #tpu.memory_space<vmem_shared>>) offsets(%dma_start3A_136 : memref<80xi32, #tpu.memory_space<vmem>>) semaphore(%run_scoped3A_133 : memref<!tpu.dma_semaphore, #tpu.memory_space<semaphore_mem>>) {add = true}
        %dma_wait3A_140 = arith.constant 0 : i32
        %dma_wait3A_141 = tpu.memref_slice %arg7[%add3A_100, %dma_wait3A_140] : memref<128x80xi32, #tpu.memory_space<vmem>> -> memref<1x80xi32, #tpu.memory_space<vmem>>
        %dma_wait3A_142 = tpu.memref_squeeze %dma_wait3A_141 : memref<1x80xi32, #tpu.memory_space<vmem>> -> memref<80xi32, #tpu.memory_space<vmem>>
        %dma_wait3A_143 = arith.constant 0 : i32
        %dma_wait3A_144 = arith.constant 0 : i32
        %dma_wait3A_145 = tpu.memref_slice %arg10[%dma_wait3A_143, %dma_wait3A_144] : memref<10000x128xf32, #tpu.memory_space<vmem_shared>> -> memref<10000x128xf32, #tpu.memory_space<vmem_shared>>
        tpu.wait_indirect_dma semaphore(%run_scoped3A_133 : memref<!tpu.dma_semaphore, #tpu.memory_space<semaphore_mem>>) src(%arg8 : memref<80x128xf32, #tpu.memory_space<vmem>>) dst(%dma_wait3A_145 : memref<10000x128xf32, #tpu.memory_space<vmem_shared>>)
        tpu.yield
      }) : () -> ()
      %mul3A_115 = arith.constant 2 : i32
      %mul3A_116 = arith.muli %mul3A_115, %scan3A_96 : i32
      %add3A_117 = arith.constant 1 : i32
      %add3A_118 = arith.addi %mul3A_116, %add3A_117 : i32
      %add3A_119 = arith.constant 1 : i32
      %add3A_120 = arith.addi %add3A_118, %add3A_119 : i32
      %mul3A_121 = arith.constant 80 : i32
      %mul3A_122 = arith.muli %add3A_120, %mul3A_121 : i32
      %dma_start3A_123 = tpu.memref_slice %arg6[%mul3A_122] : memref<10000xi32, #tpu.memory_space<vmem>> -> memref<80xi32, #tpu.memory_space<vmem>>
      %dma_start3A_124 = arith.constant 0 : i32
      %dma_start3A_125 = arith.constant 0 : i32
      %dma_start3A_126 = tpu.memref_slice %arg2[%dma_start3A_124, %dma_start3A_125] : memref<20000x128xf32, #tpu.memory_space<hbm>> -> memref<20000x128xf32, #tpu.memory_space<hbm>>
      tpu.enqueue_indirect_dma source(%dma_start3A_126 : memref<20000x128xf32, #tpu.memory_space<hbm>>) target(%arg8 : memref<80x128xf32, #tpu.memory_space<vmem>>) offsets(%dma_start3A_123 : memref<80xi32, #tpu.memory_space<vmem>>) semaphore(%arg11 : memref<!tpu.dma_semaphore, #tpu.memory_space<semaphore_mem>>)
      %mul3A_127 = arith.constant 80 : i32
      %mul3A_128 = arith.muli %add3A_118, %mul3A_127 : i32
      %dma_wait3A_129 = tpu.memref_slice %arg6[%mul3A_128] : memref<10000xi32, #tpu.memory_space<vmem>> -> memref<80xi32, #tpu.memory_space<vmem>>
      %dma_wait3A_130 = arith.constant 0 : i32
      %dma_wait3A_131 = arith.constant 0 : i32
      %dma_wait3A_132 = tpu.memref_slice %arg2[%dma_wait3A_130, %dma_wait3A_131] : memref<20000x128xf32, #tpu.memory_space<hbm>> -> memref<20000x128xf32, #tpu.memory_space<hbm>>
      tpu.wait_indirect_dma semaphore(%arg12 : memref<!tpu.dma_semaphore, #tpu.memory_space<semaphore_mem>>) src(%dma_wait3A_132 : memref<20000x128xf32, #tpu.memory_space<hbm>>) dst(%arg9 : memref<80x128xf32, #tpu.memory_space<vmem>>)
      "tpu.region"() ({
        %run_scoped3A_133 = tpu.sem_alloc : memref<!tpu.dma_semaphore, #tpu.memory_space<semaphore_mem>>
        %dma_start3A_134 = arith.constant 0 : i32
        %dma_start3A_135 = tpu.memref_slice %arg7[%add3A_118, %dma_start3A_134] : memref<128x80xi32, #tpu.memory_space<vmem>> -> memref<1x80xi32, #tpu.memory_space<vmem>>
        %dma_start3A_136 = tpu.memref_squeeze %dma_start3A_135 : memref<1x80xi32, #tpu.memory_space<vmem>> -> memref<80xi32, #tpu.memory_space<vmem>>
        %dma_start3A_137 = arith.constant 0 : i32
        %dma_start3A_138 = arith.constant 0 : i32
        %dma_start3A_139 = tpu.memref_slice %arg10[%dma_start3A_137, %dma_start3A_138] : memref<10000x128xf32, #tpu.memory_space<vmem_shared>> -> memref<10000x128xf32, #tpu.memory_space<vmem_shared>>
        tpu.enqueue_indirect_dma source(%arg9 : memref<80x128xf32, #tpu.memory_space<vmem>>) target(%dma_start3A_139 : memref<10000x128xf32, #tpu.memory_space<vmem_shared>>) offsets(%dma_start3A_136 : memref<80xi32, #tpu.memory_space<vmem>>) semaphore(%run_scoped3A_133 : memref<!tpu.dma_semaphore, #tpu.memory_space<semaphore_mem>>) {add = true}
        %dma_wait3A_140 = arith.constant 0 : i32
        %dma_wait3A_141 = tpu.memref_slice %arg7[%add3A_118, %dma_wait3A_140] : memref<128x80xi32, #tpu.memory_space<vmem>> -> memref<1x80xi32, #tpu.memory_space<vmem>>
        %dma_wait3A_142 = tpu.memref_squeeze %dma_wait3A_141 : memref<1x80xi32, #tpu.memory_space<vmem>> -> memref<80xi32, #tpu.memory_space<vmem>>
        %dma_wait3A_143 = arith.constant 0 : i32
        %dma_wait3A_144 = arith.constant 0 : i32
        %dma_wait3A_145 = tpu.memref_slice %arg10[%dma_wait3A_143, %dma_wait3A_144] : memref<10000x128xf32, #tpu.memory_space<vmem_shared>> -> memref<10000x128xf32, #tpu.memory_space<vmem_shared>>
        tpu.wait_indirect_dma semaphore(%run_scoped3A_133 : memref<!tpu.dma_semaphore, #tpu.memory_space<semaphore_mem>>) src(%arg9 : memref<80x128xf32, #tpu.memory_space<vmem>>) dst(%dma_wait3A_145 : memref<10000x128xf32, #tpu.memory_space<vmem_shared>>)
        tpu.yield
      }) : () -> ()
    }
    %scan3A_50 = arith.constant 62 : i32
    %dma_wait3A = arith.constant 9920 : i32
    %dma_wait3A_51 = tpu.memref_slice %arg6[%dma_wait3A] : memref<10000xi32, #tpu.memory_space<vmem>> -> memref<80xi32, #tpu.memory_space<vmem>>
    %dma_wait3A_52 = arith.constant 0 : i32
    %dma_wait3A_53 = arith.constant 0 : i32
    %dma_wait3A_54 = tpu.memref_slice %arg2[%dma_wait3A_52, %dma_wait3A_53] : memref<20000x128xf32, #tpu.memory_space<hbm>> -> memref<20000x128xf32, #tpu.memory_space<hbm>>
    tpu.wait_indirect_dma semaphore(%arg11 : memref<!tpu.dma_semaphore, #tpu.memory_space<semaphore_mem>>) src(%dma_wait3A_54 : memref<20000x128xf32, #tpu.memory_space<hbm>>) dst(%arg8 : memref<80x128xf32, #tpu.memory_space<vmem>>)
    %run_scoped3A = arith.constant 124 : i32
    "tpu.region"() ({
      %run_scoped3A_96 = tpu.sem_alloc : memref<!tpu.dma_semaphore, #tpu.memory_space<semaphore_mem>>
      %dma_start3A_97 = arith.constant 0 : i32
      %dma_start3A_98 = tpu.memref_slice %arg7[%run_scoped3A, %dma_start3A_97] : memref<128x80xi32, #tpu.memory_space<vmem>> -> memref<1x80xi32, #tpu.memory_space<vmem>>
      %dma_start3A_99 = tpu.memref_squeeze %dma_start3A_98 : memref<1x80xi32, #tpu.memory_space<vmem>> -> memref<80xi32, #tpu.memory_space<vmem>>
      %dma_start3A_100 = arith.constant 0 : i32
      %dma_start3A_101 = arith.constant 0 : i32
      %dma_start3A_102 = tpu.memref_slice %arg10[%dma_start3A_100, %dma_start3A_101] : memref<10000x128xf32, #tpu.memory_space<vmem_shared>> -> memref<10000x128xf32, #tpu.memory_space<vmem_shared>>
      tpu.enqueue_indirect_dma source(%arg8 : memref<80x128xf32, #tpu.memory_space<vmem>>) target(%dma_start3A_102 : memref<10000x128xf32, #tpu.memory_space<vmem_shared>>) offsets(%dma_start3A_99 : memref<80xi32, #tpu.memory_space<vmem>>) semaphore(%run_scoped3A_96 : memref<!tpu.dma_semaphore, #tpu.memory_space<semaphore_mem>>) {add = true}
      %dma_wait3A_103 = arith.constant 0 : i32
      %dma_wait3A_104 = tpu.memref_slice %arg7[%run_scoped3A, %dma_wait3A_103] : memref<128x80xi32, #tpu.memory_space<vmem>> -> memref<1x80xi32, #tpu.memory_space<vmem>>
      %dma_wait3A_105 = tpu.memref_squeeze %dma_wait3A_104 : memref<1x80xi32, #tpu.memory_space<vmem>> -> memref<80xi32, #tpu.memory_space<vmem>>
      %dma_wait3A_106 = arith.constant 0 : i32
      %dma_wait3A_107 = arith.constant 0 : i32
      %dma_wait3A_108 = tpu.memref_slice %arg10[%dma_wait3A_106, %dma_wait3A_107] : memref<10000x128xf32, #tpu.memory_space<vmem_shared>> -> memref<10000x128xf32, #tpu.memory_space<vmem_shared>>
      tpu.wait_indirect_dma semaphore(%run_scoped3A_96 : memref<!tpu.dma_semaphore, #tpu.memory_space<semaphore_mem>>) src(%arg8 : memref<80x128xf32, #tpu.memory_space<vmem>>) dst(%dma_wait3A_108 : memref<10000x128xf32, #tpu.memory_space<vmem_shared>>)
      tpu.yield
    }) : () -> ()
    %barrier3A_55 = arith.constant 0 : index
    tpu.barrier barrier_id(%barrier3A_55)
    %mul3A_56 = arith.constant 640 : i32
    %mul3A_57 = arith.muli %arg1, %mul3A_56 : i32
    %sub3A_58 = arith.constant 10000 : i32
    %sub3A_59 = arith.subi %sub3A_58, %mul3A_57 : i32
    %jit3A_60 = arith.constant 80 : i32
    %div3A_61 = arith.divsi %sub3A_59, %jit3A_60 : i32
    %sign3A_62 = arith.constant 0 : i32
    %sign3A_63 = arith.cmpi sgt, %sub3A_59, %sign3A_62 : i32
    %sign3A_64 = arith.extui %sign3A_63 : i1 to i32
    %sign3A_65 = arith.constant 0 : i32
    %sign3A_66 = arith.cmpi slt, %sub3A_59, %sign3A_65 : i32
    %sign3A_67 = arith.extui %sign3A_66 : i1 to i32
    %sign3A_68 = arith.subi %sign3A_64, %sign3A_67 : i32
    %sign3A_69 = arith.constant 0 : i32
    %sign3A_70 = arith.cmpi sgt, %jit3A_60, %sign3A_69 : i32
    %sign3A_71 = arith.extui %sign3A_70 : i1 to i32
    %sign3A_72 = arith.constant 0 : i32
    %sign3A_73 = arith.cmpi slt, %jit3A_60, %sign3A_72 : i32
    %sign3A_74 = arith.extui %sign3A_73 : i1 to i32
    %sign3A_75 = arith.subi %sign3A_71, %sign3A_74 : i32
    %ne3A_76 = arith.cmpi ne, %sign3A_68, %sign3A_75 : i32
    %rem3A_77 = arith.remsi %sub3A_59, %jit3A_60 : i32
    %ne3A_78 = arith.constant 0 : i32
    %ne3A_79 = arith.cmpi ne, %rem3A_77, %ne3A_78 : i32
    %and3A_80 = arith.andi %ne3A_76, %ne3A_79 : i1
    %sub3A_81 = arith.constant 1 : i32
    %sub3A_82 = arith.subi %div3A_61, %sub3A_81 : i32
    %select_n3A_83 = arith.select %and3A_80, %sub3A_82, %div3A_61 : i32
    %min3A_84 = arith.constant 8 : i32
    %min3A_85 = arith.minsi %select_n3A_83, %min3A_84 : i32
    %while3A_86 = arith.constant 0 : i32
    %while3A_87 = arith.constant 0 : i32
    %while3A_88 = arith.subi %min3A_85, %while3A_87 : i32
    %while3A_89 = arith.addi %while3A_87, %while3A_88 : i32
    %while3A_90 = arith.constant 1 : i32
    %while3A_91 = arith.divsi %while3A_88, %while3A_90 : i32
    %while3A_92 = arith.muli %while3A_91, %while3A_90 : i32
    %while3A_93 = arith.addi %while3A_87, %while3A_92 : i32
    %while3A_94 = arith.constant 1 : i32
    scf.for %while3A_96 = %while3A_87 to %while3A_93 step %while3A_94  : i32 {
      %mul3A_97 = arith.constant 80 : i32
      %mul3A_98 = arith.muli %while3A_96, %mul3A_97 : i32
      %add3A_99 = arith.addi %mul3A_57, %mul3A_98 : i32
      "tpu.region"() ({
        %run_scoped3A_103 = tpu.sem_alloc : memref<!tpu.dma_semaphore, #tpu.memory_space<semaphore_mem>>
        %dma_start3A_104 = arith.constant 0 : i32
        %dma_start3A_105 = tpu.memref_slice %arg10[%add3A_99, %dma_start3A_104] : memref<10000x128xf32, #tpu.memory_space<vmem_shared>> -> memref<80x128xf32, #tpu.memory_space<vmem_shared>>
        %dma_start3A_106 = arith.constant 0 : i32
        %dma_start3A_107 = tpu.memref_slice %arg10[%add3A_99, %dma_start3A_106] : memref<10000x128xf32, #tpu.memory_space<vmem_shared>> -> memref<80x128xf32, #tpu.memory_space<vmem_shared>>
        tpu.enqueue_dma source(%dma_start3A_107 : memref<80x128xf32, #tpu.memory_space<vmem_shared>>) target(%arg8 : memref<80x128xf32, #tpu.memory_space<vmem>>) target_semaphore(%run_scoped3A_103 : memref<!tpu.dma_semaphore, #tpu.memory_space<semaphore_mem>>)
        %dma_wait3A_108 = arith.constant 0 : i32
        %dma_wait3A_109 = tpu.memref_slice %arg10[%add3A_99, %dma_wait3A_108] : memref<10000x128xf32, #tpu.memory_space<vmem_shared>> -> memref<80x128xf32, #tpu.memory_space<vmem_shared>>
        %dma_wait3A_110 = arith.constant 0 : i32
        %dma_wait3A_111 = tpu.memref_slice %arg10[%add3A_99, %dma_wait3A_110] : memref<10000x128xf32, #tpu.memory_space<vmem_shared>> -> memref<80x128xf32, #tpu.memory_space<vmem_shared>>
        tpu.wait_dma2 semaphore(%run_scoped3A_103 : memref<!tpu.dma_semaphore, #tpu.memory_space<semaphore_mem>>) src(%dma_wait3A_111 : memref<80x128xf32, #tpu.memory_space<vmem_shared>>) dst(%arg8 : memref<80x128xf32, #tpu.memory_space<vmem>>)
        tpu.yield
      }) : () -> ()
      %mul3A_100 = arith.constant 10000 : i32
      %mul3A_101 = arith.muli %arg0, %mul3A_100 : i32
      %add3A_102 = arith.addi %mul3A_101, %add3A_99 : i32
      "tpu.region"() ({
        %run_scoped3A_103 = tpu.sem_alloc : memref<!tpu.dma_semaphore, #tpu.memory_space<semaphore_mem>>
        %dma_start3A_104 = arith.constant 0 : i32
        %dma_start3A_105 = tpu.memref_slice %arg5[%add3A_102, %dma_start3A_104] : memref<20000x128xf32, #tpu.memory_space<hbm>> -> memref<80x128xf32, #tpu.memory_space<hbm>>
        %dma_start3A_106 = arith.constant 0 : i32
        %dma_start3A_107 = tpu.memref_slice %arg5[%add3A_102, %dma_start3A_106] : memref<20000x128xf32, #tpu.memory_space<hbm>> -> memref<80x128xf32, #tpu.memory_space<hbm>>
        tpu.enqueue_dma source(%arg8 : memref<80x128xf32, #tpu.memory_space<vmem>>) target(%dma_start3A_107 : memref<80x128xf32, #tpu.memory_space<hbm>>) target_semaphore(%run_scoped3A_103 : memref<!tpu.dma_semaphore, #tpu.memory_space<semaphore_mem>>)
        %dma_wait3A_108 = arith.constant 0 : i32
        %dma_wait3A_109 = tpu.memref_slice %arg5[%add3A_102, %dma_wait3A_108] : memref<20000x128xf32, #tpu.memory_space<hbm>> -> memref<80x128xf32, #tpu.memory_space<hbm>>
        %dma_wait3A_110 = arith.constant 0 : i32
        %dma_wait3A_111 = tpu.memref_slice %arg5[%add3A_102, %dma_wait3A_110] : memref<20000x128xf32, #tpu.memory_space<hbm>> -> memref<80x128xf32, #tpu.memory_space<hbm>>
        tpu.wait_dma2 semaphore(%run_scoped3A_103 : memref<!tpu.dma_semaphore, #tpu.memory_space<semaphore_mem>>) src(%arg8 : memref<80x128xf32, #tpu.memory_space<vmem>>) dst(%dma_wait3A_111 : memref<80x128xf32, #tpu.memory_space<hbm>>)
        tpu.yield
      }) : () -> ()
    }
    %while3A_95 = arith.constant 1 : i32
    scf.for %while3A_96 = %while3A_93 to %while3A_89 step %while3A_95  : i32 {
      %mul3A_97 = arith.constant 80 : i32
      %mul3A_98 = arith.muli %while3A_96, %mul3A_97 : i32
      %add3A_99 = arith.addi %mul3A_57, %mul3A_98 : i32
      "tpu.region"() ({
        %run_scoped3A_103 = tpu.sem_alloc : memref<!tpu.dma_semaphore, #tpu.memory_space<semaphore_mem>>
        %dma_start3A_104 = arith.constant 0 : i32
        %dma_start3A_105 = tpu.memref_slice %arg10[%add3A_99, %dma_start3A_104] : memref<10000x128xf32, #tpu.memory_space<vmem_shared>> -> memref<80x128xf32, #tpu.memory_space<vmem_shared>>
        %dma_start3A_106 = arith.constant 0 : i32
        %dma_start3A_107 = tpu.memref_slice %arg10[%add3A_99, %dma_start3A_106] : memref<10000x128xf32, #tpu.memory_space<vmem_shared>> -> memref<80x128xf32, #tpu.memory_space<vmem_shared>>
        tpu.enqueue_dma source(%dma_start3A_107 : memref<80x128xf32, #tpu.memory_space<vmem_shared>>) target(%arg8 : memref<80x128xf32, #tpu.memory_space<vmem>>) target_semaphore(%run_scoped3A_103 : memref<!tpu.dma_semaphore, #tpu.memory_space<semaphore_mem>>)
        %dma_wait3A_108 = arith.constant 0 : i32
        %dma_wait3A_109 = tpu.memref_slice %arg10[%add3A_99, %dma_wait3A_108] : memref<10000x128xf32, #tpu.memory_space<vmem_shared>> -> memref<80x128xf32, #tpu.memory_space<vmem_shared>>
        %dma_wait3A_110 = arith.constant 0 : i32
        %dma_wait3A_111 = tpu.memref_slice %arg10[%add3A_99, %dma_wait3A_110] : memref<10000x128xf32, #tpu.memory_space<vmem_shared>> -> memref<80x128xf32, #tpu.memory_space<vmem_shared>>
        tpu.wait_dma2 semaphore(%run_scoped3A_103 : memref<!tpu.dma_semaphore, #tpu.memory_space<semaphore_mem>>) src(%dma_wait3A_111 : memref<80x128xf32, #tpu.memory_space<vmem_shared>>) dst(%arg8 : memref<80x128xf32, #tpu.memory_space<vmem>>)
        tpu.yield
      }) : () -> ()
      %mul3A_100 = arith.constant 10000 : i32
      %mul3A_101 = arith.muli %arg0, %mul3A_100 : i32
      %add3A_102 = arith.addi %mul3A_101, %add3A_99 : i32
      "tpu.region"() ({
        %run_scoped3A_103 = tpu.sem_alloc : memref<!tpu.dma_semaphore, #tpu.memory_space<semaphore_mem>>
        %dma_start3A_104 = arith.constant 0 : i32
        %dma_start3A_105 = tpu.memref_slice %arg5[%add3A_102, %dma_start3A_104] : memref<20000x128xf32, #tpu.memory_space<hbm>> -> memref<80x128xf32, #tpu.memory_space<hbm>>
        %dma_start3A_106 = arith.constant 0 : i32
        %dma_start3A_107 = tpu.memref_slice %arg5[%add3A_102, %dma_start3A_106] : memref<20000x128xf32, #tpu.memory_space<hbm>> -> memref<80x128xf32, #tpu.memory_space<hbm>>
        tpu.enqueue_dma source(%arg8 : memref<80x128xf32, #tpu.memory_space<vmem>>) target(%dma_start3A_107 : memref<80x128xf32, #tpu.memory_space<hbm>>) target_semaphore(%run_scoped3A_103 : memref<!tpu.dma_semaphore, #tpu.memory_space<semaphore_mem>>)
        %dma_wait3A_108 = arith.constant 0 : i32
        %dma_wait3A_109 = tpu.memref_slice %arg5[%add3A_102, %dma_wait3A_108] : memref<20000x128xf32, #tpu.memory_space<hbm>> -> memref<80x128xf32, #tpu.memory_space<hbm>>
        %dma_wait3A_110 = arith.constant 0 : i32
        %dma_wait3A_111 = tpu.memref_slice %arg5[%add3A_102, %dma_wait3A_110] : memref<20000x128xf32, #tpu.memory_space<hbm>> -> memref<80x128xf32, #tpu.memory_space<hbm>>
        tpu.wait_dma2 semaphore(%run_scoped3A_103 : memref<!tpu.dma_semaphore, #tpu.memory_space<semaphore_mem>>) src(%arg8 : memref<80x128xf32, #tpu.memory_space<vmem>>) dst(%dma_wait3A_111 : memref<80x128xf32, #tpu.memory_space<hbm>>)
        tpu.yield
      }) : () -> ()
    }
    return
  }
}

#map = affine_map<(d0, d1) -> (0, 0)>
#map1 = affine_map<(d0, d1) -> (0)>
module attributes {stable_mosaic.version = 14 : i64} {
  func.func @_spmm_sc_body(%arg0: i32, %arg1: i32, %arg2: memref<20000x128xf32, #tpu.memory_space<hbm>>, %arg3: memref<320000xi32, #tpu.memory_space<hbm>>, %arg4: memref<2048x80xi32, #tpu.memory_space<hbm>>, %arg5: memref<20000x128xf32, #tpu.memory_space<hbm>>, %arg6: memref<10000xi32, #tpu.memory_space<vmem>>, %arg7: memref<128x80xi32, #tpu.memory_space<vmem>>, %arg8: memref<80x128xf32, #tpu.memory_space<vmem>>, %arg9: memref<80x128xf32, #tpu.memory_space<vmem>>, %arg10: memref<10000x128xf32, #tpu.memory_space<vmem_shared>>, %arg11: memref<!tpu.dma_semaphore, #tpu.memory_space<semaphore_mem>>, %arg12: memref<!tpu.dma_semaphore, #tpu.memory_space<semaphore_mem>>) attributes {dimension_semantics = [#tpu.dimension_semantics<core_parallel>, #tpu.dimension_semantics<subcore_parallel>], iteration_bounds = array<i64: 2, 16>, scalar_prefetch = 0 : i64, scratch_operands = 7 : i64, tpu.core_type = #tpu.core_type<sc_vector_subcore>, window_params = [{transform_indices = #map}, {transform_indices = #map1}, {transform_indices = #map}, {transform_indices = #map}]} {
    %broadcast_in_dim3A = arith.constant 0.000000e+00 : f32
    %broadcast_in_dim3A_0 = vector.broadcast %broadcast_in_dim3A : f32 to vector<16xf32>
    %scan3A = arith.constant 0 : i32
    %scan3A_1 = arith.constant 0 : i32
    %scan3A_2 = arith.constant 80 : i32
    %scan3A_3 = arith.addi %scan3A_1, %scan3A_2 : i32
    %scan3A_4 = arith.constant 1 : i32
    scf.for %scan3A_96 = %scan3A_1 to %scan3A_3 step %scan3A_4  : i32 {
      %swap3A = arith.index_cast %scan3A_96 : i32 to index
      %swap3A_97 = arith.constant 0 : index
      %swap3A_98 = tpu.vector_load %arg8[%swap3A, %swap3A_97] {strides = array<i32>} : memref<80x128xf32, #tpu.memory_space<vmem>>, vector<1x16xf32>,
      %swap3A_99 = vector.shape_cast %swap3A_98 : vector<1x16xf32> to vector<16xf32>
      %swap3A_100 = vector.shape_cast %broadcast_in_dim3A_0 : vector<16xf32> to vector<1x16xf32>
      tpu.vector_store %arg8[%swap3A, %swap3A_97], %swap3A_100 {strides = array<i32>} : memref<80x128xf32, #tpu.memory_space<vmem>>, vector<1x16xf32>,
      %swap3A_101 = arith.index_cast %scan3A_96 : i32 to index
      %swap3A_102 = arith.constant 16 : index
      %swap3A_103 = tpu.vector_load %arg8[%swap3A_101, %swap3A_102] {strides = array<i32>} : memref<80x128xf32, #tpu.memory_space<vmem>>, vector<1x16xf32>,
      %swap3A_104 = vector.shape_cast %swap3A_103 : vector<1x16xf32> to vector<16xf32>
      %swap3A_105 = vector.shape_cast %broadcast_in_dim3A_0 : vector<16xf32> to vector<1x16xf32>
      tpu.vector_store %arg8[%swap3A_101, %swap3A_102], %swap3A_105 {strides = array<i32>} : memref<80x128xf32, #tpu.memory_space<vmem>>, vector<1x16xf32>,
      %swap3A_106 = arith.index_cast %scan3A_96 : i32 to index
      %swap3A_107 = arith.constant 32 : index
      %swap3A_108 = tpu.vector_load %arg8[%swap3A_106, %swap3A_107] {strides = array<i32>} : memref<80x128xf32, #tpu.memory_space<vmem>>, vector<1x16xf32>,
      %swap3A_109 = vector.shape_cast %swap3A_108 : vector<1x16xf32> to vector<16xf32>
      %swap3A_110 = vector.shape_cast %broadcast_in_dim3A_0 : vector<16xf32> to vector<1x16xf32>
      tpu.vector_store %arg8[%swap3A_106, %swap3A_107], %swap3A_110 {strides = array<i32>} : memref<80x128xf32, #tpu.memory_space<vmem>>, vector<1x16xf32>,
      %swap3A_111 = arith.index_cast %scan3A_96 : i32 to index
      %swap3A_112 = arith.constant 48 : index
      %swap3A_113 = tpu.vector_load %arg8[%swap3A_111, %swap3A_112] {strides = array<i32>} : memref<80x128xf32, #tpu.memory_space<vmem>>, vector<1x16xf32>,
      %swap3A_114 = vector.shape_cast %swap3A_113 : vector<1x16xf32> to vector<16xf32>
      %swap3A_115 = vector.shape_cast %broadcast_in_dim3A_0 : vector<16xf32> to vector<1x16xf32>
      tpu.vector_store %arg8[%swap3A_111, %swap3A_112], %swap3A_115 {strides = array<i32>} : memref<80x128xf32, #tpu.memory_space<vmem>>, vector<1x16xf32>,
      %swap3A_116 = arith.index_cast %scan3A_96 : i32 to index
      %swap3A_117 = arith.constant 64 : index
      %swap3A_118 = tpu.vector_load %arg8[%swap3A_116, %swap3A_117] {strides = array<i32>} : memref<80x128xf32, #tpu.memory_space<vmem>>, vector<1x16xf32>,
      %swap3A_119 = vector.shape_cast %swap3A_118 : vector<1x16xf32> to vector<16xf32>
      %swap3A_120 = vector.shape_cast %broadcast_in_dim3A_0 : vector<16xf32> to vector<1x16xf32>
      tpu.vector_store %arg8[%swap3A_116, %swap3A_117], %swap3A_120 {strides = array<i32>} : memref<80x128xf32, #tpu.memory_space<vmem>>, vector<1x16xf32>,
      %swap3A_121 = arith.index_cast %scan3A_96 : i32 to index
      %swap3A_122 = arith.constant 80 : index
      %swap3A_123 = tpu.vector_load %arg8[%swap3A_121, %swap3A_122] {strides = array<i32>} : memref<80x128xf32, #tpu.memory_space<vmem>>, vector<1x16xf32>,
      %swap3A_124 = vector.shape_cast %swap3A_123 : vector<1x16xf32> to vector<16xf32>
      %swap3A_125 = vector.shape_cast %broadcast_in_dim3A_0 : vector<16xf32> to vector<1x16xf32>
      tpu.vector_store %arg8[%swap3A_121, %swap3A_122], %swap3A_125 {strides = array<i32>} : memref<80x128xf32, #tpu.memory_space<vmem>>, vector<1x16xf32>,
      %swap3A_126 = arith.index_cast %scan3A_96 : i32 to index
      %swap3A_127 = arith.constant 96 : index
      %swap3A_128 = tpu.vector_load %arg8[%swap3A_126, %swap3A_127] {strides = array<i32>} : memref<80x128xf32, #tpu.memory_space<vmem>>, vector<1x16xf32>,
      %swap3A_129 = vector.shape_cast %swap3A_128 : vector<1x16xf32> to vector<16xf32>
      %swap3A_130 = vector.shape_cast %broadcast_in_dim3A_0 : vector<16xf32> to vector<1x16xf32>
      tpu.vector_store %arg8[%swap3A_126, %swap3A_127], %swap3A_130 {strides = array<i32>} : memref<80x128xf32, #tpu.memory_space<vmem>>, vector<1x16xf32>,
      %swap3A_131 = arith.index_cast %scan3A_96 : i32 to index
      %swap3A_132 = arith.constant 112 : index
      %swap3A_133 = tpu.vector_load %arg8[%swap3A_131, %swap3A_132] {strides = array<i32>} : memref<80x128xf32, #tpu.memory_space<vmem>>, vector<1x16xf32>,
      %swap3A_134 = vector.shape_cast %swap3A_133 : vector<1x16xf32> to vector<16xf32>
      %swap3A_135 = vector.shape_cast %broadcast_in_dim3A_0 : vector<16xf32> to vector<1x16xf32>
      tpu.vector_store %arg8[%swap3A_131, %swap3A_132], %swap3A_135 {strides = array<i32>} : memref<80x128xf32, #tpu.memory_space<vmem>>, vector<1x16xf32>,
    }
    %scan3A_5 = arith.constant 80 : i32
    %mul3A = arith.constant 640 : i32
    %mul3A_6 = arith.muli %arg1, %mul3A : i32
    %sub3A = arith.constant 10000 : i32
    %sub3A_7 = arith.subi %sub3A, %mul3A_6 : i32
    %jit3A = arith.constant 80 : i32
    %div3A = arith.divsi %sub3A_7, %jit3A : i32
    %sign3A = arith.constant 0 : i32
    %sign3A_8 = arith.cmpi sgt, %sub3A_7, %sign3A : i32
    %sign3A_9 = arith.extui %sign3A_8 : i1 to i32
    %sign3A_10 = arith.constant 0 : i32
    %sign3A_11 = arith.cmpi slt, %sub3A_7, %sign3A_10 : i32
    %sign3A_12 = arith.extui %sign3A_11 : i1 to i32
    %sign3A_13 = arith.subi %sign3A_9, %sign3A_12 : i32
    %sign3A_14 = arith.constant 0 : i32
    %sign3A_15 = arith.cmpi sgt, %jit3A, %sign3A_14 : i32
    %sign3A_16 = arith.extui %sign3A_15 : i1 to i32
    %sign3A_17 = arith.constant 0 : i32
    %sign3A_18 = arith.cmpi slt, %jit3A, %sign3A_17 : i32
    %sign3A_19 = arith.extui %sign3A_18 : i1 to i32
    %sign3A_20 = arith.subi %sign3A_16, %sign3A_19 : i32
    %ne3A = arith.cmpi ne, %sign3A_13, %sign3A_20 : i32
    %rem3A = arith.remsi %sub3A_7, %jit3A : i32
    %ne3A_21 = arith.constant 0 : i32
    %ne3A_22 = arith.cmpi ne, %rem3A, %ne3A_21 : i32
    %and3A = arith.andi %ne3A, %ne3A_22 : i1
    %sub3A_23 = arith.constant 1 : i32
    %sub3A_24 = arith.subi %div3A, %sub3A_23 : i32
    %select_n3A = arith.select %and3A, %sub3A_24, %div3A : i32
    %min3A = arith.constant 8 : i32
    %min3A_25 = arith.minsi %select_n3A, %min3A : i32
    %while3A = arith.constant 0 : i32
    %while3A_26 = arith.constant 0 : i32
    %while3A_27 = arith.subi %min3A_25, %while3A_26 : i32
    %while3A_28 = arith.addi %while3A_26, %while3A_27 : i32
    %while3A_29 = arith.constant 1 : i32
    %while3A_30 = arith.divsi %while3A_27, %while3A_29 : i32
    %while3A_31 = arith.muli %while3A_30, %while3A_29 : i32
    %while3A_32 = arith.addi %while3A_26, %while3A_31 : i32
    %while3A_33 = arith.constant 1 : i32
    scf.for %while3A_96 = %while3A_26 to %while3A_32 step %while3A_33  : i32 {
      %mul3A_97 = arith.constant 80 : i32
      %mul3A_98 = arith.muli %while3A_96, %mul3A_97 : i32
      %add3A_99 = arith.addi %mul3A_6, %mul3A_98 : i32
      "tpu.region"() ({
        %run_scoped3A_100 = tpu.sem_alloc : memref<!tpu.dma_semaphore, #tpu.memory_space<semaphore_mem>>
        %dma_start3A_101 = arith.constant 0 : i32
        %dma_start3A_102 = tpu.memref_slice %arg10[%add3A_99, %dma_start3A_101] : memref<10000x128xf32, #tpu.memory_space<vmem_shared>> -> memref<80x128xf32, #tpu.memory_space<vmem_shared>>
        %dma_start3A_103 = arith.constant 0 : i32
        %dma_start3A_104 = tpu.memref_slice %arg10[%add3A_99, %dma_start3A_103] : memref<10000x128xf32, #tpu.memory_space<vmem_shared>> -> memref<80x128xf32, #tpu.memory_space<vmem_shared>>
        tpu.enqueue_dma source(%arg8 : memref<80x128xf32, #tpu.memory_space<vmem>>) target(%dma_start3A_104 : memref<80x128xf32, #tpu.memory_space<vmem_shared>>) target_semaphore(%run_scoped3A_100 : memref<!tpu.dma_semaphore, #tpu.memory_space<semaphore_mem>>)
        %dma_wait3A_105 = arith.constant 0 : i32
        %dma_wait3A_106 = tpu.memref_slice %arg10[%add3A_99, %dma_wait3A_105] : memref<10000x128xf32, #tpu.memory_space<vmem_shared>> -> memref<80x128xf32, #tpu.memory_space<vmem_shared>>
        %dma_wait3A_107 = arith.constant 0 : i32
        %dma_wait3A_108 = tpu.memref_slice %arg10[%add3A_99, %dma_wait3A_107] : memref<10000x128xf32, #tpu.memory_space<vmem_shared>> -> memref<80x128xf32, #tpu.memory_space<vmem_shared>>
        tpu.wait_dma2 semaphore(%run_scoped3A_100 : memref<!tpu.dma_semaphore, #tpu.memory_space<semaphore_mem>>) src(%arg8 : memref<80x128xf32, #tpu.memory_space<vmem>>) dst(%dma_wait3A_108 : memref<80x128xf32, #tpu.memory_space<vmem_shared>>)
        tpu.yield
      }) : () -> ()
    }
    %while3A_34 = arith.constant 1 : i32
    scf.for %while3A_96 = %while3A_32 to %while3A_28 step %while3A_34  : i32 {
      %mul3A_97 = arith.constant 80 : i32
      %mul3A_98 = arith.muli %while3A_96, %mul3A_97 : i32
      %add3A_99 = arith.addi %mul3A_6, %mul3A_98 : i32
      "tpu.region"() ({
        %run_scoped3A_100 = tpu.sem_alloc : memref<!tpu.dma_semaphore, #tpu.memory_space<semaphore_mem>>
        %dma_start3A_101 = arith.constant 0 : i32
        %dma_start3A_102 = tpu.memref_slice %arg10[%add3A_99, %dma_start3A_101] : memref<10000x128xf32, #tpu.memory_space<vmem_shared>> -> memref<80x128xf32, #tpu.memory_space<vmem_shared>>
        %dma_start3A_103 = arith.constant 0 : i32
        %dma_start3A_104 = tpu.memref_slice %arg10[%add3A_99, %dma_start3A_103] : memref<10000x128xf32, #tpu.memory_space<vmem_shared>> -> memref<80x128xf32, #tpu.memory_space<vmem_shared>>
        tpu.enqueue_dma source(%arg8 : memref<80x128xf32, #tpu.memory_space<vmem>>) target(%dma_start3A_104 : memref<80x128xf32, #tpu.memory_space<vmem_shared>>) target_semaphore(%run_scoped3A_100 : memref<!tpu.dma_semaphore, #tpu.memory_space<semaphore_mem>>)
        %dma_wait3A_105 = arith.constant 0 : i32
        %dma_wait3A_106 = tpu.memref_slice %arg10[%add3A_99, %dma_wait3A_105] : memref<10000x128xf32, #tpu.memory_space<vmem_shared>> -> memref<80x128xf32, #tpu.memory_space<vmem_shared>>
        %dma_wait3A_107 = arith.constant 0 : i32
        %dma_wait3A_108 = tpu.memref_slice %arg10[%add3A_99, %dma_wait3A_107] : memref<10000x128xf32, #tpu.memory_space<vmem_shared>> -> memref<80x128xf32, #tpu.memory_space<vmem_shared>>
        tpu.wait_dma2 semaphore(%run_scoped3A_100 : memref<!tpu.dma_semaphore, #tpu.memory_space<semaphore_mem>>) src(%arg8 : memref<80x128xf32, #tpu.memory_space<vmem>>) dst(%dma_wait3A_108 : memref<80x128xf32, #tpu.memory_space<vmem_shared>>)
        tpu.yield
      }) : () -> ()
    }
    %mul3A_35 = arith.constant 160000 : i32
    %mul3A_36 = arith.muli %arg0, %mul3A_35 : i32
    %mul3A_37 = arith.constant 10000 : i32
    %mul3A_38 = arith.muli %arg1, %mul3A_37 : i32
    %add3A = arith.addi %mul3A_36, %mul3A_38 : i32
    "tpu.region"() ({
      %run_scoped3A_96 = tpu.sem_alloc : memref<!tpu.dma_semaphore, #tpu.memory_space<semaphore_mem>>
      %dma_start3A_97 = tpu.memref_slice %arg3[%add3A] : memref<320000xi32, #tpu.memory_space<hbm>> -> memref<10000xi32, #tpu.memory_space<hbm>>
      %dma_start3A_98 = tpu.memref_slice %arg3[%add3A] : memref<320000xi32, #tpu.memory_space<hbm>> -> memref<10000xi32, #tpu.memory_space<hbm>>
      tpu.enqueue_dma source(%dma_start3A_98 : memref<10000xi32, #tpu.memory_space<hbm>>) target(%arg6 : memref<10000xi32, #tpu.memory_space<vmem>>) target_semaphore(%run_scoped3A_96 : memref<!tpu.dma_semaphore, #tpu.memory_space<semaphore_mem>>)
      %dma_wait3A_99 = tpu.memref_slice %arg3[%add3A] : memref<320000xi32, #tpu.memory_space<hbm>> -> memref<10000xi32, #tpu.memory_space<hbm>>
      %dma_wait3A_100 = tpu.memref_slice %arg3[%add3A] : memref<320000xi32, #tpu.memory_space<hbm>> -> memref<10000xi32, #tpu.memory_space<hbm>>
      tpu.wait_dma2 semaphore(%run_scoped3A_96 : memref<!tpu.dma_semaphore, #tpu.memory_space<semaphore_mem>>) src(%dma_wait3A_100 : memref<10000xi32, #tpu.memory_space<hbm>>) dst(%arg6 : memref<10000xi32, #tpu.memory_space<vmem>>)
      tpu.yield
    }) : () -> ()
    %mul3A_39 = arith.constant 128 : i32
    %mul3A_40 = arith.muli %arg1, %mul3A_39 : i32
    "tpu.region"() ({
      %run_scoped3A_96 = tpu.sem_alloc : memref<!tpu.dma_semaphore, #tpu.memory_space<semaphore_mem>>
      %dma_start3A_97 = arith.constant 0 : i32
      %dma_start3A_98 = tpu.memref_slice %arg4[%mul3A_40, %dma_start3A_97] : memref<2048x80xi32, #tpu.memory_space<hbm>> -> memref<128x80xi32, #tpu.memory_space<hbm>>
      %dma_start3A_99 = arith.constant 0 : i32
      %dma_start3A_100 = tpu.memref_slice %arg4[%mul3A_40, %dma_start3A_99] : memref<2048x80xi32, #tpu.memory_space<hbm>> -> memref<128x80xi32, #tpu.memory_space<hbm>>
      tpu.enqueue_dma source(%dma_start3A_100 : memref<128x80xi32, #tpu.memory_space<hbm>>) target(%arg7 : memref<128x80xi32, #tpu.memory_space<vmem>>) target_semaphore(%run_scoped3A_96 : memref<!tpu.dma_semaphore, #tpu.memory_space<semaphore_mem>>)
      %dma_wait3A_101 = arith.constant 0 : i32
      %dma_wait3A_102 = tpu.memref_slice %arg4[%mul3A_40, %dma_wait3A_101] : memref<2048x80xi32, #tpu.memory_space<hbm>> -> memref<128x80xi32, #tpu.memory_space<hbm>>
      %dma_wait3A_103 = arith.constant 0 : i32
      %dma_wait3A_104 = tpu.memref_slice %arg4[%mul3A_40, %dma_wait3A_103] : memref<2048x80xi32, #tpu.memory_space<hbm>> -> memref<128x80xi32, #tpu.memory_space<hbm>>
      tpu.wait_dma2 semaphore(%run_scoped3A_96 : memref<!tpu.dma_semaphore, #tpu.memory_space<semaphore_mem>>) src(%dma_wait3A_104 : memref<128x80xi32, #tpu.memory_space<hbm>>) dst(%arg7 : memref<128x80xi32, #tpu.memory_space<vmem>>)
      tpu.yield
    }) : () -> ()
    %barrier3A = arith.constant 0 : index
    tpu.barrier barrier_id(%barrier3A)
    %dma_start3A = arith.constant 0 : i32
    %dma_start3A_41 = tpu.memref_slice %arg6[%dma_start3A] : memref<10000xi32, #tpu.memory_space<vmem>> -> memref<80xi32, #tpu.memory_space<vmem>>
    %dma_start3A_42 = arith.constant 0 : i32
    %dma_start3A_43 = arith.constant 0 : i32
    %dma_start3A_44 = tpu.memref_slice %arg2[%dma_start3A_42, %dma_start3A_43] : memref<20000x128xf32, #tpu.memory_space<hbm>> -> memref<20000x128xf32, #tpu.memory_space<hbm>>
    tpu.enqueue_indirect_dma source(%dma_start3A_44 : memref<20000x128xf32, #tpu.memory_space<hbm>>) target(%arg8 : memref<80x128xf32, #tpu.memory_space<vmem>>) offsets(%dma_start3A_41 : memref<80xi32, #tpu.memory_space<vmem>>) semaphore(%arg11 : memref<!tpu.dma_semaphore, #tpu.memory_space<semaphore_mem>>)
    %scan3A_45 = arith.constant 0 : i32
    %scan3A_46 = arith.constant 0 : i32
    %scan3A_47 = arith.constant 62 : i32
    %scan3A_48 = arith.addi %scan3A_46, %scan3A_47 : i32
    %scan3A_49 = arith.constant 1 : i32
    scf.for %scan3A_96 = %scan3A_46 to %scan3A_48 step %scan3A_49  : i32 {
      %mul3A_97 = arith.constant 2 : i32
      %mul3A_98 = arith.muli %mul3A_97, %scan3A_96 : i32
      %add3A_99 = arith.constant 0 : i32
      %add3A_100 = arith.addi %mul3A_98, %add3A_99 : i32
      %add3A_101 = arith.constant 1 : i32
      %add3A_102 = arith.addi %add3A_100, %add3A_101 : i32
      %mul3A_103 = arith.constant 80 : i32
      %mul3A_104 = arith.muli %add3A_102, %mul3A_103 : i32
      %dma_start3A_105 = tpu.memref_slice %arg6[%mul3A_104] : memref<10000xi32, #tpu.memory_space<vmem>> -> memref<80xi32, #tpu.memory_space<vmem>>
      %dma_start3A_106 = arith.constant 0 : i32
      %dma_start3A_107 = arith.constant 0 : i32
      %dma_start3A_108 = tpu.memref_slice %arg2[%dma_start3A_106, %dma_start3A_107] : memref<20000x128xf32, #tpu.memory_space<hbm>> -> memref<20000x128xf32, #tpu.memory_space<hbm>>
      tpu.enqueue_indirect_dma source(%dma_start3A_108 : memref<20000x128xf32, #tpu.memory_space<hbm>>) target(%arg9 : memref<80x128xf32, #tpu.memory_space<vmem>>) offsets(%dma_start3A_105 : memref<80xi32, #tpu.memory_space<vmem>>) semaphore(%arg12 : memref<!tpu.dma_semaphore, #tpu.memory_space<semaphore_mem>>)
      %mul3A_109 = arith.constant 80 : i32
      %mul3A_110 = arith.muli %add3A_100, %mul3A_109 : i32
      %dma_wait3A_111 = tpu.memref_slice %arg6[%mul3A_110] : memref<10000xi32, #tpu.memory_space<vmem>> -> memref<80xi32, #tpu.memory_space<vmem>>
      %dma_wait3A_112 = arith.constant 0 : i32
      %dma_wait3A_113 = arith.constant 0 : i32
      %dma_wait3A_114 = tpu.memref_slice %arg2[%dma_wait3A_112, %dma_wait3A_113] : memref<20000x128xf32, #tpu.memory_space<hbm>> -> memref<20000x128xf32, #tpu.memory_space<hbm>>
      tpu.wait_indirect_dma semaphore(%arg11 : memref<!tpu.dma_semaphore, #tpu.memory_space<semaphore_mem>>) src(%dma_wait3A_114 : memref<20000x128xf32, #tpu.memory_space<hbm>>) dst(%arg8 : memref<80x128xf32, #tpu.memory_space<vmem>>)
      "tpu.region"() ({
        %run_scoped3A_133 = tpu.sem_alloc : memref<!tpu.dma_semaphore, #tpu.memory_space<semaphore_mem>>
        %dma_start3A_134 = arith.constant 0 : i32
        %dma_start3A_135 = tpu.memref_slice %arg7[%add3A_100, %dma_start3A_134] : memref<128x80xi32, #tpu.memory_space<vmem>> -> memref<1x80xi32, #tpu.memory_space<vmem>>
        %dma_start3A_136 = tpu.memref_squeeze %dma_start3A_135 : memref<1x80xi32, #tpu.memory_space<vmem>> -> memref<80xi32, #tpu.memory_space<vmem>>
        %dma_start3A_137 = arith.constant 0 : i32
        %dma_start3A_138 = arith.constant 0 : i32
        %dma_start3A_139 = tpu.memref_slice %arg10[%dma_start3A_137, %dma_start3A_138] : memref<10000x128xf32, #tpu.memory_space<vmem_shared>> -> memref<10000x128xf32, #tpu.memory_space<vmem_shared>>
        tpu.enqueue_indirect_dma source(%arg8 : memref<80x128xf32, #tpu.memory_space<vmem>>) target(%dma_start3A_139 : memref<10000x128xf32, #tpu.memory_space<vmem_shared>>) offsets(%dma_start3A_136 : memref<80xi32, #tpu.memory_space<vmem>>) semaphore(%run_scoped3A_133 : memref<!tpu.dma_semaphore, #tpu.memory_space<semaphore_mem>>) {add = true}
        %dma_wait3A_140 = arith.constant 0 : i32
        %dma_wait3A_141 = tpu.memref_slice %arg7[%add3A_100, %dma_wait3A_140] : memref<128x80xi32, #tpu.memory_space<vmem>> -> memref<1x80xi32, #tpu.memory_space<vmem>>
        %dma_wait3A_142 = tpu.memref_squeeze %dma_wait3A_141 : memref<1x80xi32, #tpu.memory_space<vmem>> -> memref<80xi32, #tpu.memory_space<vmem>>
        %dma_wait3A_143 = arith.constant 0 : i32
        %dma_wait3A_144 = arith.constant 0 : i32
        %dma_wait3A_145 = tpu.memref_slice %arg10[%dma_wait3A_143, %dma_wait3A_144] : memref<10000x128xf32, #tpu.memory_space<vmem_shared>> -> memref<10000x128xf32, #tpu.memory_space<vmem_shared>>
        tpu.wait_indirect_dma semaphore(%run_scoped3A_133 : memref<!tpu.dma_semaphore, #tpu.memory_space<semaphore_mem>>) src(%arg8 : memref<80x128xf32, #tpu.memory_space<vmem>>) dst(%dma_wait3A_145 : memref<10000x128xf32, #tpu.memory_space<vmem_shared>>)
        tpu.yield
      }) : () -> ()
      %mul3A_115 = arith.constant 2 : i32
      %mul3A_116 = arith.muli %mul3A_115, %scan3A_96 : i32
      %add3A_117 = arith.constant 1 : i32
      %add3A_118 = arith.addi %mul3A_116, %add3A_117 : i32
      %add3A_119 = arith.constant 1 : i32
      %add3A_120 = arith.addi %add3A_118, %add3A_119 : i32
      %mul3A_121 = arith.constant 80 : i32
      %mul3A_122 = arith.muli %add3A_120, %mul3A_121 : i32
      %dma_start3A_123 = tpu.memref_slice %arg6[%mul3A_122] : memref<10000xi32, #tpu.memory_space<vmem>> -> memref<80xi32, #tpu.memory_space<vmem>>
      %dma_start3A_124 = arith.constant 0 : i32
      %dma_start3A_125 = arith.constant 0 : i32
      %dma_start3A_126 = tpu.memref_slice %arg2[%dma_start3A_124, %dma_start3A_125] : memref<20000x128xf32, #tpu.memory_space<hbm>> -> memref<20000x128xf32, #tpu.memory_space<hbm>>
      tpu.enqueue_indirect_dma source(%dma_start3A_126 : memref<20000x128xf32, #tpu.memory_space<hbm>>) target(%arg8 : memref<80x128xf32, #tpu.memory_space<vmem>>) offsets(%dma_start3A_123 : memref<80xi32, #tpu.memory_space<vmem>>) semaphore(%arg11 : memref<!tpu.dma_semaphore, #tpu.memory_space<semaphore_mem>>)
      %mul3A_127 = arith.constant 80 : i32
      %mul3A_128 = arith.muli %add3A_118, %mul3A_127 : i32
      %dma_wait3A_129 = tpu.memref_slice %arg6[%mul3A_128] : memref<10000xi32, #tpu.memory_space<vmem>> -> memref<80xi32, #tpu.memory_space<vmem>>
      %dma_wait3A_130 = arith.constant 0 : i32
      %dma_wait3A_131 = arith.constant 0 : i32
      %dma_wait3A_132 = tpu.memref_slice %arg2[%dma_wait3A_130, %dma_wait3A_131] : memref<20000x128xf32, #tpu.memory_space<hbm>> -> memref<20000x128xf32, #tpu.memory_space<hbm>>
      tpu.wait_indirect_dma semaphore(%arg12 : memref<!tpu.dma_semaphore, #tpu.memory_space<semaphore_mem>>) src(%dma_wait3A_132 : memref<20000x128xf32, #tpu.memory_space<hbm>>) dst(%arg9 : memref<80x128xf32, #tpu.memory_space<vmem>>)
      "tpu.region"() ({
        %run_scoped3A_133 = tpu.sem_alloc : memref<!tpu.dma_semaphore, #tpu.memory_space<semaphore_mem>>
        %dma_start3A_134 = arith.constant 0 : i32
        %dma_start3A_135 = tpu.memref_slice %arg7[%add3A_118, %dma_start3A_134] : memref<128x80xi32, #tpu.memory_space<vmem>> -> memref<1x80xi32, #tpu.memory_space<vmem>>
        %dma_start3A_136 = tpu.memref_squeeze %dma_start3A_135 : memref<1x80xi32, #tpu.memory_space<vmem>> -> memref<80xi32, #tpu.memory_space<vmem>>
        %dma_start3A_137 = arith.constant 0 : i32
        %dma_start3A_138 = arith.constant 0 : i32
        %dma_start3A_139 = tpu.memref_slice %arg10[%dma_start3A_137, %dma_start3A_138] : memref<10000x128xf32, #tpu.memory_space<vmem_shared>> -> memref<10000x128xf32, #tpu.memory_space<vmem_shared>>
        tpu.enqueue_indirect_dma source(%arg9 : memref<80x128xf32, #tpu.memory_space<vmem>>) target(%dma_start3A_139 : memref<10000x128xf32, #tpu.memory_space<vmem_shared>>) offsets(%dma_start3A_136 : memref<80xi32, #tpu.memory_space<vmem>>) semaphore(%run_scoped3A_133 : memref<!tpu.dma_semaphore, #tpu.memory_space<semaphore_mem>>) {add = true}
        %dma_wait3A_140 = arith.constant 0 : i32
        %dma_wait3A_141 = tpu.memref_slice %arg7[%add3A_118, %dma_wait3A_140] : memref<128x80xi32, #tpu.memory_space<vmem>> -> memref<1x80xi32, #tpu.memory_space<vmem>>
        %dma_wait3A_142 = tpu.memref_squeeze %dma_wait3A_141 : memref<1x80xi32, #tpu.memory_space<vmem>> -> memref<80xi32, #tpu.memory_space<vmem>>
        %dma_wait3A_143 = arith.constant 0 : i32
        %dma_wait3A_144 = arith.constant 0 : i32
        %dma_wait3A_145 = tpu.memref_slice %arg10[%dma_wait3A_143, %dma_wait3A_144] : memref<10000x128xf32, #tpu.memory_space<vmem_shared>> -> memref<10000x128xf32, #tpu.memory_space<vmem_shared>>
        tpu.wait_indirect_dma semaphore(%run_scoped3A_133 : memref<!tpu.dma_semaphore, #tpu.memory_space<semaphore_mem>>) src(%arg9 : memref<80x128xf32, #tpu.memory_space<vmem>>) dst(%dma_wait3A_145 : memref<10000x128xf32, #tpu.memory_space<vmem_shared>>)
        tpu.yield
      }) : () -> ()
    }
    %scan3A_50 = arith.constant 62 : i32
    %dma_wait3A = arith.constant 9920 : i32
    %dma_wait3A_51 = tpu.memref_slice %arg6[%dma_wait3A] : memref<10000xi32, #tpu.memory_space<vmem>> -> memref<80xi32, #tpu.memory_space<vmem>>
    %dma_wait3A_52 = arith.constant 0 : i32
    %dma_wait3A_53 = arith.constant 0 : i32
    %dma_wait3A_54 = tpu.memref_slice %arg2[%dma_wait3A_52, %dma_wait3A_53] : memref<20000x128xf32, #tpu.memory_space<hbm>> -> memref<20000x128xf32, #tpu.memory_space<hbm>>
    tpu.wait_indirect_dma semaphore(%arg11 : memref<!tpu.dma_semaphore, #tpu.memory_space<semaphore_mem>>) src(%dma_wait3A_54 : memref<20000x128xf32, #tpu.memory_space<hbm>>) dst(%arg8 : memref<80x128xf32, #tpu.memory_space<vmem>>)
    %run_scoped3A = arith.constant 124 : i32
    "tpu.region"() ({
      %run_scoped3A_96 = tpu.sem_alloc : memref<!tpu.dma_semaphore, #tpu.memory_space<semaphore_mem>>
      %dma_start3A_97 = arith.constant 0 : i32
      %dma_start3A_98 = tpu.memref_slice %arg7[%run_scoped3A, %dma_start3A_97] : memref<128x80xi32, #tpu.memory_space<vmem>> -> memref<1x80xi32, #tpu.memory_space<vmem>>
      %dma_start3A_99 = tpu.memref_squeeze %dma_start3A_98 : memref<1x80xi32, #tpu.memory_space<vmem>> -> memref<80xi32, #tpu.memory_space<vmem>>
      %dma_start3A_100 = arith.constant 0 : i32
      %dma_start3A_101 = arith.constant 0 : i32
      %dma_start3A_102 = tpu.memref_slice %arg10[%dma_start3A_100, %dma_start3A_101] : memref<10000x128xf32, #tpu.memory_space<vmem_shared>> -> memref<10000x128xf32, #tpu.memory_space<vmem_shared>>
      tpu.enqueue_indirect_dma source(%arg8 : memref<80x128xf32, #tpu.memory_space<vmem>>) target(%dma_start3A_102 : memref<10000x128xf32, #tpu.memory_space<vmem_shared>>) offsets(%dma_start3A_99 : memref<80xi32, #tpu.memory_space<vmem>>) semaphore(%run_scoped3A_96 : memref<!tpu.dma_semaphore, #tpu.memory_space<semaphore_mem>>) {add = true}
      %dma_wait3A_103 = arith.constant 0 : i32
      %dma_wait3A_104 = tpu.memref_slice %arg7[%run_scoped3A, %dma_wait3A_103] : memref<128x80xi32, #tpu.memory_space<vmem>> -> memref<1x80xi32, #tpu.memory_space<vmem>>
      %dma_wait3A_105 = tpu.memref_squeeze %dma_wait3A_104 : memref<1x80xi32, #tpu.memory_space<vmem>> -> memref<80xi32, #tpu.memory_space<vmem>>
      %dma_wait3A_106 = arith.constant 0 : i32
      %dma_wait3A_107 = arith.constant 0 : i32
      %dma_wait3A_108 = tpu.memref_slice %arg10[%dma_wait3A_106, %dma_wait3A_107] : memref<10000x128xf32, #tpu.memory_space<vmem_shared>> -> memref<10000x128xf32, #tpu.memory_space<vmem_shared>>
      tpu.wait_indirect_dma semaphore(%run_scoped3A_96 : memref<!tpu.dma_semaphore, #tpu.memory_space<semaphore_mem>>) src(%arg8 : memref<80x128xf32, #tpu.memory_space<vmem>>) dst(%dma_wait3A_108 : memref<10000x128xf32, #tpu.memory_space<vmem_shared>>)
      tpu.yield
    }) : () -> ()
    %barrier3A_55 = arith.constant 0 : index
    tpu.barrier barrier_id(%barrier3A_55)
    %mul3A_56 = arith.constant 640 : i32
    %mul3A_57 = arith.muli %arg1, %mul3A_56 : i32
    %sub3A_58 = arith.constant 10000 : i32
    %sub3A_59 = arith.subi %sub3A_58, %mul3A_57 : i32
    %jit3A_60 = arith.constant 80 : i32
    %div3A_61 = arith.divsi %sub3A_59, %jit3A_60 : i32
    %sign3A_62 = arith.constant 0 : i32
    %sign3A_63 = arith.cmpi sgt, %sub3A_59, %sign3A_62 : i32
    %sign3A_64 = arith.extui %sign3A_63 : i1 to i32
    %sign3A_65 = arith.constant 0 : i32
    %sign3A_66 = arith.cmpi slt, %sub3A_59, %sign3A_65 : i32
    %sign3A_67 = arith.extui %sign3A_66 : i1 to i32
    %sign3A_68 = arith.subi %sign3A_64, %sign3A_67 : i32
    %sign3A_69 = arith.constant 0 : i32
    %sign3A_70 = arith.cmpi sgt, %jit3A_60, %sign3A_69 : i32
    %sign3A_71 = arith.extui %sign3A_70 : i1 to i32
    %sign3A_72 = arith.constant 0 : i32
    %sign3A_73 = arith.cmpi slt, %jit3A_60, %sign3A_72 : i32
    %sign3A_74 = arith.extui %sign3A_73 : i1 to i32
    %sign3A_75 = arith.subi %sign3A_71, %sign3A_74 : i32
    %ne3A_76 = arith.cmpi ne, %sign3A_68, %sign3A_75 : i32
    %rem3A_77 = arith.remsi %sub3A_59, %jit3A_60 : i32
    %ne3A_78 = arith.constant 0 : i32
    %ne3A_79 = arith.cmpi ne, %rem3A_77, %ne3A_78 : i32
    %and3A_80 = arith.andi %ne3A_76, %ne3A_79 : i1
    %sub3A_81 = arith.constant 1 : i32
    %sub3A_82 = arith.subi %div3A_61, %sub3A_81 : i32
    %select_n3A_83 = arith.select %and3A_80, %sub3A_82, %div3A_61 : i32
    %min3A_84 = arith.constant 8 : i32
    %min3A_85 = arith.minsi %select_n3A_83, %min3A_84 : i32
    %while3A_86 = arith.constant 0 : i32
    %while3A_87 = arith.constant 0 : i32
    %while3A_88 = arith.subi %min3A_85, %while3A_87 : i32
    %while3A_89 = arith.addi %while3A_87, %while3A_88 : i32
    %while3A_90 = arith.constant 1 : i32
    %while3A_91 = arith.divsi %while3A_88, %while3A_90 : i32
    %while3A_92 = arith.muli %while3A_91, %while3A_90 : i32
    %while3A_93 = arith.addi %while3A_87, %while3A_92 : i32
    %while3A_94 = arith.constant 1 : i32
    scf.for %while3A_96 = %while3A_87 to %while3A_93 step %while3A_94  : i32 {
      %mul3A_97 = arith.constant 80 : i32
      %mul3A_98 = arith.muli %while3A_96, %mul3A_97 : i32
      %add3A_99 = arith.addi %mul3A_57, %mul3A_98 : i32
      "tpu.region"() ({
        %run_scoped3A_103 = tpu.sem_alloc : memref<!tpu.dma_semaphore, #tpu.memory_space<semaphore_mem>>
        %dma_start3A_104 = arith.constant 0 : i32
        %dma_start3A_105 = tpu.memref_slice %arg10[%add3A_99, %dma_start3A_104] : memref<10000x128xf32, #tpu.memory_space<vmem_shared>> -> memref<80x128xf32, #tpu.memory_space<vmem_shared>>
        %dma_start3A_106 = arith.constant 0 : i32
        %dma_start3A_107 = tpu.memref_slice %arg10[%add3A_99, %dma_start3A_106] : memref<10000x128xf32, #tpu.memory_space<vmem_shared>> -> memref<80x128xf32, #tpu.memory_space<vmem_shared>>
        tpu.enqueue_dma source(%dma_start3A_107 : memref<80x128xf32, #tpu.memory_space<vmem_shared>>) target(%arg8 : memref<80x128xf32, #tpu.memory_space<vmem>>) target_semaphore(%run_scoped3A_103 : memref<!tpu.dma_semaphore, #tpu.memory_space<semaphore_mem>>)
        %dma_wait3A_108 = arith.constant 0 : i32
        %dma_wait3A_109 = tpu.memref_slice %arg10[%add3A_99, %dma_wait3A_108] : memref<10000x128xf32, #tpu.memory_space<vmem_shared>> -> memref<80x128xf32, #tpu.memory_space<vmem_shared>>
        %dma_wait3A_110 = arith.constant 0 : i32
        %dma_wait3A_111 = tpu.memref_slice %arg10[%add3A_99, %dma_wait3A_110] : memref<10000x128xf32, #tpu.memory_space<vmem_shared>> -> memref<80x128xf32, #tpu.memory_space<vmem_shared>>
        tpu.wait_dma2 semaphore(%run_scoped3A_103 : memref<!tpu.dma_semaphore, #tpu.memory_space<semaphore_mem>>) src(%dma_wait3A_111 : memref<80x128xf32, #tpu.memory_space<vmem_shared>>) dst(%arg8 : memref<80x128xf32, #tpu.memory_space<vmem>>)
        tpu.yield
      }) : () -> ()
      %mul3A_100 = arith.constant 10000 : i32
      %mul3A_101 = arith.muli %arg0, %mul3A_100 : i32
      %add3A_102 = arith.addi %mul3A_101, %add3A_99 : i32
      "tpu.region"() ({
        %run_scoped3A_103 = tpu.sem_alloc : memref<!tpu.dma_semaphore, #tpu.memory_space<semaphore_mem>>
        %dma_start3A_104 = arith.constant 0 : i32
        %dma_start3A_105 = tpu.memref_slice %arg5[%add3A_102, %dma_start3A_104] : memref<20000x128xf32, #tpu.memory_space<hbm>> -> memref<80x128xf32, #tpu.memory_space<hbm>>
        %dma_start3A_106 = arith.constant 0 : i32
        %dma_start3A_107 = tpu.memref_slice %arg5[%add3A_102, %dma_start3A_106] : memref<20000x128xf32, #tpu.memory_space<hbm>> -> memref<80x128xf32, #tpu.memory_space<hbm>>
        tpu.enqueue_dma source(%arg8 : memref<80x128xf32, #tpu.memory_space<vmem>>) target(%dma_start3A_107 : memref<80x128xf32, #tpu.memory_space<hbm>>) target_semaphore(%run_scoped3A_103 : memref<!tpu.dma_semaphore, #tpu.memory_space<semaphore_mem>>)
        %dma_wait3A_108 = arith.constant 0 : i32
        %dma_wait3A_109 = tpu.memref_slice %arg5[%add3A_102, %dma_wait3A_108] : memref<20000x128xf32, #tpu.memory_space<hbm>> -> memref<80x128xf32, #tpu.memory_space<hbm>>
        %dma_wait3A_110 = arith.constant 0 : i32
        %dma_wait3A_111 = tpu.memref_slice %arg5[%add3A_102, %dma_wait3A_110] : memref<20000x128xf32, #tpu.memory_space<hbm>> -> memref<80x128xf32, #tpu.memory_space<hbm>>
        tpu.wait_dma2 semaphore(%run_scoped3A_103 : memref<!tpu.dma_semaphore, #tpu.memory_space<semaphore_mem>>) src(%arg8 : memref<80x128xf32, #tpu.memory_space<vmem>>) dst(%dma_wait3A_111 : memref<80x128xf32, #tpu.memory_space<hbm>>)
        tpu.yield
      }) : () -> ()
    }
    %while3A_95 = arith.constant 1 : i32
    scf.for %while3A_96 = %while3A_93 to %while3A_89 step %while3A_95  : i32 {
      %mul3A_97 = arith.constant 80 : i32
      %mul3A_98 = arith.muli %while3A_96, %mul3A_97 : i32
      %add3A_99 = arith.addi %mul3A_57, %mul3A_98 : i32
      "tpu.region"() ({
        %run_scoped3A_103 = tpu.sem_alloc : memref<!tpu.dma_semaphore, #tpu.memory_space<semaphore_mem>>
        %dma_start3A_104 = arith.constant 0 : i32
        %dma_start3A_105 = tpu.memref_slice %arg10[%add3A_99, %dma_start3A_104] : memref<10000x128xf32, #tpu.memory_space<vmem_shared>> -> memref<80x128xf32, #tpu.memory_space<vmem_shared>>
        %dma_start3A_106 = arith.constant 0 : i32
        %dma_start3A_107 = tpu.memref_slice %arg10[%add3A_99, %dma_start3A_106] : memref<10000x128xf32, #tpu.memory_space<vmem_shared>> -> memref<80x128xf32, #tpu.memory_space<vmem_shared>>
        tpu.enqueue_dma source(%dma_start3A_107 : memref<80x128xf32, #tpu.memory_space<vmem_shared>>) target(%arg8 : memref<80x128xf32, #tpu.memory_space<vmem>>) target_semaphore(%run_scoped3A_103 : memref<!tpu.dma_semaphore, #tpu.memory_space<semaphore_mem>>)
        %dma_wait3A_108 = arith.constant 0 : i32
        %dma_wait3A_109 = tpu.memref_slice %arg10[%add3A_99, %dma_wait3A_108] : memref<10000x128xf32, #tpu.memory_space<vmem_shared>> -> memref<80x128xf32, #tpu.memory_space<vmem_shared>>
        %dma_wait3A_110 = arith.constant 0 : i32
        %dma_wait3A_111 = tpu.memref_slice %arg10[%add3A_99, %dma_wait3A_110] : memref<10000x128xf32, #tpu.memory_space<vmem_shared>> -> memref<80x128xf32, #tpu.memory_space<vmem_shared>>
        tpu.wait_dma2 semaphore(%run_scoped3A_103 : memref<!tpu.dma_semaphore, #tpu.memory_space<semaphore_mem>>) src(%dma_wait3A_111 : memref<80x128xf32, #tpu.memory_space<vmem_shared>>) dst(%arg8 : memref<80x128xf32, #tpu.memory_space<vmem>>)
        tpu.yield
      }) : () -> ()
      %mul3A_100 = arith.constant 10000 : i32
      %mul3A_101 = arith.muli %arg0, %mul3A_100 : i32
      %add3A_102 = arith.addi %mul3A_101, %add3A_99 : i32
      "tpu.region"() ({
        %run_scoped3A_103 = tpu.sem_alloc : memref<!tpu.dma_semaphore, #tpu.memory_space<semaphore_mem>>
        %dma_start3A_104 = arith.constant 0 : i32
        %dma_start3A_105 = tpu.memref_slice %arg5[%add3A_102, %dma_start3A_104] : memref<20000x128xf32, #tpu.memory_space<hbm>> -> memref<80x128xf32, #tpu.memory_space<hbm>>
        %dma_start3A_106 = arith.constant 0 : i32
        %dma_start3A_107 = tpu.memref_slice %arg5[%add3A_102, %dma_start3A_106] : memref<20000x128xf32, #tpu.memory_space<hbm>> -> memref<80x128xf32, #tpu.memory_space<hbm>>
        tpu.enqueue_dma source(%arg8 : memref<80x128xf32, #tpu.memory_space<vmem>>) target(%dma_start3A_107 : memref<80x128xf32, #tpu.memory_space<hbm>>) target_semaphore(%run_scoped3A_103 : memref<!tpu.dma_semaphore, #tpu.memory_space<semaphore_mem>>)
        %dma_wait3A_108 = arith.constant 0 : i32
        %dma_wait3A_109 = tpu.memref_slice %arg5[%add3A_102, %dma_wait3A_108] : memref<20000x128xf32, #tpu.memory_space<hbm>> -> memref<80x128xf32, #tpu.memory_space<hbm>>
        %dma_wait3A_110 = arith.constant 0 : i32
        %dma_wait3A_111 = tpu.memref_slice %arg5[%add3A_102, %dma_wait3A_110] : memref<20000x128xf32, #tpu.memory_space<hbm>> -> memref<80x128xf32, #tpu.memory_space<hbm>>
        tpu.wait_dma2 semaphore(%run_scoped3A_103 : memref<!tpu.dma_semaphore, #tpu.memory_space<semaphore_mem>>) src(%arg8 : memref<80x128xf32, #tpu.memory_space<vmem>>) dst(%dma_wait3A_111 : memref<80x128xf32, #tpu.memory_space<hbm>>)
        tpu.yield
      }) : () -> ()
    }
    return
  }
}

#map = affine_map<(d0, d1) -> (0, 0)>
module attributes {stable_mosaic.version = 14 : i64} {
  func.func @_count_sc_body(%arg0: i32, %arg1: i32, %arg2: memref<1280x125xi32, #tpu.memory_space<hbm>>, %arg3: memref<20000x128xf32, #tpu.memory_space<hbm>>, %arg4: memref<40x125xi32, #tpu.memory_space<vmem>>, %arg5: memref<125x128xf32, #tpu.memory_space<vmem>>, %arg6: memref<80x128xf32, #tpu.memory_space<vmem>>, %arg7: memref<10000x128xf32, #tpu.memory_space<vmem_shared>>) attributes {dimension_semantics = [#tpu.dimension_semantics<core_parallel>, #tpu.dimension_semantics<subcore_parallel>], iteration_bounds = array<i64: 2, 16>, scalar_prefetch = 0 : i64, scratch_operands = 4 : i64, tpu.core_type = #tpu.core_type<sc_vector_subcore>, window_params = [{transform_indices = #map}, {transform_indices = #map}]} {
    %broadcast_in_dim3A = arith.constant 0.000000e+00 : f32
    %broadcast_in_dim3A_0 = vector.broadcast %broadcast_in_dim3A : f32 to vector<16xf32>
    %scan3A = arith.constant 0 : i32
    %scan3A_1 = arith.constant 0 : i32
    %scan3A_2 = arith.constant 80 : i32
    %scan3A_3 = arith.addi %scan3A_1, %scan3A_2 : i32
    %scan3A_4 = arith.constant 1 : i32
    scf.for %scan3A_94 = %scan3A_1 to %scan3A_3 step %scan3A_4  : i32 {
      %swap3A = arith.index_cast %scan3A_94 : i32 to index
      %swap3A_95 = arith.constant 0 : index
      %swap3A_96 = tpu.vector_load %arg6[%swap3A, %swap3A_95] {strides = array<i32>} : memref<80x128xf32, #tpu.memory_space<vmem>>, vector<1x16xf32>,
      %swap3A_97 = vector.shape_cast %swap3A_96 : vector<1x16xf32> to vector<16xf32>
      %swap3A_98 = vector.shape_cast %broadcast_in_dim3A_0 : vector<16xf32> to vector<1x16xf32>
      tpu.vector_store %arg6[%swap3A, %swap3A_95], %swap3A_98 {strides = array<i32>} : memref<80x128xf32, #tpu.memory_space<vmem>>, vector<1x16xf32>,
      %swap3A_99 = arith.index_cast %scan3A_94 : i32 to index
      %swap3A_100 = arith.constant 16 : index
      %swap3A_101 = tpu.vector_load %arg6[%swap3A_99, %swap3A_100] {strides = array<i32>} : memref<80x128xf32, #tpu.memory_space<vmem>>, vector<1x16xf32>,
      %swap3A_102 = vector.shape_cast %swap3A_101 : vector<1x16xf32> to vector<16xf32>
      %swap3A_103 = vector.shape_cast %broadcast_in_dim3A_0 : vector<16xf32> to vector<1x16xf32>
      tpu.vector_store %arg6[%swap3A_99, %swap3A_100], %swap3A_103 {strides = array<i32>} : memref<80x128xf32, #tpu.memory_space<vmem>>, vector<1x16xf32>,
      %swap3A_104 = arith.index_cast %scan3A_94 : i32 to index
      %swap3A_105 = arith.constant 32 : index
      %swap3A_106 = tpu.vector_load %arg6[%swap3A_104, %swap3A_105] {strides = array<i32>} : memref<80x128xf32, #tpu.memory_space<vmem>>, vector<1x16xf32>,
      %swap3A_107 = vector.shape_cast %swap3A_106 : vector<1x16xf32> to vector<16xf32>
      %swap3A_108 = vector.shape_cast %broadcast_in_dim3A_0 : vector<16xf32> to vector<1x16xf32>
      tpu.vector_store %arg6[%swap3A_104, %swap3A_105], %swap3A_108 {strides = array<i32>} : memref<80x128xf32, #tpu.memory_space<vmem>>, vector<1x16xf32>,
      %swap3A_109 = arith.index_cast %scan3A_94 : i32 to index
      %swap3A_110 = arith.constant 48 : index
      %swap3A_111 = tpu.vector_load %arg6[%swap3A_109, %swap3A_110] {strides = array<i32>} : memref<80x128xf32, #tpu.memory_space<vmem>>, vector<1x16xf32>,
      %swap3A_112 = vector.shape_cast %swap3A_111 : vector<1x16xf32> to vector<16xf32>
      %swap3A_113 = vector.shape_cast %broadcast_in_dim3A_0 : vector<16xf32> to vector<1x16xf32>
      tpu.vector_store %arg6[%swap3A_109, %swap3A_110], %swap3A_113 {strides = array<i32>} : memref<80x128xf32, #tpu.memory_space<vmem>>, vector<1x16xf32>,
      %swap3A_114 = arith.index_cast %scan3A_94 : i32 to index
      %swap3A_115 = arith.constant 64 : index
      %swap3A_116 = tpu.vector_load %arg6[%swap3A_114, %swap3A_115] {strides = array<i32>} : memref<80x128xf32, #tpu.memory_space<vmem>>, vector<1x16xf32>,
      %swap3A_117 = vector.shape_cast %swap3A_116 : vector<1x16xf32> to vector<16xf32>
      %swap3A_118 = vector.shape_cast %broadcast_in_dim3A_0 : vector<16xf32> to vector<1x16xf32>
      tpu.vector_store %arg6[%swap3A_114, %swap3A_115], %swap3A_118 {strides = array<i32>} : memref<80x128xf32, #tpu.memory_space<vmem>>, vector<1x16xf32>,
      %swap3A_119 = arith.index_cast %scan3A_94 : i32 to index
      %swap3A_120 = arith.constant 80 : index
      %swap3A_121 = tpu.vector_load %arg6[%swap3A_119, %swap3A_120] {strides = array<i32>} : memref<80x128xf32, #tpu.memory_space<vmem>>, vector<1x16xf32>,
      %swap3A_122 = vector.shape_cast %swap3A_121 : vector<1x16xf32> to vector<16xf32>
      %swap3A_123 = vector.shape_cast %broadcast_in_dim3A_0 : vector<16xf32> to vector<1x16xf32>
      tpu.vector_store %arg6[%swap3A_119, %swap3A_120], %swap3A_123 {strides = array<i32>} : memref<80x128xf32, #tpu.memory_space<vmem>>, vector<1x16xf32>,
      %swap3A_124 = arith.index_cast %scan3A_94 : i32 to index
      %swap3A_125 = arith.constant 96 : index
      %swap3A_126 = tpu.vector_load %arg6[%swap3A_124, %swap3A_125] {strides = array<i32>} : memref<80x128xf32, #tpu.memory_space<vmem>>, vector<1x16xf32>,
      %swap3A_127 = vector.shape_cast %swap3A_126 : vector<1x16xf32> to vector<16xf32>
      %swap3A_128 = vector.shape_cast %broadcast_in_dim3A_0 : vector<16xf32> to vector<1x16xf32>
      tpu.vector_store %arg6[%swap3A_124, %swap3A_125], %swap3A_128 {strides = array<i32>} : memref<80x128xf32, #tpu.memory_space<vmem>>, vector<1x16xf32>,
      %swap3A_129 = arith.index_cast %scan3A_94 : i32 to index
      %swap3A_130 = arith.constant 112 : index
      %swap3A_131 = tpu.vector_load %arg6[%swap3A_129, %swap3A_130] {strides = array<i32>} : memref<80x128xf32, #tpu.memory_space<vmem>>, vector<1x16xf32>,
      %swap3A_132 = vector.shape_cast %swap3A_131 : vector<1x16xf32> to vector<16xf32>
      %swap3A_133 = vector.shape_cast %broadcast_in_dim3A_0 : vector<16xf32> to vector<1x16xf32>
      tpu.vector_store %arg6[%swap3A_129, %swap3A_130], %swap3A_133 {strides = array<i32>} : memref<80x128xf32, #tpu.memory_space<vmem>>, vector<1x16xf32>,
    }
    %scan3A_5 = arith.constant 80 : i32
    %broadcast_in_dim3A_6 = arith.constant 1.000000e+00 : f32
    %broadcast_in_dim3A_7 = vector.broadcast %broadcast_in_dim3A_6 : f32 to vector<16xf32>
    %scan3A_8 = arith.constant 0 : i32
    %scan3A_9 = arith.constant 0 : i32
    %scan3A_10 = arith.constant 125 : i32
    %scan3A_11 = arith.addi %scan3A_9, %scan3A_10 : i32
    %scan3A_12 = arith.constant 1 : i32
    scf.for %scan3A_94 = %scan3A_9 to %scan3A_11 step %scan3A_12  : i32 {
      %swap3A = arith.index_cast %scan3A_94 : i32 to index
      %swap3A_95 = arith.constant 0 : index
      %swap3A_96 = tpu.vector_load %arg5[%swap3A, %swap3A_95] {strides = array<i32>} : memref<125x128xf32, #tpu.memory_space<vmem>>, vector<1x16xf32>,
      %swap3A_97 = vector.shape_cast %swap3A_96 : vector<1x16xf32> to vector<16xf32>
      %swap3A_98 = vector.shape_cast %broadcast_in_dim3A_7 : vector<16xf32> to vector<1x16xf32>
      tpu.vector_store %arg5[%swap3A, %swap3A_95], %swap3A_98 {strides = array<i32>} : memref<125x128xf32, #tpu.memory_space<vmem>>, vector<1x16xf32>,
      %swap3A_99 = arith.index_cast %scan3A_94 : i32 to index
      %swap3A_100 = arith.constant 16 : index
      %swap3A_101 = tpu.vector_load %arg5[%swap3A_99, %swap3A_100] {strides = array<i32>} : memref<125x128xf32, #tpu.memory_space<vmem>>, vector<1x16xf32>,
      %swap3A_102 = vector.shape_cast %swap3A_101 : vector<1x16xf32> to vector<16xf32>
      %swap3A_103 = vector.shape_cast %broadcast_in_dim3A_7 : vector<16xf32> to vector<1x16xf32>
      tpu.vector_store %arg5[%swap3A_99, %swap3A_100], %swap3A_103 {strides = array<i32>} : memref<125x128xf32, #tpu.memory_space<vmem>>, vector<1x16xf32>,
      %swap3A_104 = arith.index_cast %scan3A_94 : i32 to index
      %swap3A_105 = arith.constant 32 : index
      %swap3A_106 = tpu.vector_load %arg5[%swap3A_104, %swap3A_105] {strides = array<i32>} : memref<125x128xf32, #tpu.memory_space<vmem>>, vector<1x16xf32>,
      %swap3A_107 = vector.shape_cast %swap3A_106 : vector<1x16xf32> to vector<16xf32>
      %swap3A_108 = vector.shape_cast %broadcast_in_dim3A_7 : vector<16xf32> to vector<1x16xf32>
      tpu.vector_store %arg5[%swap3A_104, %swap3A_105], %swap3A_108 {strides = array<i32>} : memref<125x128xf32, #tpu.memory_space<vmem>>, vector<1x16xf32>,
      %swap3A_109 = arith.index_cast %scan3A_94 : i32 to index
      %swap3A_110 = arith.constant 48 : index
      %swap3A_111 = tpu.vector_load %arg5[%swap3A_109, %swap3A_110] {strides = array<i32>} : memref<125x128xf32, #tpu.memory_space<vmem>>, vector<1x16xf32>,
      %swap3A_112 = vector.shape_cast %swap3A_111 : vector<1x16xf32> to vector<16xf32>
      %swap3A_113 = vector.shape_cast %broadcast_in_dim3A_7 : vector<16xf32> to vector<1x16xf32>
      tpu.vector_store %arg5[%swap3A_109, %swap3A_110], %swap3A_113 {strides = array<i32>} : memref<125x128xf32, #tpu.memory_space<vmem>>, vector<1x16xf32>,
      %swap3A_114 = arith.index_cast %scan3A_94 : i32 to index
      %swap3A_115 = arith.constant 64 : index
      %swap3A_116 = tpu.vector_load %arg5[%swap3A_114, %swap3A_115] {strides = array<i32>} : memref<125x128xf32, #tpu.memory_space<vmem>>, vector<1x16xf32>,
      %swap3A_117 = vector.shape_cast %swap3A_116 : vector<1x16xf32> to vector<16xf32>
      %swap3A_118 = vector.shape_cast %broadcast_in_dim3A_7 : vector<16xf32> to vector<1x16xf32>
      tpu.vector_store %arg5[%swap3A_114, %swap3A_115], %swap3A_118 {strides = array<i32>} : memref<125x128xf32, #tpu.memory_space<vmem>>, vector<1x16xf32>,
      %swap3A_119 = arith.index_cast %scan3A_94 : i32 to index
      %swap3A_120 = arith.constant 80 : index
      %swap3A_121 = tpu.vector_load %arg5[%swap3A_119, %swap3A_120] {strides = array<i32>} : memref<125x128xf32, #tpu.memory_space<vmem>>, vector<1x16xf32>,
      %swap3A_122 = vector.shape_cast %swap3A_121 : vector<1x16xf32> to vector<16xf32>
      %swap3A_123 = vector.shape_cast %broadcast_in_dim3A_7 : vector<16xf32> to vector<1x16xf32>
      tpu.vector_store %arg5[%swap3A_119, %swap3A_120], %swap3A_123 {strides = array<i32>} : memref<125x128xf32, #tpu.memory_space<vmem>>, vector<1x16xf32>,
      %swap3A_124 = arith.index_cast %scan3A_94 : i32 to index
      %swap3A_125 = arith.constant 96 : index
      %swap3A_126 = tpu.vector_load %arg5[%swap3A_124, %swap3A_125] {strides = array<i32>} : memref<125x128xf32, #tpu.memory_space<vmem>>, vector<1x16xf32>,
      %swap3A_127 = vector.shape_cast %swap3A_126 : vector<1x16xf32> to vector<16xf32>
      %swap3A_128 = vector.shape_cast %broadcast_in_dim3A_7 : vector<16xf32> to vector<1x16xf32>
      tpu.vector_store %arg5[%swap3A_124, %swap3A_125], %swap3A_128 {strides = array<i32>} : memref<125x128xf32, #tpu.memory_space<vmem>>, vector<1x16xf32>,
      %swap3A_129 = arith.index_cast %scan3A_94 : i32 to index
      %swap3A_130 = arith.constant 112 : index
      %swap3A_131 = tpu.vector_load %arg5[%swap3A_129, %swap3A_130] {strides = array<i32>} : memref<125x128xf32, #tpu.memory_space<vmem>>, vector<1x16xf32>,
      %swap3A_132 = vector.shape_cast %swap3A_131 : vector<1x16xf32> to vector<16xf32>
      %swap3A_133 = vector.shape_cast %broadcast_in_dim3A_7 : vector<16xf32> to vector<1x16xf32>
      tpu.vector_store %arg5[%swap3A_129, %swap3A_130], %swap3A_133 {strides = array<i32>} : memref<125x128xf32, #tpu.memory_space<vmem>>, vector<1x16xf32>,
    }
    %scan3A_13 = arith.constant 125 : i32
    %mul3A = arith.constant 640 : i32
    %mul3A_14 = arith.muli %arg1, %mul3A : i32
    %sub3A = arith.constant 10000 : i32
    %sub3A_15 = arith.subi %sub3A, %mul3A_14 : i32
    %jit3A = arith.constant 80 : i32
    %div3A = arith.divsi %sub3A_15, %jit3A : i32
    %sign3A = arith.constant 0 : i32
    %sign3A_16 = arith.cmpi sgt, %sub3A_15, %sign3A : i32
    %sign3A_17 = arith.extui %sign3A_16 : i1 to i32
    %sign3A_18 = arith.constant 0 : i32
    %sign3A_19 = arith.cmpi slt, %sub3A_15, %sign3A_18 : i32
    %sign3A_20 = arith.extui %sign3A_19 : i1 to i32
    %sign3A_21 = arith.subi %sign3A_17, %sign3A_20 : i32
    %sign3A_22 = arith.constant 0 : i32
    %sign3A_23 = arith.cmpi sgt, %jit3A, %sign3A_22 : i32
    %sign3A_24 = arith.extui %sign3A_23 : i1 to i32
    %sign3A_25 = arith.constant 0 : i32
    %sign3A_26 = arith.cmpi slt, %jit3A, %sign3A_25 : i32
    %sign3A_27 = arith.extui %sign3A_26 : i1 to i32
    %sign3A_28 = arith.subi %sign3A_24, %sign3A_27 : i32
    %ne3A = arith.cmpi ne, %sign3A_21, %sign3A_28 : i32
    %rem3A = arith.remsi %sub3A_15, %jit3A : i32
    %ne3A_29 = arith.constant 0 : i32
    %ne3A_30 = arith.cmpi ne, %rem3A, %ne3A_29 : i32
    %and3A = arith.andi %ne3A, %ne3A_30 : i1
    %sub3A_31 = arith.constant 1 : i32
    %sub3A_32 = arith.subi %div3A, %sub3A_31 : i32
    %select_n3A = arith.select %and3A, %sub3A_32, %div3A : i32
    %min3A = arith.constant 8 : i32
    %min3A_33 = arith.minsi %select_n3A, %min3A : i32
    %while3A = arith.constant 0 : i32
    %while3A_34 = arith.constant 0 : i32
    %while3A_35 = arith.subi %min3A_33, %while3A_34 : i32
    %while3A_36 = arith.addi %while3A_34, %while3A_35 : i32
    %while3A_37 = arith.constant 1 : i32
    %while3A_38 = arith.divsi %while3A_35, %while3A_37 : i32
    %while3A_39 = arith.muli %while3A_38, %while3A_37 : i32
    %while3A_40 = arith.addi %while3A_34, %while3A_39 : i32
    %while3A_41 = arith.constant 1 : i32
    scf.for %while3A_94 = %while3A_34 to %while3A_40 step %while3A_41  : i32 {
      %mul3A_95 = arith.constant 80 : i32
      %mul3A_96 = arith.muli %while3A_94, %mul3A_95 : i32
      %add3A_97 = arith.addi %mul3A_14, %mul3A_96 : i32
      "tpu.region"() ({
        %run_scoped3A = tpu.sem_alloc : memref<!tpu.dma_semaphore, #tpu.memory_space<semaphore_mem>>
        %dma_start3A = arith.constant 0 : i32
        %dma_start3A_98 = tpu.memref_slice %arg7[%add3A_97, %dma_start3A] : memref<10000x128xf32, #tpu.memory_space<vmem_shared>> -> memref<80x128xf32, #tpu.memory_space<vmem_shared>>
        %dma_start3A_99 = arith.constant 0 : i32
        %dma_start3A_100 = tpu.memref_slice %arg7[%add3A_97, %dma_start3A_99] : memref<10000x128xf32, #tpu.memory_space<vmem_shared>> -> memref<80x128xf32, #tpu.memory_space<vmem_shared>>
        tpu.enqueue_dma source(%arg6 : memref<80x128xf32, #tpu.memory_space<vmem>>) target(%dma_start3A_100 : memref<80x128xf32, #tpu.memory_space<vmem_shared>>) target_semaphore(%run_scoped3A : memref<!tpu.dma_semaphore, #tpu.memory_space<semaphore_mem>>)
        %dma_wait3A = arith.constant 0 : i32
        %dma_wait3A_101 = tpu.memref_slice %arg7[%add3A_97, %dma_wait3A] : memref<10000x128xf32, #tpu.memory_space<vmem_shared>> -> memref<80x128xf32, #tpu.memory_space<vmem_shared>>
        %dma_wait3A_102 = arith.constant 0 : i32
        %dma_wait3A_103 = tpu.memref_slice %arg7[%add3A_97, %dma_wait3A_102] : memref<10000x128xf32, #tpu.memory_space<vmem_shared>> -> memref<80x128xf32, #tpu.memory_space<vmem_shared>>
        tpu.wait_dma2 semaphore(%run_scoped3A : memref<!tpu.dma_semaphore, #tpu.memory_space<semaphore_mem>>) src(%arg6 : memref<80x128xf32, #tpu.memory_space<vmem>>) dst(%dma_wait3A_103 : memref<80x128xf32, #tpu.memory_space<vmem_shared>>)
        tpu.yield
      }) : () -> ()
    }
    %while3A_42 = arith.constant 1 : i32
    scf.for %while3A_94 = %while3A_40 to %while3A_36 step %while3A_42  : i32 {
      %mul3A_95 = arith.constant 80 : i32
      %mul3A_96 = arith.muli %while3A_94, %mul3A_95 : i32
      %add3A_97 = arith.addi %mul3A_14, %mul3A_96 : i32
      "tpu.region"() ({
        %run_scoped3A = tpu.sem_alloc : memref<!tpu.dma_semaphore, #tpu.memory_space<semaphore_mem>>
        %dma_start3A = arith.constant 0 : i32
        %dma_start3A_98 = tpu.memref_slice %arg7[%add3A_97, %dma_start3A] : memref<10000x128xf32, #tpu.memory_space<vmem_shared>> -> memref<80x128xf32, #tpu.memory_space<vmem_shared>>
        %dma_start3A_99 = arith.constant 0 : i32
        %dma_start3A_100 = tpu.memref_slice %arg7[%add3A_97, %dma_start3A_99] : memref<10000x128xf32, #tpu.memory_space<vmem_shared>> -> memref<80x128xf32, #tpu.memory_space<vmem_shared>>
        tpu.enqueue_dma source(%arg6 : memref<80x128xf32, #tpu.memory_space<vmem>>) target(%dma_start3A_100 : memref<80x128xf32, #tpu.memory_space<vmem_shared>>) target_semaphore(%run_scoped3A : memref<!tpu.dma_semaphore, #tpu.memory_space<semaphore_mem>>)
        %dma_wait3A = arith.constant 0 : i32
        %dma_wait3A_101 = tpu.memref_slice %arg7[%add3A_97, %dma_wait3A] : memref<10000x128xf32, #tpu.memory_space<vmem_shared>> -> memref<80x128xf32, #tpu.memory_space<vmem_shared>>
        %dma_wait3A_102 = arith.constant 0 : i32
        %dma_wait3A_103 = tpu.memref_slice %arg7[%add3A_97, %dma_wait3A_102] : memref<10000x128xf32, #tpu.memory_space<vmem_shared>> -> memref<80x128xf32, #tpu.memory_space<vmem_shared>>
        tpu.wait_dma2 semaphore(%run_scoped3A : memref<!tpu.dma_semaphore, #tpu.memory_space<semaphore_mem>>) src(%arg6 : memref<80x128xf32, #tpu.memory_space<vmem>>) dst(%dma_wait3A_103 : memref<80x128xf32, #tpu.memory_space<vmem_shared>>)
        tpu.yield
      }) : () -> ()
    }
    %mul3A_43 = arith.constant 16 : i32
    %mul3A_44 = arith.muli %arg0, %mul3A_43 : i32
    %add3A = arith.addi %mul3A_44, %arg1 : i32
    %mul3A_45 = arith.constant 40 : i32
    %mul3A_46 = arith.muli %add3A, %mul3A_45 : i32
    "tpu.region"() ({
      %run_scoped3A = tpu.sem_alloc : memref<!tpu.dma_semaphore, #tpu.memory_space<semaphore_mem>>
      %dma_start3A = arith.constant 0 : i32
      %dma_start3A_94 = tpu.memref_slice %arg2[%mul3A_46, %dma_start3A] : memref<1280x125xi32, #tpu.memory_space<hbm>> -> memref<40x125xi32, #tpu.memory_space<hbm>>
      %dma_start3A_95 = arith.constant 0 : i32
      %dma_start3A_96 = tpu.memref_slice %arg2[%mul3A_46, %dma_start3A_95] : memref<1280x125xi32, #tpu.memory_space<hbm>> -> memref<40x125xi32, #tpu.memory_space<hbm>>
      tpu.enqueue_dma source(%dma_start3A_96 : memref<40x125xi32, #tpu.memory_space<hbm>>) target(%arg4 : memref<40x125xi32, #tpu.memory_space<vmem>>) target_semaphore(%run_scoped3A : memref<!tpu.dma_semaphore, #tpu.memory_space<semaphore_mem>>)
      %dma_wait3A = arith.constant 0 : i32
      %dma_wait3A_97 = tpu.memref_slice %arg2[%mul3A_46, %dma_wait3A] : memref<1280x125xi32, #tpu.memory_space<hbm>> -> memref<40x125xi32, #tpu.memory_space<hbm>>
      %dma_wait3A_98 = arith.constant 0 : i32
      %dma_wait3A_99 = tpu.memref_slice %arg2[%mul3A_46, %dma_wait3A_98] : memref<1280x125xi32, #tpu.memory_space<hbm>> -> memref<40x125xi32, #tpu.memory_space<hbm>>
      tpu.wait_dma2 semaphore(%run_scoped3A : memref<!tpu.dma_semaphore, #tpu.memory_space<semaphore_mem>>) src(%dma_wait3A_99 : memref<40x125xi32, #tpu.memory_space<hbm>>) dst(%arg4 : memref<40x125xi32, #tpu.memory_space<vmem>>)
      tpu.yield
    }) : () -> ()
    %barrier3A = arith.constant 0 : index
    tpu.barrier barrier_id(%barrier3A)
    %scan3A_47 = arith.constant 0 : i32
    %scan3A_48 = arith.constant 0 : i32
    %scan3A_49 = arith.constant 40 : i32
    %scan3A_50 = arith.addi %scan3A_48, %scan3A_49 : i32
    %scan3A_51 = arith.constant 1 : i32
    scf.for %scan3A_94 = %scan3A_48 to %scan3A_50 step %scan3A_51  : i32 {
      "tpu.region"() ({
        %run_scoped3A = tpu.sem_alloc : memref<!tpu.dma_semaphore, #tpu.memory_space<semaphore_mem>>
        %dma_start3A = arith.constant 0 : i32
        %dma_start3A_95 = tpu.memref_slice %arg4[%scan3A_94, %dma_start3A] : memref<40x125xi32, #tpu.memory_space<vmem>> -> memref<1x125xi32, #tpu.memory_space<vmem>>
        %dma_start3A_96 = tpu.memref_squeeze %dma_start3A_95 : memref<1x125xi32, #tpu.memory_space<vmem>> -> memref<125xi32, #tpu.memory_space<vmem>>
        %dma_start3A_97 = arith.constant 0 : i32
        %dma_start3A_98 = arith.constant 0 : i32
        %dma_start3A_99 = tpu.memref_slice %arg7[%dma_start3A_97, %dma_start3A_98] : memref<10000x128xf32, #tpu.memory_space<vmem_shared>> -> memref<10000x128xf32, #tpu.memory_space<vmem_shared>>
        tpu.enqueue_indirect_dma source(%arg5 : memref<125x128xf32, #tpu.memory_space<vmem>>) target(%dma_start3A_99 : memref<10000x128xf32, #tpu.memory_space<vmem_shared>>) offsets(%dma_start3A_96 : memref<125xi32, #tpu.memory_space<vmem>>) semaphore(%run_scoped3A : memref<!tpu.dma_semaphore, #tpu.memory_space<semaphore_mem>>) {add = true}
        %dma_wait3A = arith.constant 0 : i32
        %dma_wait3A_100 = tpu.memref_slice %arg4[%scan3A_94, %dma_wait3A] : memref<40x125xi32, #tpu.memory_space<vmem>> -> memref<1x125xi32, #tpu.memory_space<vmem>>
        %dma_wait3A_101 = tpu.memref_squeeze %dma_wait3A_100 : memref<1x125xi32, #tpu.memory_space<vmem>> -> memref<125xi32, #tpu.memory_space<vmem>>
        %dma_wait3A_102 = arith.constant 0 : i32
        %dma_wait3A_103 = arith.constant 0 : i32
        %dma_wait3A_104 = tpu.memref_slice %arg7[%dma_wait3A_102, %dma_wait3A_103] : memref<10000x128xf32, #tpu.memory_space<vmem_shared>> -> memref<10000x128xf32, #tpu.memory_space<vmem_shared>>
        tpu.wait_indirect_dma semaphore(%run_scoped3A : memref<!tpu.dma_semaphore, #tpu.memory_space<semaphore_mem>>) src(%arg5 : memref<125x128xf32, #tpu.memory_space<vmem>>) dst(%dma_wait3A_104 : memref<10000x128xf32, #tpu.memory_space<vmem_shared>>)
        tpu.yield
      }) : () -> ()
    }
    %scan3A_52 = arith.constant 40 : i32
    %barrier3A_53 = arith.constant 0 : index
    tpu.barrier barrier_id(%barrier3A_53)
    %mul3A_54 = arith.constant 640 : i32
    %mul3A_55 = arith.muli %arg1, %mul3A_54 : i32
    %sub3A_56 = arith.constant 10000 : i32
    %sub3A_57 = arith.subi %sub3A_56, %mul3A_55 : i32
    %jit3A_58 = arith.constant 80 : i32
    %div3A_59 = arith.divsi %sub3A_57, %jit3A_58 : i32
    %sign3A_60 = arith.constant 0 : i32
    %sign3A_61 = arith.cmpi sgt, %sub3A_57, %sign3A_60 : i32
    %sign3A_62 = arith.extui %sign3A_61 : i1 to i32
    %sign3A_63 = arith.constant 0 : i32
    %sign3A_64 = arith.cmpi slt, %sub3A_57, %sign3A_63 : i32
    %sign3A_65 = arith.extui %sign3A_64 : i1 to i32
    %sign3A_66 = arith.subi %sign3A_62, %sign3A_65 : i32
    %sign3A_67 = arith.constant 0 : i32
    %sign3A_68 = arith.cmpi sgt, %jit3A_58, %sign3A_67 : i32
    %sign3A_69 = arith.extui %sign3A_68 : i1 to i32
    %sign3A_70 = arith.constant 0 : i32
    %sign3A_71 = arith.cmpi slt, %jit3A_58, %sign3A_70 : i32
    %sign3A_72 = arith.extui %sign3A_71 : i1 to i32
    %sign3A_73 = arith.subi %sign3A_69, %sign3A_72 : i32
    %ne3A_74 = arith.cmpi ne, %sign3A_66, %sign3A_73 : i32
    %rem3A_75 = arith.remsi %sub3A_57, %jit3A_58 : i32
    %ne3A_76 = arith.constant 0 : i32
    %ne3A_77 = arith.cmpi ne, %rem3A_75, %ne3A_76 : i32
    %and3A_78 = arith.andi %ne3A_74, %ne3A_77 : i1
    %sub3A_79 = arith.constant 1 : i32
    %sub3A_80 = arith.subi %div3A_59, %sub3A_79 : i32
    %select_n3A_81 = arith.select %and3A_78, %sub3A_80, %div3A_59 : i32
    %min3A_82 = arith.constant 8 : i32
    %min3A_83 = arith.minsi %select_n3A_81, %min3A_82 : i32
    %while3A_84 = arith.constant 0 : i32
    %while3A_85 = arith.constant 0 : i32
    %while3A_86 = arith.subi %min3A_83, %while3A_85 : i32
    %while3A_87 = arith.addi %while3A_85, %while3A_86 : i32
    %while3A_88 = arith.constant 1 : i32
    %while3A_89 = arith.divsi %while3A_86, %while3A_88 : i32
    %while3A_90 = arith.muli %while3A_89, %while3A_88 : i32
    %while3A_91 = arith.addi %while3A_85, %while3A_90 : i32
    %while3A_92 = arith.constant 1 : i32
    scf.for %while3A_94 = %while3A_85 to %while3A_91 step %while3A_92  : i32 {
      %mul3A_95 = arith.constant 80 : i32
      %mul3A_96 = arith.muli %while3A_94, %mul3A_95 : i32
      %add3A_97 = arith.addi %mul3A_55, %mul3A_96 : i32
      "tpu.region"() ({
        %run_scoped3A = tpu.sem_alloc : memref<!tpu.dma_semaphore, #tpu.memory_space<semaphore_mem>>
        %dma_start3A = arith.constant 0 : i32
        %dma_start3A_101 = tpu.memref_slice %arg7[%add3A_97, %dma_start3A] : memref<10000x128xf32, #tpu.memory_space<vmem_shared>> -> memref<80x128xf32, #tpu.memory_space<vmem_shared>>
        %dma_start3A_102 = arith.constant 0 : i32
        %dma_start3A_103 = tpu.memref_slice %arg7[%add3A_97, %dma_start3A_102] : memref<10000x128xf32, #tpu.memory_space<vmem_shared>> -> memref<80x128xf32, #tpu.memory_space<vmem_shared>>
        tpu.enqueue_dma source(%dma_start3A_103 : memref<80x128xf32, #tpu.memory_space<vmem_shared>>) target(%arg6 : memref<80x128xf32, #tpu.memory_space<vmem>>) target_semaphore(%run_scoped3A : memref<!tpu.dma_semaphore, #tpu.memory_space<semaphore_mem>>)
        %dma_wait3A = arith.constant 0 : i32
        %dma_wait3A_104 = tpu.memref_slice %arg7[%add3A_97, %dma_wait3A] : memref<10000x128xf32, #tpu.memory_space<vmem_shared>> -> memref<80x128xf32, #tpu.memory_space<vmem_shared>>
        %dma_wait3A_105 = arith.constant 0 : i32
        %dma_wait3A_106 = tpu.memref_slice %arg7[%add3A_97, %dma_wait3A_105] : memref<10000x128xf32, #tpu.memory_space<vmem_shared>> -> memref<80x128xf32, #tpu.memory_space<vmem_shared>>
        tpu.wait_dma2 semaphore(%run_scoped3A : memref<!tpu.dma_semaphore, #tpu.memory_space<semaphore_mem>>) src(%dma_wait3A_106 : memref<80x128xf32, #tpu.memory_space<vmem_shared>>) dst(%arg6 : memref<80x128xf32, #tpu.memory_space<vmem>>)
        tpu.yield
      }) : () -> ()
      %mul3A_98 = arith.constant 10000 : i32
      %mul3A_99 = arith.muli %arg0, %mul3A_98 : i32
      %add3A_100 = arith.addi %mul3A_99, %add3A_97 : i32
      "tpu.region"() ({
        %run_scoped3A = tpu.sem_alloc : memref<!tpu.dma_semaphore, #tpu.memory_space<semaphore_mem>>
        %dma_start3A = arith.constant 0 : i32
        %dma_start3A_101 = tpu.memref_slice %arg3[%add3A_100, %dma_start3A] : memref<20000x128xf32, #tpu.memory_space<hbm>> -> memref<80x128xf32, #tpu.memory_space<hbm>>
        %dma_start3A_102 = arith.constant 0 : i32
        %dma_start3A_103 = tpu.memref_slice %arg3[%add3A_100, %dma_start3A_102] : memref<20000x128xf32, #tpu.memory_space<hbm>> -> memref<80x128xf32, #tpu.memory_space<hbm>>
        tpu.enqueue_dma source(%arg6 : memref<80x128xf32, #tpu.memory_space<vmem>>) target(%dma_start3A_103 : memref<80x128xf32, #tpu.memory_space<hbm>>) target_semaphore(%run_scoped3A : memref<!tpu.dma_semaphore, #tpu.memory_space<semaphore_mem>>)
        %dma_wait3A = arith.constant 0 : i32
        %dma_wait3A_104 = tpu.memref_slice %arg3[%add3A_100, %dma_wait3A] : memref<20000x128xf32, #tpu.memory_space<hbm>> -> memref<80x128xf32, #tpu.memory_space<hbm>>
        %dma_wait3A_105 = arith.constant 0 : i32
        %dma_wait3A_106 = tpu.memref_slice %arg3[%add3A_100, %dma_wait3A_105] : memref<20000x128xf32, #tpu.memory_space<hbm>> -> memref<80x128xf32, #tpu.memory_space<hbm>>
        tpu.wait_dma2 semaphore(%run_scoped3A : memref<!tpu.dma_semaphore, #tpu.memory_space<semaphore_mem>>) src(%arg6 : memref<80x128xf32, #tpu.memory_space<vmem>>) dst(%dma_wait3A_106 : memref<80x128xf32, #tpu.memory_space<hbm>>)
        tpu.yield
      }) : () -> ()
    }
    %while3A_93 = arith.constant 1 : i32
    scf.for %while3A_94 = %while3A_91 to %while3A_87 step %while3A_93  : i32 {
      %mul3A_95 = arith.constant 80 : i32
      %mul3A_96 = arith.muli %while3A_94, %mul3A_95 : i32
      %add3A_97 = arith.addi %mul3A_55, %mul3A_96 : i32
      "tpu.region"() ({
        %run_scoped3A = tpu.sem_alloc : memref<!tpu.dma_semaphore, #tpu.memory_space<semaphore_mem>>
        %dma_start3A = arith.constant 0 : i32
        %dma_start3A_101 = tpu.memref_slice %arg7[%add3A_97, %dma_start3A] : memref<10000x128xf32, #tpu.memory_space<vmem_shared>> -> memref<80x128xf32, #tpu.memory_space<vmem_shared>>
        %dma_start3A_102 = arith.constant 0 : i32
        %dma_start3A_103 = tpu.memref_slice %arg7[%add3A_97, %dma_start3A_102] : memref<10000x128xf32, #tpu.memory_space<vmem_shared>> -> memref<80x128xf32, #tpu.memory_space<vmem_shared>>
        tpu.enqueue_dma source(%dma_start3A_103 : memref<80x128xf32, #tpu.memory_space<vmem_shared>>) target(%arg6 : memref<80x128xf32, #tpu.memory_space<vmem>>) target_semaphore(%run_scoped3A : memref<!tpu.dma_semaphore, #tpu.memory_space<semaphore_mem>>)
        %dma_wait3A = arith.constant 0 : i32
        %dma_wait3A_104 = tpu.memref_slice %arg7[%add3A_97, %dma_wait3A] : memref<10000x128xf32, #tpu.memory_space<vmem_shared>> -> memref<80x128xf32, #tpu.memory_space<vmem_shared>>
        %dma_wait3A_105 = arith.constant 0 : i32
        %dma_wait3A_106 = tpu.memref_slice %arg7[%add3A_97, %dma_wait3A_105] : memref<10000x128xf32, #tpu.memory_space<vmem_shared>> -> memref<80x128xf32, #tpu.memory_space<vmem_shared>>
        tpu.wait_dma2 semaphore(%run_scoped3A : memref<!tpu.dma_semaphore, #tpu.memory_space<semaphore_mem>>) src(%dma_wait3A_106 : memref<80x128xf32, #tpu.memory_space<vmem_shared>>) dst(%arg6 : memref<80x128xf32, #tpu.memory_space<vmem>>)
        tpu.yield
      }) : () -> ()
      %mul3A_98 = arith.constant 10000 : i32
      %mul3A_99 = arith.muli %arg0, %mul3A_98 : i32
      %add3A_100 = arith.addi %mul3A_99, %add3A_97 : i32
      "tpu.region"() ({
        %run_scoped3A = tpu.sem_alloc : memref<!tpu.dma_semaphore, #tpu.memory_space<semaphore_mem>>
        %dma_start3A = arith.constant 0 : i32
        %dma_start3A_101 = tpu.memref_slice %arg3[%add3A_100, %dma_start3A] : memref<20000x128xf32, #tpu.memory_space<hbm>> -> memref<80x128xf32, #tpu.memory_space<hbm>>
        %dma_start3A_102 = arith.constant 0 : i32
        %dma_start3A_103 = tpu.memref_slice %arg3[%add3A_100, %dma_start3A_102] : memref<20000x128xf32, #tpu.memory_space<hbm>> -> memref<80x128xf32, #tpu.memory_space<hbm>>
        tpu.enqueue_dma source(%arg6 : memref<80x128xf32, #tpu.memory_space<vmem>>) target(%dma_start3A_103 : memref<80x128xf32, #tpu.memory_space<hbm>>) target_semaphore(%run_scoped3A : memref<!tpu.dma_semaphore, #tpu.memory_space<semaphore_mem>>)
        %dma_wait3A = arith.constant 0 : i32
        %dma_wait3A_104 = tpu.memref_slice %arg3[%add3A_100, %dma_wait3A] : memref<20000x128xf32, #tpu.memory_space<hbm>> -> memref<80x128xf32, #tpu.memory_space<hbm>>
        %dma_wait3A_105 = arith.constant 0 : i32
        %dma_wait3A_106 = tpu.memref_slice %arg3[%add3A_100, %dma_wait3A_105] : memref<20000x128xf32, #tpu.memory_space<hbm>> -> memref<80x128xf32, #tpu.memory_space<hbm>>
        tpu.wait_dma2 semaphore(%run_scoped3A : memref<!tpu.dma_semaphore, #tpu.memory_space<semaphore_mem>>) src(%arg6 : memref<80x128xf32, #tpu.memory_space<vmem>>) dst(%dma_wait3A_106 : memref<80x128xf32, #tpu.memory_space<hbm>>)
        tpu.yield
      }) : () -> ()
    }
    return
  }
}

module attributes {stable_mosaic.version = 14 : i64} {
  func.func @_encode_body(%arg0: i32, %arg1: i32, %arg2: memref<1000x9xi32, #tpu.memory_space<vmem>>, %arg3: memref<1152x128xf32, #tpu.memory_space<vmem>>, %arg4: memref<1000x128xf32, #tpu.memory_space<vmem>>) attributes {dimension_semantics = [#tpu.dimension_semantics<arbitrary>, #tpu.dimension_semantics<arbitrary>], iteration_bounds = array<i64: 2, 10>, scalar_prefetch = 0 : i64, scratch_operands = 0 : i64, tpu.core_type = #tpu.core_type<tc>, window_params = [{transform_indices = @transform_0, window_bounds = array<i64: 1000, 9>}, {transform_indices = @transform_1, window_bounds = array<i64: 1152, 128>}, {transform_indices = @transform_2, window_bounds = array<i64: 1000, 128>}]} {
    %get3A = arith.constant 0 : index
    %get3A_0 = arith.constant 0 : index
    %get3A_1 = vector.load %arg2[%get3A, %get3A_0] : memref<1000x9xi32, #tpu.memory_space<vmem>>, vector<1000x9xi32>
    %broadcast_in_dim3A = arith.constant 0.000000e+00 : f32
    %broadcast_in_dim3A_2 = vector.broadcast %broadcast_in_dim3A : f32 to vector<1000x128xf32>
    %get3A_3 = arith.constant 0 : index
    %get3A_4 = arith.constant 0 : index
    %get3A_5 = vector.load %arg3[%get3A_3, %get3A_4] : memref<1152x128xf32, #tpu.memory_space<vmem>>, vector<1152x128xf32>
    %slice3A = vector.extract_strided_slice %get3A_1 {offsets = [0, 0], sizes = [1000, 1], strides = [1, 1]} : vector<1000x9xi32> to vector<1000x1xi32>
    %iota3A = tpu.iota {dimensions = array<i32: 1>} : vector<1000x128xi32>
    %eq3A = vector.broadcast %slice3A : vector<1000x1xi32> to vector<1000x128xi32>
    %eq3A_6 = arith.cmpi eq, %iota3A, %eq3A : vector<1000x128xi32>
    %convert_element_type3A = arith.extui %eq3A_6 : vector<1000x128xi1> to vector<1000x128xi32>
    %convert_element_type3A_7 = arith.sitofp %convert_element_type3A : vector<1000x128xi32> to vector<1000x128xf32>
    %slice3A_8 = vector.extract_strided_slice %get3A_5 {offsets = [0, 0], sizes = [128, 128], strides = [1, 1]} : vector<1152x128xf32> to vector<128x128xf32>
    %dot_general3A = arith.constant dense<0.000000e+00> : vector<1000x128xf32>
    %dot_general3A_9 = tpu.matmul %convert_element_type3A_7, %slice3A_8, %dot_general3A {dimension_numbers = #tpu.dot_dimension_numbers<[1], [0], [0], [1], [0, 0, 1, 1], [], []>, precision = #tpu.contract_precision<fp32>, transpose_lhs_hint = false} : vector<1000x128xf32>, vector<128x128xf32>, vector<1000x128xf32> -> vector<1000x128xf32>
    %add3A = arith.addf %broadcast_in_dim3A_2, %dot_general3A_9 : vector<1000x128xf32>
    %slice3A_10 = vector.extract_strided_slice %get3A_1 {offsets = [0, 1], sizes = [1000, 1], strides = [1, 1]} : vector<1000x9xi32> to vector<1000x1xi32>
    %iota3A_11 = tpu.iota {dimensions = array<i32: 1>} : vector<1000x128xi32>
    %eq3A_12 = vector.broadcast %slice3A_10 : vector<1000x1xi32> to vector<1000x128xi32>
    %eq3A_13 = arith.cmpi eq, %iota3A_11, %eq3A_12 : vector<1000x128xi32>
    %convert_element_type3A_14 = arith.extui %eq3A_13 : vector<1000x128xi1> to vector<1000x128xi32>
    %convert_element_type3A_15 = arith.sitofp %convert_element_type3A_14 : vector<1000x128xi32> to vector<1000x128xf32>
    %slice3A_16 = vector.extract_strided_slice %get3A_5 {offsets = [128, 0], sizes = [128, 128], strides = [1, 1]} : vector<1152x128xf32> to vector<128x128xf32>
    %dot_general3A_17 = arith.constant dense<0.000000e+00> : vector<1000x128xf32>
    %dot_general3A_18 = tpu.matmul %convert_element_type3A_15, %slice3A_16, %dot_general3A_17 {dimension_numbers = #tpu.dot_dimension_numbers<[1], [0], [0], [1], [0, 0, 1, 1], [], []>, precision = #tpu.contract_precision<fp32>, transpose_lhs_hint = false} : vector<1000x128xf32>, vector<128x128xf32>, vector<1000x128xf32> -> vector<1000x128xf32>
    %add3A_19 = arith.addf %add3A, %dot_general3A_18 : vector<1000x128xf32>
    %slice3A_20 = vector.extract_strided_slice %get3A_1 {offsets = [0, 2], sizes = [1000, 1], strides = [1, 1]} : vector<1000x9xi32> to vector<1000x1xi32>
    %iota3A_21 = tpu.iota {dimensions = array<i32: 1>} : vector<1000x128xi32>
    %eq3A_22 = vector.broadcast %slice3A_20 : vector<1000x1xi32> to vector<1000x128xi32>
    %eq3A_23 = arith.cmpi eq, %iota3A_21, %eq3A_22 : vector<1000x128xi32>
    %convert_element_type3A_24 = arith.extui %eq3A_23 : vector<1000x128xi1> to vector<1000x128xi32>
    %convert_element_type3A_25 = arith.sitofp %convert_element_type3A_24 : vector<1000x128xi32> to vector<1000x128xf32>
    %slice3A_26 = vector.extract_strided_slice %get3A_5 {offsets = [256, 0], sizes = [128, 128], strides = [1, 1]} : vector<1152x128xf32> to vector<128x128xf32>
    %dot_general3A_27 = arith.constant dense<0.000000e+00> : vector<1000x128xf32>
    %dot_general3A_28 = tpu.matmul %convert_element_type3A_25, %slice3A_26, %dot_general3A_27 {dimension_numbers = #tpu.dot_dimension_numbers<[1], [0], [0], [1], [0, 0, 1, 1], [], []>, precision = #tpu.contract_precision<fp32>, transpose_lhs_hint = false} : vector<1000x128xf32>, vector<128x128xf32>, vector<1000x128xf32> -> vector<1000x128xf32>
    %add3A_29 = arith.addf %add3A_19, %dot_general3A_28 : vector<1000x128xf32>
    %slice3A_30 = vector.extract_strided_slice %get3A_1 {offsets = [0, 3], sizes = [1000, 1], strides = [1, 1]} : vector<1000x9xi32> to vector<1000x1xi32>
    %iota3A_31 = tpu.iota {dimensions = array<i32: 1>} : vector<1000x128xi32>
    %eq3A_32 = vector.broadcast %slice3A_30 : vector<1000x1xi32> to vector<1000x128xi32>
    %eq3A_33 = arith.cmpi eq, %iota3A_31, %eq3A_32 : vector<1000x128xi32>
    %convert_element_type3A_34 = arith.extui %eq3A_33 : vector<1000x128xi1> to vector<1000x128xi32>
    %convert_element_type3A_35 = arith.sitofp %convert_element_type3A_34 : vector<1000x128xi32> to vector<1000x128xf32>
    %slice3A_36 = vector.extract_strided_slice %get3A_5 {offsets = [384, 0], sizes = [128, 128], strides = [1, 1]} : vector<1152x128xf32> to vector<128x128xf32>
    %dot_general3A_37 = arith.constant dense<0.000000e+00> : vector<1000x128xf32>
    %dot_general3A_38 = tpu.matmul %convert_element_type3A_35, %slice3A_36, %dot_general3A_37 {dimension_numbers = #tpu.dot_dimension_numbers<[1], [0], [0], [1], [0, 0, 1, 1], [], []>, precision = #tpu.contract_precision<fp32>, transpose_lhs_hint = false} : vector<1000x128xf32>, vector<128x128xf32>, vector<1000x128xf32> -> vector<1000x128xf32>
    %add3A_39 = arith.addf %add3A_29, %dot_general3A_38 : vector<1000x128xf32>
    %slice3A_40 = vector.extract_strided_slice %get3A_1 {offsets = [0, 4], sizes = [1000, 1], strides = [1, 1]} : vector<1000x9xi32> to vector<1000x1xi32>
    %iota3A_41 = tpu.iota {dimensions = array<i32: 1>} : vector<1000x128xi32>
    %eq3A_42 = vector.broadcast %slice3A_40 : vector<1000x1xi32> to vector<1000x128xi32>
    %eq3A_43 = arith.cmpi eq, %iota3A_41, %eq3A_42 : vector<1000x128xi32>
    %convert_element_type3A_44 = arith.extui %eq3A_43 : vector<1000x128xi1> to vector<1000x128xi32>
    %convert_element_type3A_45 = arith.sitofp %convert_element_type3A_44 : vector<1000x128xi32> to vector<1000x128xf32>
    %slice3A_46 = vector.extract_strided_slice %get3A_5 {offsets = [512, 0], sizes = [128, 128], strides = [1, 1]} : vector<1152x128xf32> to vector<128x128xf32>
    %dot_general3A_47 = arith.constant dense<0.000000e+00> : vector<1000x128xf32>
    %dot_general3A_48 = tpu.matmul %convert_element_type3A_45, %slice3A_46, %dot_general3A_47 {dimension_numbers = #tpu.dot_dimension_numbers<[1], [0], [0], [1], [0, 0, 1, 1], [], []>, precision = #tpu.contract_precision<fp32>, transpose_lhs_hint = false} : vector<1000x128xf32>, vector<128x128xf32>, vector<1000x128xf32> -> vector<1000x128xf32>
    %add3A_49 = arith.addf %add3A_39, %dot_general3A_48 : vector<1000x128xf32>
    %slice3A_50 = vector.extract_strided_slice %get3A_1 {offsets = [0, 5], sizes = [1000, 1], strides = [1, 1]} : vector<1000x9xi32> to vector<1000x1xi32>
    %iota3A_51 = tpu.iota {dimensions = array<i32: 1>} : vector<1000x128xi32>
    %eq3A_52 = vector.broadcast %slice3A_50 : vector<1000x1xi32> to vector<1000x128xi32>
    %eq3A_53 = arith.cmpi eq, %iota3A_51, %eq3A_52 : vector<1000x128xi32>
    %convert_element_type3A_54 = arith.extui %eq3A_53 : vector<1000x128xi1> to vector<1000x128xi32>
    %convert_element_type3A_55 = arith.sitofp %convert_element_type3A_54 : vector<1000x128xi32> to vector<1000x128xf32>
    %slice3A_56 = vector.extract_strided_slice %get3A_5 {offsets = [640, 0], sizes = [128, 128], strides = [1, 1]} : vector<1152x128xf32> to vector<128x128xf32>
    %dot_general3A_57 = arith.constant dense<0.000000e+00> : vector<1000x128xf32>
    %dot_general3A_58 = tpu.matmul %convert_element_type3A_55, %slice3A_56, %dot_general3A_57 {dimension_numbers = #tpu.dot_dimension_numbers<[1], [0], [0], [1], [0, 0, 1, 1], [], []>, precision = #tpu.contract_precision<fp32>, transpose_lhs_hint = false} : vector<1000x128xf32>, vector<128x128xf32>, vector<1000x128xf32> -> vector<1000x128xf32>
    %add3A_59 = arith.addf %add3A_49, %dot_general3A_58 : vector<1000x128xf32>
    %slice3A_60 = vector.extract_strided_slice %get3A_1 {offsets = [0, 6], sizes = [1000, 1], strides = [1, 1]} : vector<1000x9xi32> to vector<1000x1xi32>
    %iota3A_61 = tpu.iota {dimensions = array<i32: 1>} : vector<1000x128xi32>
    %eq3A_62 = vector.broadcast %slice3A_60 : vector<1000x1xi32> to vector<1000x128xi32>
    %eq3A_63 = arith.cmpi eq, %iota3A_61, %eq3A_62 : vector<1000x128xi32>
    %convert_element_type3A_64 = arith.extui %eq3A_63 : vector<1000x128xi1> to vector<1000x128xi32>
    %convert_element_type3A_65 = arith.sitofp %convert_element_type3A_64 : vector<1000x128xi32> to vector<1000x128xf32>
    %slice3A_66 = vector.extract_strided_slice %get3A_5 {offsets = [768, 0], sizes = [128, 128], strides = [1, 1]} : vector<1152x128xf32> to vector<128x128xf32>
    %dot_general3A_67 = arith.constant dense<0.000000e+00> : vector<1000x128xf32>
    %dot_general3A_68 = tpu.matmul %convert_element_type3A_65, %slice3A_66, %dot_general3A_67 {dimension_numbers = #tpu.dot_dimension_numbers<[1], [0], [0], [1], [0, 0, 1, 1], [], []>, precision = #tpu.contract_precision<fp32>, transpose_lhs_hint = false} : vector<1000x128xf32>, vector<128x128xf32>, vector<1000x128xf32> -> vector<1000x128xf32>
    %add3A_69 = arith.addf %add3A_59, %dot_general3A_68 : vector<1000x128xf32>
    %slice3A_70 = vector.extract_strided_slice %get3A_1 {offsets = [0, 7], sizes = [1000, 1], strides = [1, 1]} : vector<1000x9xi32> to vector<1000x1xi32>
    %iota3A_71 = tpu.iota {dimensions = array<i32: 1>} : vector<1000x128xi32>
    %eq3A_72 = vector.broadcast %slice3A_70 : vector<1000x1xi32> to vector<1000x128xi32>
    %eq3A_73 = arith.cmpi eq, %iota3A_71, %eq3A_72 : vector<1000x128xi32>
    %convert_element_type3A_74 = arith.extui %eq3A_73 : vector<1000x128xi1> to vector<1000x128xi32>
    %convert_element_type3A_75 = arith.sitofp %convert_element_type3A_74 : vector<1000x128xi32> to vector<1000x128xf32>
    %slice3A_76 = vector.extract_strided_slice %get3A_5 {offsets = [896, 0], sizes = [128, 128], strides = [1, 1]} : vector<1152x128xf32> to vector<128x128xf32>
    %dot_general3A_77 = arith.constant dense<0.000000e+00> : vector<1000x128xf32>
    %dot_general3A_78 = tpu.matmul %convert_element_type3A_75, %slice3A_76, %dot_general3A_77 {dimension_numbers = #tpu.dot_dimension_numbers<[1], [0], [0], [1], [0, 0, 1, 1], [], []>, precision = #tpu.contract_precision<fp32>, transpose_lhs_hint = false} : vector<1000x128xf32>, vector<128x128xf32>, vector<1000x128xf32> -> vector<1000x128xf32>
    %add3A_79 = arith.addf %add3A_69, %dot_general3A_78 : vector<1000x128xf32>
    %slice3A_80 = vector.extract_strided_slice %get3A_1 {offsets = [0, 8], sizes = [1000, 1], strides = [1, 1]} : vector<1000x9xi32> to vector<1000x1xi32>
    %iota3A_81 = tpu.iota {dimensions = array<i32: 1>} : vector<1000x128xi32>
    %eq3A_82 = vector.broadcast %slice3A_80 : vector<1000x1xi32> to vector<1000x128xi32>
    %eq3A_83 = arith.cmpi eq, %iota3A_81, %eq3A_82 : vector<1000x128xi32>
    %convert_element_type3A_84 = arith.extui %eq3A_83 : vector<1000x128xi1> to vector<1000x128xi32>
    %convert_element_type3A_85 = arith.sitofp %convert_element_type3A_84 : vector<1000x128xi32> to vector<1000x128xf32>
    %slice3A_86 = vector.extract_strided_slice %get3A_5 {offsets = [1024, 0], sizes = [128, 128], strides = [1, 1]} : vector<1152x128xf32> to vector<128x128xf32>
    %dot_general3A_87 = arith.constant dense<0.000000e+00> : vector<1000x128xf32>
    %dot_general3A_88 = tpu.matmul %convert_element_type3A_85, %slice3A_86, %dot_general3A_87 {dimension_numbers = #tpu.dot_dimension_numbers<[1], [0], [0], [1], [0, 0, 1, 1], [], []>, precision = #tpu.contract_precision<fp32>, transpose_lhs_hint = false} : vector<1000x128xf32>, vector<128x128xf32>, vector<1000x128xf32> -> vector<1000x128xf32>
    %add3A_89 = arith.addf %add3A_79, %dot_general3A_88 : vector<1000x128xf32>
    %swap3A = arith.constant 0 : index
    %swap3A_90 = arith.constant 0 : index
    %swap3A_91 = vector.load %arg4[%swap3A, %swap3A_90] : memref<1000x128xf32, #tpu.memory_space<vmem>>, vector<1000x128xf32>
    tpu.vector_store %arg4[%swap3A, %swap3A_90], %add3A_89 {strides = array<i32>} : memref<1000x128xf32, #tpu.memory_space<vmem>>, vector<1000x128xf32>,
    return
  }
  func.func @transform_0(%arg0: i32, %arg1: i32) -> (i32, i32) {
    %c0_i32 = arith.constant 0 : i32
    %c0_i32_0 = arith.constant 0 : i32
    return %arg1, %c0_i32 : i32, i32
  }
  func.func @transform_1(%arg0: i32, %arg1: i32) -> (i32, i32) {
    %c0_i32 = arith.constant 0 : i32
    %c0_i32_0 = arith.constant 0 : i32
    return %c0_i32, %arg0 : i32, i32
  }
  func.func @transform_2(%arg0: i32, %arg1: i32) -> (i32, i32) {
    %mul3A = arith.constant 10 : i32
    %mul3A_0 = arith.muli %arg0, %mul3A : i32
    %add3A = arith.addi %mul3A_0, %arg1 : i32
    %c0_i32 = arith.constant 0 : i32
    %c0_i32_1 = arith.constant 0 : i32
    return %add3A, %c0_i32 : i32, i32
  }
}

module attributes {stable_mosaic.version = 14 : i64} {
  func.func @_layer_body(%arg0: i32, %arg1: i32, %arg2: memref<1000x128xf32, #tpu.memory_space<vmem>>, %arg3: memref<1000x128xf32, #tpu.memory_space<vmem>>, %arg4: memref<1000x128xf32, #tpu.memory_space<vmem>>, %arg5: memref<1000x128xf32, #tpu.memory_space<vmem>>, %arg6: memref<1000x128xf32, #tpu.memory_space<vmem>>, %arg7: memref<1000x128xf32, #tpu.memory_space<vmem>>, %arg8: memref<256x128xf32, #tpu.memory_space<vmem>>, %arg9: memref<256x128xf32, #tpu.memory_space<vmem>>, %arg10: memref<1x1x128xf32, #tpu.memory_space<vmem>>, %arg11: memref<1x1x128xf32, #tpu.memory_space<vmem>>, %arg12: memref<1x1x128xf32, #tpu.memory_space<vmem>>, %arg13: memref<1000x128xf32, #tpu.memory_space<vmem>>, %arg14: memref<10x1000x128xf32, #tpu.memory_space<vmem>>, %arg15: memref<1x128xf32, #tpu.memory_space<vmem>>, %arg16: memref<1x128xf32, #tpu.memory_space<vmem>>) attributes {dimension_semantics = [#tpu.dimension_semantics<arbitrary>, #tpu.dimension_semantics<arbitrary>], iteration_bounds = array<i64: 2, 30>, scalar_prefetch = 0 : i64, scratch_operands = 3 : i64, tpu.core_type = #tpu.core_type<tc>, window_params = [{transform_indices = @transform_0, window_bounds = array<i64: 1000, 128>}, {transform_indices = @transform_1, window_bounds = array<i64: 1000, 128>}, {transform_indices = @transform_2, window_bounds = array<i64: 1000, 128>}, {transform_indices = @transform_3, window_bounds = array<i64: 1000, 128>}, {transform_indices = @transform_4, window_bounds = array<i64: 1000, 128>}, {transform_indices = @transform_5, window_bounds = array<i64: 1000, 128>}, {transform_indices = @transform_6, window_bounds = array<i64: 256, 128>}, {transform_indices = @transform_7, window_bounds = array<i64: 256, 128>}, {transform_indices = @transform_8, window_bounds = array<i64: 1, 1, 128>}, {transform_indices = @transform_9, window_bounds = array<i64: 1, 1, 128>}, {transform_indices = @transform_10, window_bounds = array<i64: 1, 1, 128>}, {transform_indices = @transform_11, window_bounds = array<i64: 1000, 128>}]} {
    %lt3A = arith.constant 10 : i32
    %lt3A_0 = arith.cmpi slt, %arg1, %lt3A : i32
    %convert_element_type3A = arith.extui %lt3A_0 : i1 to i32
    %cond3A = arith.constant 0 : i32
    %cond3A_1 = arith.cmpi ne, %convert_element_type3A, %cond3A : i32
    scf.if %cond3A_1 {
      %get3A = arith.constant 0 : index
      %get3A_13 = arith.constant 0 : index
      %get3A_14 = vector.load %arg6[%get3A, %get3A_13] : memref<1000x128xf32, #tpu.memory_space<vmem>>, vector<1000x128xf32>
      %get3A_15 = arith.constant 0 : index
      %get3A_16 = arith.constant 0 : index
      %get3A_17 = vector.load %arg7[%get3A_15, %get3A_16] : memref<1000x128xf32, #tpu.memory_space<vmem>>, vector<1000x128xf32>
      %add3A = arith.addf %get3A_14, %get3A_17 : vector<1000x128xf32>
      %max3A = arith.constant 1.000000e+00 : f32
      %max3A_18 = vector.broadcast %max3A : f32 to vector<1000x128xf32>
      %max3A_19 = arith.maximumf %add3A, %max3A_18 : vector<1000x128xf32>
      %div3A = arith.constant 1.000000e+00 : f32
      %div3A_20 = vector.broadcast %div3A : f32 to vector<1000x128xf32>
      %div3A_21 = arith.divf %div3A_20, %max3A_19 : vector<1000x128xf32>
      %get3A_22 = arith.constant 0 : index
      %get3A_23 = arith.constant 0 : index
      %get3A_24 = vector.load %arg2[%get3A_22, %get3A_23] : memref<1000x128xf32, #tpu.memory_space<vmem>>, vector<1000x128xf32>
      %mul3A = arith.mulf %get3A_24, %div3A_21 : vector<1000x128xf32>
      %get3A_25 = arith.constant 0 : index
      %get3A_26 = arith.constant 0 : index
      %get3A_27 = vector.load %arg3[%get3A_25, %get3A_26] : memref<1000x128xf32, #tpu.memory_space<vmem>>, vector<1000x128xf32>
      %mul3A_28 = arith.mulf %get3A_27, %div3A_21 : vector<1000x128xf32>
      %concatenate3A = tpu.concatenate %mul3A, %mul3A_28 in 1 : vector<1000x128xf32>, vector<1000x128xf32> -> vector<1000x256xf32>
      %get3A_29 = arith.constant 0 : index
      %get3A_30 = arith.constant 0 : index
      %get3A_31 = vector.load %arg4[%get3A_29, %get3A_30] : memref<1000x128xf32, #tpu.memory_space<vmem>>, vector<1000x128xf32>
      %get3A_32 = arith.constant 0 : index
      %get3A_33 = arith.constant 0 : index
      %get3A_34 = vector.load %arg5[%get3A_32, %get3A_33] : memref<1000x128xf32, #tpu.memory_space<vmem>>, vector<1000x128xf32>
      %concatenate3A_35 = tpu.concatenate %get3A_31, %get3A_34 in 1 : vector<1000x128xf32>, vector<1000x128xf32> -> vector<1000x256xf32>
      %get3A_36 = arith.constant 0 : index
      %get3A_37 = arith.constant 0 : index
      %get3A_38 = vector.load %arg8[%get3A_36, %get3A_37] : memref<256x128xf32, #tpu.memory_space<vmem>>, vector<256x128xf32>
      %dot_general3A = arith.constant dense<0.000000e+00> : vector<1000x128xf32>
      %dot_general3A_39 = tpu.matmul %concatenate3A, %get3A_38, %dot_general3A {dimension_numbers = #tpu.dot_dimension_numbers<[1], [0], [0], [1], [0, 0, 1, 1], [], []>, transpose_lhs_hint = false} : vector<1000x256xf32>, vector<256x128xf32>, vector<1000x128xf32> -> vector<1000x128xf32>
      %get3A_40 = arith.constant 0 : index
      %get3A_41 = arith.constant 0 : index
      %get3A_42 = vector.load %arg9[%get3A_40, %get3A_41] : memref<256x128xf32, #tpu.memory_space<vmem>>, vector<256x128xf32>
      %dot_general3A_43 = arith.constant dense<0.000000e+00> : vector<1000x128xf32>
      %dot_general3A_44 = tpu.matmul %concatenate3A_35, %get3A_42, %dot_general3A_43 {dimension_numbers = #tpu.dot_dimension_numbers<[1], [0], [0], [1], [0, 0, 1, 1], [], []>, transpose_lhs_hint = false} : vector<1000x256xf32>, vector<256x128xf32>, vector<1000x128xf32> -> vector<1000x128xf32>
      %add3A_45 = arith.addf %dot_general3A_39, %dot_general3A_44 : vector<1000x128xf32>
      %get3A_46 = arith.constant 0 : index
      %get3A_47 = arith.constant 0 : index
      %get3A_48 = arith.constant 0 : index
      %get3A_49 = vector.load %arg10[%get3A_46, %get3A_47, %get3A_48] : memref<1x1x128xf32, #tpu.memory_space<vmem>>, vector<1x1x128xf32>
      %get3A_50 = vector.shape_cast %get3A_49 : vector<1x1x128xf32> to vector<1x128xf32>
      %add3A_51 = vector.broadcast %get3A_50 : vector<1x128xf32> to vector<1000x128xf32>
      %add3A_52 = arith.addf %add3A_45, %add3A_51 : vector<1000x128xf32>
      %swap3A = arith.index_cast %arg1 : i32 to index
      %swap3A_53 = arith.constant 0 : index
      %swap3A_54 = arith.constant 0 : index
      %swap3A_55 = vector.load %arg14[%swap3A, %swap3A_53, %swap3A_54] : memref<10x1000x128xf32, #tpu.memory_space<vmem>>, vector<1x1000x128xf32>
      %swap3A_56 = vector.shape_cast %swap3A_55 : vector<1x1000x128xf32> to vector<1000x128xf32>
      %swap3A_57 = vector.shape_cast %add3A_52 : vector<1000x128xf32> to vector<1x1000x128xf32>
      tpu.vector_store %arg14[%swap3A, %swap3A_53, %swap3A_54], %swap3A_57 {strides = array<i32>} : memref<10x1000x128xf32, #tpu.memory_space<vmem>>, vector<1x1000x128xf32>,
      %reduce_sum3A = arith.constant dense<0.000000e+00> : vector<128xf32>
      %reduce_sum3A_58 = vector.multi_reduction <add>, %add3A_52, %reduce_sum3A [0] : vector<1000x128xf32> to vector<128xf32>
      %broadcast_in_dim3A = vector.shape_cast %reduce_sum3A_58 : vector<128xf32> to vector<1x128xf32>
      %eq3A = arith.constant 0 : i32
      %eq3A_59 = arith.cmpi eq, %arg1, %eq3A : i32
      %convert_element_type3A_60 = arith.extui %eq3A_59 : i1 to i32
      %cond3A_61 = arith.constant 0 : i32
      %cond3A_62 = arith.cmpi ne, %convert_element_type3A_60, %cond3A_61 : i32
      scf.if %cond3A_62 {
        %swap3A_67 = arith.constant 0 : index
        %swap3A_68 = arith.constant 0 : index
        %swap3A_69 = vector.load %arg15[%swap3A_67, %swap3A_68] : memref<1x128xf32, #tpu.memory_space<vmem>>, vector<1x128xf32>
        tpu.vector_store %arg15[%swap3A_67, %swap3A_68], %broadcast_in_dim3A {strides = array<i32>} : memref<1x128xf32, #tpu.memory_space<vmem>>, vector<1x128xf32>,
      } else {
      }
      %gt3A = arith.constant 0 : i32
      %gt3A_63 = arith.cmpi sgt, %arg1, %gt3A : i32
      %convert_element_type3A_64 = arith.extui %gt3A_63 : i1 to i32
      %cond3A_65 = arith.constant 0 : i32
      %cond3A_66 = arith.cmpi ne, %convert_element_type3A_64, %cond3A_65 : i32
      scf.if %cond3A_66 {
        %get3A_67 = arith.constant 0 : index
        %get3A_68 = arith.constant 0 : index
        %get3A_69 = vector.load %arg15[%get3A_67, %get3A_68] : memref<1x128xf32, #tpu.memory_space<vmem>>, vector<1x128xf32>
        %add3A_70 = arith.addf %get3A_69, %broadcast_in_dim3A : vector<1x128xf32>
        %swap3A_71 = arith.constant 0 : index
        %swap3A_72 = arith.constant 0 : index
        %swap3A_73 = vector.load %arg15[%swap3A_71, %swap3A_72] : memref<1x128xf32, #tpu.memory_space<vmem>>, vector<1x128xf32>
        tpu.vector_store %arg15[%swap3A_71, %swap3A_72], %add3A_70 {strides = array<i32>} : memref<1x128xf32, #tpu.memory_space<vmem>>, vector<1x128xf32>,
      } else {
      }
    } else {
    }
    %ge3A = arith.constant 10 : i32
    %ge3A_2 = arith.cmpi sge, %arg1, %ge3A : i32
    %lt3A_3 = arith.constant 20 : i32
    %lt3A_4 = arith.cmpi slt, %arg1, %lt3A_3 : i32
    %and3A = arith.andi %ge3A_2, %lt3A_4 : i1
    %convert_element_type3A_5 = arith.extui %and3A : i1 to i32
    %cond3A_6 = arith.constant 0 : i32
    %cond3A_7 = arith.cmpi ne, %convert_element_type3A_5, %cond3A_6 : i32
    scf.if %cond3A_7 {
      %get3A = arith.constant 0 : index
      %get3A_13 = arith.constant 0 : index
      %get3A_14 = vector.load %arg15[%get3A, %get3A_13] : memref<1x128xf32, #tpu.memory_space<vmem>>, vector<1x128xf32>
      %mul3A = arith.constant 9.99999974E-5 : f32
      %mul3A_15 = vector.broadcast %mul3A : f32 to vector<1x128xf32>
      %mul3A_16 = arith.mulf %get3A_14, %mul3A_15 : vector<1x128xf32>
      %sub3A = arith.constant 10 : i32
      %sub3A_17 = arith.subi %arg1, %sub3A : i32
      %get3A_18 = arith.index_cast %sub3A_17 : i32 to index
      %get3A_19 = arith.constant 0 : index
      %get3A_20 = arith.constant 0 : index
      %get3A_21 = vector.load %arg14[%get3A_18, %get3A_19, %get3A_20] : memref<10x1000x128xf32, #tpu.memory_space<vmem>>, vector<1x1000x128xf32>
      %get3A_22 = vector.shape_cast %get3A_21 : vector<1x1000x128xf32> to vector<1000x128xf32>
      %sub3A_23 = vector.broadcast %mul3A_16 : vector<1x128xf32> to vector<1000x128xf32>
      %sub3A_24 = arith.subf %get3A_22, %sub3A_23 : vector<1000x128xf32>
      %mul3A_25 = arith.mulf %sub3A_24, %sub3A_24 : vector<1000x128xf32>
      %reduce_sum3A = arith.constant dense<0.000000e+00> : vector<128xf32>
      %reduce_sum3A_26 = vector.multi_reduction <add>, %mul3A_25, %reduce_sum3A [0] : vector<1000x128xf32> to vector<128xf32>
      %broadcast_in_dim3A = vector.shape_cast %reduce_sum3A_26 : vector<128xf32> to vector<1x128xf32>
      %eq3A = arith.constant 10 : i32
      %eq3A_27 = arith.cmpi eq, %arg1, %eq3A : i32
      %convert_element_type3A_28 = arith.extui %eq3A_27 : i1 to i32
      %cond3A_29 = arith.constant 0 : i32
      %cond3A_30 = arith.cmpi ne, %convert_element_type3A_28, %cond3A_29 : i32
      scf.if %cond3A_30 {
        %swap3A = arith.constant 0 : index
        %swap3A_35 = arith.constant 0 : index
        %swap3A_36 = vector.load %arg16[%swap3A, %swap3A_35] : memref<1x128xf32, #tpu.memory_space<vmem>>, vector<1x128xf32>
        tpu.vector_store %arg16[%swap3A, %swap3A_35], %broadcast_in_dim3A {strides = array<i32>} : memref<1x128xf32, #tpu.memory_space<vmem>>, vector<1x128xf32>,
      } else {
      }
      %gt3A = arith.constant 10 : i32
      %gt3A_31 = arith.cmpi sgt, %arg1, %gt3A : i32
      %convert_element_type3A_32 = arith.extui %gt3A_31 : i1 to i32
      %cond3A_33 = arith.constant 0 : i32
      %cond3A_34 = arith.cmpi ne, %convert_element_type3A_32, %cond3A_33 : i32
      scf.if %cond3A_34 {
        %get3A_35 = arith.constant 0 : index
        %get3A_36 = arith.constant 0 : index
        %get3A_37 = vector.load %arg16[%get3A_35, %get3A_36] : memref<1x128xf32, #tpu.memory_space<vmem>>, vector<1x128xf32>
        %add3A = arith.addf %get3A_37, %broadcast_in_dim3A : vector<1x128xf32>
        %swap3A = arith.constant 0 : index
        %swap3A_38 = arith.constant 0 : index
        %swap3A_39 = vector.load %arg16[%swap3A, %swap3A_38] : memref<1x128xf32, #tpu.memory_space<vmem>>, vector<1x128xf32>
        tpu.vector_store %arg16[%swap3A, %swap3A_38], %add3A {strides = array<i32>} : memref<1x128xf32, #tpu.memory_space<vmem>>, vector<1x128xf32>,
      } else {
      }
    } else {
    }
    %ge3A_8 = arith.constant 20 : i32
    %ge3A_9 = arith.cmpi sge, %arg1, %ge3A_8 : i32
    %convert_element_type3A_10 = arith.extui %ge3A_9 : i1 to i32
    %cond3A_11 = arith.constant 0 : i32
    %cond3A_12 = arith.cmpi ne, %convert_element_type3A_10, %cond3A_11 : i32
    scf.if %cond3A_12 {
      %get3A = arith.constant 0 : index
      %get3A_13 = arith.constant 0 : index
      %get3A_14 = vector.load %arg15[%get3A, %get3A_13] : memref<1x128xf32, #tpu.memory_space<vmem>>, vector<1x128xf32>
      %mul3A = arith.constant 9.99999974E-5 : f32
      %mul3A_15 = vector.broadcast %mul3A : f32 to vector<1x128xf32>
      %mul3A_16 = arith.mulf %get3A_14, %mul3A_15 : vector<1x128xf32>
      %get3A_17 = arith.constant 0 : index
      %get3A_18 = arith.constant 0 : index
      %get3A_19 = vector.load %arg16[%get3A_17, %get3A_18] : memref<1x128xf32, #tpu.memory_space<vmem>>, vector<1x128xf32>
      %mul3A_20 = arith.constant 9.99999974E-5 : f32
      %mul3A_21 = vector.broadcast %mul3A_20 : f32 to vector<1x128xf32>
      %mul3A_22 = arith.mulf %get3A_19, %mul3A_21 : vector<1x128xf32>
      %add3A = arith.constant 9.99999974E-6 : f32
      %add3A_23 = vector.broadcast %add3A : f32 to vector<1x128xf32>
      %add3A_24 = arith.addf %mul3A_22, %add3A_23 : vector<1x128xf32>
      %rsqrt3A = math.rsqrt %add3A_24 : vector<1x128xf32>
      %sub3A = arith.constant 20 : i32
      %sub3A_25 = arith.subi %arg1, %sub3A : i32
      %get3A_26 = arith.index_cast %sub3A_25 : i32 to index
      %get3A_27 = arith.constant 0 : index
      %get3A_28 = arith.constant 0 : index
      %get3A_29 = vector.load %arg14[%get3A_26, %get3A_27, %get3A_28] : memref<10x1000x128xf32, #tpu.memory_space<vmem>>, vector<1x1000x128xf32>
      %get3A_30 = vector.shape_cast %get3A_29 : vector<1x1000x128xf32> to vector<1000x128xf32>
      %sub3A_31 = vector.broadcast %mul3A_16 : vector<1x128xf32> to vector<1000x128xf32>
      %sub3A_32 = arith.subf %get3A_30, %sub3A_31 : vector<1000x128xf32>
      %mul3A_33 = vector.broadcast %rsqrt3A : vector<1x128xf32> to vector<1000x128xf32>
      %mul3A_34 = arith.mulf %sub3A_32, %mul3A_33 : vector<1000x128xf32>
      %get3A_35 = arith.constant 0 : index
      %get3A_36 = arith.constant 0 : index
      %get3A_37 = arith.constant 0 : index
      %get3A_38 = vector.load %arg11[%get3A_35, %get3A_36, %get3A_37] : memref<1x1x128xf32, #tpu.memory_space<vmem>>, vector<1x1x128xf32>
      %get3A_39 = vector.shape_cast %get3A_38 : vector<1x1x128xf32> to vector<1x128xf32>
      %mul3A_40 = vector.broadcast %get3A_39 : vector<1x128xf32> to vector<1000x128xf32>
      %mul3A_41 = arith.mulf %mul3A_34, %mul3A_40 : vector<1000x128xf32>
      %get3A_42 = arith.constant 0 : index
      %get3A_43 = arith.constant 0 : index
      %get3A_44 = arith.constant 0 : index
      %get3A_45 = vector.load %arg12[%get3A_42, %get3A_43, %get3A_44] : memref<1x1x128xf32, #tpu.memory_space<vmem>>, vector<1x1x128xf32>
      %get3A_46 = vector.shape_cast %get3A_45 : vector<1x1x128xf32> to vector<1x128xf32>
      %add3A_47 = vector.broadcast %get3A_46 : vector<1x128xf32> to vector<1000x128xf32>
      %add3A_48 = arith.addf %mul3A_41, %add3A_47 : vector<1000x128xf32>
      %max3A = arith.constant 0.000000e+00 : f32
      %max3A_49 = vector.broadcast %max3A : f32 to vector<1000x128xf32>
      %max3A_50 = arith.maximumf %add3A_48, %max3A_49 : vector<1000x128xf32>
      %swap3A = arith.constant 0 : index
      %swap3A_51 = arith.constant 0 : index
      %swap3A_52 = vector.load %arg13[%swap3A, %swap3A_51] : memref<1000x128xf32, #tpu.memory_space<vmem>>, vector<1000x128xf32>
      tpu.vector_store %arg13[%swap3A, %swap3A_51], %max3A_50 {strides = array<i32>} : memref<1000x128xf32, #tpu.memory_space<vmem>>, vector<1000x128xf32>,
    } else {
    }
    return
  }
  func.func @transform_0(%arg0: i32, %arg1: i32) -> (i32, i32) {
    %min3A = arith.constant 9 : i32
    %min3A_0 = arith.minsi %arg1, %min3A : i32
    %c0_i32 = arith.constant 0 : i32
    %c0_i32_1 = arith.constant 0 : i32
    return %min3A_0, %c0_i32 : i32, i32
  }
  func.func @transform_1(%arg0: i32, %arg1: i32) -> (i32, i32) {
    %min3A = arith.constant 9 : i32
    %min3A_0 = arith.minsi %arg1, %min3A : i32
    %add3A = arith.constant 10 : i32
    %add3A_1 = arith.addi %add3A, %min3A_0 : i32
    %c0_i32 = arith.constant 0 : i32
    %c0_i32_2 = arith.constant 0 : i32
    return %add3A_1, %c0_i32 : i32, i32
  }
  func.func @transform_2(%arg0: i32, %arg1: i32) -> (i32, i32) {
    %min3A = arith.constant 9 : i32
    %min3A_0 = arith.minsi %arg1, %min3A : i32
    %c0_i32 = arith.constant 0 : i32
    %c0_i32_1 = arith.constant 0 : i32
    return %min3A_0, %c0_i32 : i32, i32
  }
  func.func @transform_3(%arg0: i32, %arg1: i32) -> (i32, i32) {
    %min3A = arith.constant 9 : i32
    %min3A_0 = arith.minsi %arg1, %min3A : i32
    %add3A = arith.constant 10 : i32
    %add3A_1 = arith.addi %add3A, %min3A_0 : i32
    %c0_i32 = arith.constant 0 : i32
    %c0_i32_2 = arith.constant 0 : i32
    return %add3A_1, %c0_i32 : i32, i32
  }
  func.func @transform_4(%arg0: i32, %arg1: i32) -> (i32, i32) {
    %min3A = arith.constant 9 : i32
    %min3A_0 = arith.minsi %arg1, %min3A : i32
    %c0_i32 = arith.constant 0 : i32
    %c0_i32_1 = arith.constant 0 : i32
    return %min3A_0, %c0_i32 : i32, i32
  }
  func.func @transform_5(%arg0: i32, %arg1: i32) -> (i32, i32) {
    %min3A = arith.constant 9 : i32
    %min3A_0 = arith.minsi %arg1, %min3A : i32
    %add3A = arith.constant 10 : i32
    %add3A_1 = arith.addi %add3A, %min3A_0 : i32
    %c0_i32 = arith.constant 0 : i32
    %c0_i32_2 = arith.constant 0 : i32
    return %add3A_1, %c0_i32 : i32, i32
  }
  func.func @transform_6(%arg0: i32, %arg1: i32) -> (i32, i32) {
    %c0_i32 = arith.constant 0 : i32
    %c0_i32_0 = arith.constant 0 : i32
    return %c0_i32, %arg0 : i32, i32
  }
  func.func @transform_7(%arg0: i32, %arg1: i32) -> (i32, i32) {
    %c0_i32 = arith.constant 0 : i32
    %c0_i32_0 = arith.constant 0 : i32
    return %c0_i32, %arg0 : i32, i32
  }
  func.func @transform_8(%arg0: i32, %arg1: i32) -> (i32, i32, i32) {
    %c0_i32 = arith.constant 0 : i32
    %c0_i32_0 = arith.constant 0 : i32
    %c0_i32_1 = arith.constant 0 : i32
    return %arg0, %c0_i32, %c0_i32_0 : i32, i32, i32
  }
  func.func @transform_9(%arg0: i32, %arg1: i32) -> (i32, i32, i32) {
    %c0_i32 = arith.constant 0 : i32
    %c0_i32_0 = arith.constant 0 : i32
    %c0_i32_1 = arith.constant 0 : i32
    return %arg0, %c0_i32, %c0_i32_0 : i32, i32, i32
  }
  func.func @transform_10(%arg0: i32, %arg1: i32) -> (i32, i32, i32) {
    %c0_i32 = arith.constant 0 : i32
    %c0_i32_0 = arith.constant 0 : i32
    %c0_i32_1 = arith.constant 0 : i32
    return %arg0, %c0_i32, %c0_i32_0 : i32, i32, i32
  }
  func.func @transform_11(%arg0: i32, %arg1: i32) -> (i32, i32) {
    %mul3A = arith.constant 10 : i32
    %mul3A_0 = arith.muli %arg0, %mul3A : i32
    %sub3A = arith.constant 20 : i32
    %sub3A_1 = arith.subi %arg1, %sub3A : i32
    %max3A = arith.constant 0 : i32
    %max3A_2 = arith.maxsi %sub3A_1, %max3A : i32
    %add3A = arith.addi %mul3A_0, %max3A_2 : i32
    %c0_i32 = arith.constant 0 : i32
    %c0_i32_3 = arith.constant 0 : i32
    return %add3A, %c0_i32 : i32, i32
  }
}

module attributes {stable_mosaic.version = 14 : i64} {
  func.func @_poolmlp_body(%arg0: i32, %arg1: memref<1000x1xi32, #tpu.memory_space<vmem>>, %arg2: memref<1000x128xf32, #tpu.memory_space<vmem>>, %arg3: memref<1000x128xf32, #tpu.memory_space<vmem>>, %arg4: memref<1000x128xf32, #tpu.memory_space<vmem>>, %arg5: memref<1000x128xf32, #tpu.memory_space<vmem>>, %arg6: memref<256x512xf32, #tpu.memory_space<vmem>>, %arg7: memref<1x512xf32, #tpu.memory_space<vmem>>, %arg8: memref<1x512xf32, #tpu.memory_space<vmem>>, %arg9: memref<1x512xf32, #tpu.memory_space<vmem>>, %arg10: memref<512x256xf32, #tpu.memory_space<vmem>>, %arg11: memref<1x256xf32, #tpu.memory_space<vmem>>, %arg12: memref<1x256xf32, #tpu.memory_space<vmem>>, %arg13: memref<1x256xf32, #tpu.memory_space<vmem>>, %arg14: memref<256x1xf32, #tpu.memory_space<vmem>>, %arg15: memref<1x1xf32, #tpu.memory_space<vmem>>, %arg16: memref<512x1xf32, #tpu.memory_space<vmem>>, %arg17: memref<2x512x128xf32, #tpu.memory_space<vmem>>) attributes {dimension_semantics = [#tpu.dimension_semantics<arbitrary>], iteration_bounds = array<i64: 21>, scalar_prefetch = 0 : i64, scratch_operands = 1 : i64, tpu.core_type = #tpu.core_type<tc>, window_params = [{transform_indices = @transform_0, window_bounds = array<i64: 1000, 1>}, {transform_indices = @transform_1, window_bounds = array<i64: 1000, 128>}, {transform_indices = @transform_2, window_bounds = array<i64: 1000, 128>}, {transform_indices = @transform_3, window_bounds = array<i64: 1000, 128>}, {transform_indices = @transform_4, window_bounds = array<i64: 1000, 128>}, {pipeline_mode = #tpu.pipeline_mode<synchronous>, transform_indices = @transform_5, window_bounds = array<i64: 256, 512>}, {pipeline_mode = #tpu.pipeline_mode<synchronous>, transform_indices = @transform_6, window_bounds = array<i64: 1, 512>}, {pipeline_mode = #tpu.pipeline_mode<synchronous>, transform_indices = @transform_7, window_bounds = array<i64: 1, 512>}, {pipeline_mode = #tpu.pipeline_mode<synchronous>, transform_indices = @transform_8, window_bounds = array<i64: 1, 512>}, {pipeline_mode = #tpu.pipeline_mode<synchronous>, transform_indices = @transform_9, window_bounds = array<i64: 512, 256>}, {pipeline_mode = #tpu.pipeline_mode<synchronous>, transform_indices = @transform_10, window_bounds = array<i64: 1, 256>}, {pipeline_mode = #tpu.pipeline_mode<synchronous>, transform_indices = @transform_11, window_bounds = array<i64: 1, 256>}, {pipeline_mode = #tpu.pipeline_mode<synchronous>, transform_indices = @transform_12, window_bounds = array<i64: 1, 256>}, {pipeline_mode = #tpu.pipeline_mode<synchronous>, transform_indices = @transform_13, window_bounds = array<i64: 256, 1>}, {pipeline_mode = #tpu.pipeline_mode<synchronous>, transform_indices = @transform_14, window_bounds = array<i64: 1, 1>}, {pipeline_mode = #tpu.pipeline_mode<synchronous>, transform_indices = @transform_15, window_bounds = array<i64: 512, 1>}]} {
    %lt3A = arith.constant 20 : i32
    %lt3A_0 = arith.cmpi slt, %arg0, %lt3A : i32
    %convert_element_type3A = arith.extui %lt3A_0 : i1 to i32
    %cond3A = arith.constant 0 : i32
    %cond3A_1 = arith.cmpi ne, %convert_element_type3A, %cond3A : i32
    scf.if %cond3A_1 {
      %jit3A = arith.constant 10 : i32
      %div3A = arith.divsi %arg0, %jit3A : i32
      %sign3A = arith.constant 0 : i32
      %sign3A_6 = arith.cmpi sgt, %arg0, %sign3A : i32
      %sign3A_7 = arith.extui %sign3A_6 : i1 to i32
      %sign3A_8 = arith.constant 0 : i32
      %sign3A_9 = arith.cmpi slt, %arg0, %sign3A_8 : i32
      %sign3A_10 = arith.extui %sign3A_9 : i1 to i32
      %sign3A_11 = arith.subi %sign3A_7, %sign3A_10 : i32
      %sign3A_12 = arith.constant 0 : i32
      %sign3A_13 = arith.cmpi sgt, %jit3A, %sign3A_12 : i32
      %sign3A_14 = arith.extui %sign3A_13 : i1 to i32
      %sign3A_15 = arith.constant 0 : i32
      %sign3A_16 = arith.cmpi slt, %jit3A, %sign3A_15 : i32
      %sign3A_17 = arith.extui %sign3A_16 : i1 to i32
      %sign3A_18 = arith.subi %sign3A_14, %sign3A_17 : i32
      %ne3A = arith.cmpi ne, %sign3A_11, %sign3A_18 : i32
      %rem3A = arith.remsi %arg0, %jit3A : i32
      %ne3A_19 = arith.constant 0 : i32
      %ne3A_20 = arith.cmpi ne, %rem3A, %ne3A_19 : i32
      %and3A = arith.andi %ne3A, %ne3A_20 : i1
      %sub3A = arith.constant 1 : i32
      %sub3A_21 = arith.subi %div3A, %sub3A : i32
      %select_n3A = arith.select %and3A, %sub3A_21, %div3A : i32
      %rem3A_22 = arith.constant 10 : i32
      %rem3A_23 = arith.remsi %arg0, %rem3A_22 : i32
      %get3A = arith.constant 0 : index
      %get3A_24 = arith.constant 0 : index
      %get3A_25 = vector.load %arg2[%get3A, %get3A_24] : memref<1000x128xf32, #tpu.memory_space<vmem>>, vector<1000x128xf32>
      %get3A_26 = arith.constant 0 : index
      %get3A_27 = arith.constant 0 : index
      %get3A_28 = vector.load %arg3[%get3A_26, %get3A_27] : memref<1000x128xf32, #tpu.memory_space<vmem>>, vector<1000x128xf32>
      %add3A = arith.addf %get3A_25, %get3A_28 : vector<1000x128xf32>
      %get3A_29 = arith.constant 0 : index
      %get3A_30 = arith.constant 0 : index
      %get3A_31 = vector.load %arg4[%get3A_29, %get3A_30] : memref<1000x128xf32, #tpu.memory_space<vmem>>, vector<1000x128xf32>
      %add3A_32 = arith.addf %add3A, %get3A_31 : vector<1000x128xf32>
      %get3A_33 = arith.constant 0 : index
      %get3A_34 = arith.constant 0 : index
      %get3A_35 = vector.load %arg5[%get3A_33, %get3A_34] : memref<1000x128xf32, #tpu.memory_space<vmem>>, vector<1000x128xf32>
      %add3A_36 = arith.addf %add3A_32, %get3A_35 : vector<1000x128xf32>
      %get3A_37 = arith.constant 0 : index
      %get3A_38 = arith.constant 0 : index
      %get3A_39 = vector.load %arg1[%get3A_37, %get3A_38] : memref<1000x1xi32, #tpu.memory_space<vmem>>, vector<1000x1xi32>
      %iota3A = tpu.iota {dimensions = array<i32: 1>} : vector<1000x512xi32>
      %eq3A_40 = vector.broadcast %get3A_39 : vector<1000x1xi32> to vector<1000x512xi32>
      %eq3A_41 = arith.cmpi eq, %iota3A, %eq3A_40 : vector<1000x512xi32>
      %convert_element_type3A_42 = arith.extui %eq3A_41 : vector<1000x512xi1> to vector<1000x512xi32>
      %convert_element_type3A_43 = arith.sitofp %convert_element_type3A_42 : vector<1000x512xi32> to vector<1000x512xf32>
      %dot_general3A = arith.constant dense<0.000000e+00> : vector<512x128xf32>
      %dot_general3A_44 = tpu.matmul %convert_element_type3A_43, %add3A_36, %dot_general3A {dimension_numbers = #tpu.dot_dimension_numbers<[0], [0], [1], [1], [0, 1, 1, 1], [], []>, precision = #tpu.contract_precision<fp32>, transpose_lhs_hint = false} : vector<1000x512xf32>, vector<1000x128xf32>, vector<512x128xf32> -> vector<512x128xf32>
      %eq3A_45 = arith.constant 0 : i32
      %eq3A_46 = arith.cmpi eq, %rem3A_23, %eq3A_45 : i32
      %convert_element_type3A_47 = arith.extui %eq3A_46 : i1 to i32
      %cond3A_48 = arith.constant 0 : i32
      %cond3A_49 = arith.cmpi ne, %convert_element_type3A_47, %cond3A_48 : i32
      scf.if %cond3A_49 {
        %swap3A = arith.index_cast %select_n3A : i32 to index
        %swap3A_54 = arith.constant 0 : index
        %swap3A_55 = arith.constant 0 : index
        %swap3A_56 = vector.load %arg17[%swap3A, %swap3A_54, %swap3A_55] : memref<2x512x128xf32, #tpu.memory_space<vmem>>, vector<1x512x128xf32>
        %swap3A_57 = vector.shape_cast %swap3A_56 : vector<1x512x128xf32> to vector<512x128xf32>
        %swap3A_58 = vector.shape_cast %dot_general3A_44 : vector<512x128xf32> to vector<1x512x128xf32>
        tpu.vector_store %arg17[%swap3A, %swap3A_54, %swap3A_55], %swap3A_58 {strides = array<i32>} : memref<2x512x128xf32, #tpu.memory_space<vmem>>, vector<1x512x128xf32>,
      } else {
      }
      %gt3A = arith.constant 0 : i32
      %gt3A_50 = arith.cmpi sgt, %rem3A_23, %gt3A : i32
      %convert_element_type3A_51 = arith.extui %gt3A_50 : i1 to i32
      %cond3A_52 = arith.constant 0 : i32
      %cond3A_53 = arith.cmpi ne, %convert_element_type3A_51, %cond3A_52 : i32
      scf.if %cond3A_53 {
        %get3A_54 = arith.index_cast %select_n3A : i32 to index
        %get3A_55 = arith.constant 0 : index
        %get3A_56 = arith.constant 0 : index
        %get3A_57 = vector.load %arg17[%get3A_54, %get3A_55, %get3A_56] : memref<2x512x128xf32, #tpu.memory_space<vmem>>, vector<1x512x128xf32>
        %get3A_58 = vector.shape_cast %get3A_57 : vector<1x512x128xf32> to vector<512x128xf32>
        %add3A_59 = arith.addf %get3A_58, %dot_general3A_44 : vector<512x128xf32>
        %swap3A = arith.index_cast %select_n3A : i32 to index
        %swap3A_60 = arith.constant 0 : index
        %swap3A_61 = arith.constant 0 : index
        %swap3A_62 = vector.load %arg17[%swap3A, %swap3A_60, %swap3A_61] : memref<2x512x128xf32, #tpu.memory_space<vmem>>, vector<1x512x128xf32>
        %swap3A_63 = vector.shape_cast %swap3A_62 : vector<1x512x128xf32> to vector<512x128xf32>
        %swap3A_64 = vector.shape_cast %add3A_59 : vector<512x128xf32> to vector<1x512x128xf32>
        tpu.vector_store %arg17[%swap3A, %swap3A_60, %swap3A_61], %swap3A_64 {strides = array<i32>} : memref<2x512x128xf32, #tpu.memory_space<vmem>>, vector<1x512x128xf32>,
      } else {
      }
    } else {
    }
    %eq3A = arith.constant 20 : i32
    %eq3A_2 = arith.cmpi eq, %arg0, %eq3A : i32
    %convert_element_type3A_3 = arith.extui %eq3A_2 : i1 to i32
    %cond3A_4 = arith.constant 0 : i32
    %cond3A_5 = arith.cmpi ne, %convert_element_type3A_3, %cond3A_4 : i32
    scf.if %cond3A_5 {
      %get3A = arith.constant 0 : index
      %get3A_6 = arith.constant 0 : index
      %get3A_7 = arith.constant 0 : index
      %get3A_8 = vector.load %arg17[%get3A, %get3A_6, %get3A_7] : memref<2x512x128xf32, #tpu.memory_space<vmem>>, vector<1x512x128xf32>
      %get3A_9 = vector.shape_cast %get3A_8 : vector<1x512x128xf32> to vector<512x128xf32>
      %get3A_10 = arith.constant 1 : index
      %get3A_11 = arith.constant 0 : index
      %get3A_12 = arith.constant 0 : index
      %get3A_13 = vector.load %arg17[%get3A_10, %get3A_11, %get3A_12] : memref<2x512x128xf32, #tpu.memory_space<vmem>>, vector<1x512x128xf32>
      %get3A_14 = vector.shape_cast %get3A_13 : vector<1x512x128xf32> to vector<512x128xf32>
      %concatenate3A = tpu.concatenate %get3A_9, %get3A_14 in 1 : vector<512x128xf32>, vector<512x128xf32> -> vector<512x256xf32>
      %get3A_15 = arith.constant 0 : index
      %get3A_16 = arith.constant 0 : index
      %get3A_17 = vector.load %arg6[%get3A_15, %get3A_16] : memref<256x512xf32, #tpu.memory_space<vmem>>, vector<256x512xf32>
      %dot_general3A = arith.constant dense<0.000000e+00> : vector<512x512xf32>
      %dot_general3A_18 = tpu.matmul %concatenate3A, %get3A_17, %dot_general3A {dimension_numbers = #tpu.dot_dimension_numbers<[1], [0], [0], [1], [0, 0, 1, 1], [], []>, transpose_lhs_hint = false} : vector<512x256xf32>, vector<256x512xf32>, vector<512x512xf32> -> vector<512x512xf32>
      %get3A_19 = arith.constant 0 : index
      %get3A_20 = arith.constant 0 : index
      %get3A_21 = vector.load %arg7[%get3A_19, %get3A_20] : memref<1x512xf32, #tpu.memory_space<vmem>>, vector<1x512xf32>
      %add3A = vector.broadcast %get3A_21 : vector<1x512xf32> to vector<512x512xf32>
      %add3A_22 = arith.addf %dot_general3A_18, %add3A : vector<512x512xf32>
      %get3A_23 = arith.constant 0 : index
      %get3A_24 = arith.constant 0 : index
      %get3A_25 = vector.load %arg8[%get3A_23, %get3A_24] : memref<1x512xf32, #tpu.memory_space<vmem>>, vector<1x512xf32>
      %get3A_26 = arith.constant 0 : index
      %get3A_27 = arith.constant 0 : index
      %get3A_28 = vector.load %arg9[%get3A_26, %get3A_27] : memref<1x512xf32, #tpu.memory_space<vmem>>, vector<1x512xf32>
      %reduce_sum3A = arith.constant dense<0.000000e+00> : vector<512xf32>
      %reduce_sum3A_29 = vector.multi_reduction <add>, %add3A_22, %reduce_sum3A [0] : vector<512x512xf32> to vector<512xf32>
      %broadcast_in_dim3A = vector.shape_cast %reduce_sum3A_29 : vector<512xf32> to vector<1x512xf32>
      %div3A = arith.constant 5.120000e+02 : f32
      %div3A_30 = vector.broadcast %div3A : f32 to vector<1x512xf32>
      %div3A_31 = arith.divf %broadcast_in_dim3A, %div3A_30 : vector<1x512xf32>
      %sub3A = vector.broadcast %div3A_31 : vector<1x512xf32> to vector<512x512xf32>
      %sub3A_32 = arith.subf %add3A_22, %sub3A : vector<512x512xf32>
      %mul3A = arith.mulf %sub3A_32, %sub3A_32 : vector<512x512xf32>
      %reduce_sum3A_33 = arith.constant dense<0.000000e+00> : vector<512xf32>
      %reduce_sum3A_34 = vector.multi_reduction <add>, %mul3A, %reduce_sum3A_33 [0] : vector<512x512xf32> to vector<512xf32>
      %broadcast_in_dim3A_35 = vector.shape_cast %reduce_sum3A_34 : vector<512xf32> to vector<1x512xf32>
      %div3A_36 = arith.constant 5.120000e+02 : f32
      %div3A_37 = vector.broadcast %div3A_36 : f32 to vector<1x512xf32>
      %div3A_38 = arith.divf %broadcast_in_dim3A_35, %div3A_37 : vector<1x512xf32>
      %add3A_39 = arith.constant 9.99999974E-6 : f32
      %add3A_40 = vector.broadcast %add3A_39 : f32 to vector<1x512xf32>
      %add3A_41 = arith.addf %div3A_38, %add3A_40 : vector<1x512xf32>
      %rsqrt3A = math.rsqrt %add3A_41 : vector<1x512xf32>
      %mul3A_42 = vector.broadcast %rsqrt3A : vector<1x512xf32> to vector<512x512xf32>
      %mul3A_43 = arith.mulf %sub3A_32, %mul3A_42 : vector<512x512xf32>
      %mul3A_44 = vector.broadcast %get3A_25 : vector<1x512xf32> to vector<512x512xf32>
      %mul3A_45 = arith.mulf %mul3A_43, %mul3A_44 : vector<512x512xf32>
      %add3A_46 = vector.broadcast %get3A_28 : vector<1x512xf32> to vector<512x512xf32>
      %add3A_47 = arith.addf %mul3A_45, %add3A_46 : vector<512x512xf32>
      %max3A = arith.constant 0.000000e+00 : f32
      %max3A_48 = vector.broadcast %max3A : f32 to vector<512x512xf32>
      %max3A_49 = arith.maximumf %add3A_47, %max3A_48 : vector<512x512xf32>
      %get3A_50 = arith.constant 0 : index
      %get3A_51 = arith.constant 0 : index
      %get3A_52 = vector.load %arg10[%get3A_50, %get3A_51] : memref<512x256xf32, #tpu.memory_space<vmem>>, vector<512x256xf32>
      %dot_general3A_53 = arith.constant dense<0.000000e+00> : vector<512x256xf32>
      %dot_general3A_54 = tpu.matmul %max3A_49, %get3A_52, %dot_general3A_53 {dimension_numbers = #tpu.dot_dimension_numbers<[1], [0], [0], [1], [0, 0, 1, 1], [], []>, transpose_lhs_hint = false} : vector<512x512xf32>, vector<512x256xf32>, vector<512x256xf32> -> vector<512x256xf32>
      %get3A_55 = arith.constant 0 : index
      %get3A_56 = arith.constant 0 : index
      %get3A_57 = vector.load %arg11[%get3A_55, %get3A_56] : memref<1x256xf32, #tpu.memory_space<vmem>>, vector<1x256xf32>
      %add3A_58 = vector.broadcast %get3A_57 : vector<1x256xf32> to vector<512x256xf32>
      %add3A_59 = arith.addf %dot_general3A_54, %add3A_58 : vector<512x256xf32>
      %get3A_60 = arith.constant 0 : index
      %get3A_61 = arith.constant 0 : index
      %get3A_62 = vector.load %arg12[%get3A_60, %get3A_61] : memref<1x256xf32, #tpu.memory_space<vmem>>, vector<1x256xf32>
      %get3A_63 = arith.constant 0 : index
      %get3A_64 = arith.constant 0 : index
      %get3A_65 = vector.load %arg13[%get3A_63, %get3A_64] : memref<1x256xf32, #tpu.memory_space<vmem>>, vector<1x256xf32>
      %reduce_sum3A_66 = arith.constant dense<0.000000e+00> : vector<256xf32>
      %reduce_sum3A_67 = vector.multi_reduction <add>, %add3A_59, %reduce_sum3A_66 [0] : vector<512x256xf32> to vector<256xf32>
      %broadcast_in_dim3A_68 = vector.shape_cast %reduce_sum3A_67 : vector<256xf32> to vector<1x256xf32>
      %div3A_69 = arith.constant 5.120000e+02 : f32
      %div3A_70 = vector.broadcast %div3A_69 : f32 to vector<1x256xf32>
      %div3A_71 = arith.divf %broadcast_in_dim3A_68, %div3A_70 : vector<1x256xf32>
      %sub3A_72 = vector.broadcast %div3A_71 : vector<1x256xf32> to vector<512x256xf32>
      %sub3A_73 = arith.subf %add3A_59, %sub3A_72 : vector<512x256xf32>
      %mul3A_74 = arith.mulf %sub3A_73, %sub3A_73 : vector<512x256xf32>
      %reduce_sum3A_75 = arith.constant dense<0.000000e+00> : vector<256xf32>
      %reduce_sum3A_76 = vector.multi_reduction <add>, %mul3A_74, %reduce_sum3A_75 [0] : vector<512x256xf32> to vector<256xf32>
      %broadcast_in_dim3A_77 = vector.shape_cast %reduce_sum3A_76 : vector<256xf32> to vector<1x256xf32>
      %div3A_78 = arith.constant 5.120000e+02 : f32
      %div3A_79 = vector.broadcast %div3A_78 : f32 to vector<1x256xf32>
      %div3A_80 = arith.divf %broadcast_in_dim3A_77, %div3A_79 : vector<1x256xf32>
      %add3A_81 = arith.constant 9.99999974E-6 : f32
      %add3A_82 = vector.broadcast %add3A_81 : f32 to vector<1x256xf32>
      %add3A_83 = arith.addf %div3A_80, %add3A_82 : vector<1x256xf32>
      %rsqrt3A_84 = math.rsqrt %add3A_83 : vector<1x256xf32>
      %mul3A_85 = vector.broadcast %rsqrt3A_84 : vector<1x256xf32> to vector<512x256xf32>
      %mul3A_86 = arith.mulf %sub3A_73, %mul3A_85 : vector<512x256xf32>
      %mul3A_87 = vector.broadcast %get3A_62 : vector<1x256xf32> to vector<512x256xf32>
      %mul3A_88 = arith.mulf %mul3A_86, %mul3A_87 : vector<512x256xf32>
      %add3A_89 = vector.broadcast %get3A_65 : vector<1x256xf32> to vector<512x256xf32>
      %add3A_90 = arith.addf %mul3A_88, %add3A_89 : vector<512x256xf32>
      %max3A_91 = arith.constant 0.000000e+00 : f32
      %max3A_92 = vector.broadcast %max3A_91 : f32 to vector<512x256xf32>
      %max3A_93 = arith.maximumf %add3A_90, %max3A_92 : vector<512x256xf32>
      %get3A_94 = arith.constant 0 : index
      %get3A_95 = arith.constant 0 : index
      %get3A_96 = vector.load %arg14[%get3A_94, %get3A_95] : memref<256x1xf32, #tpu.memory_space<vmem>>, vector<256x1xf32>
      %dot_general3A_97 = arith.constant dense<0.000000e+00> : vector<512x1xf32>
      %dot_general3A_98 = tpu.matmul %max3A_93, %get3A_96, %dot_general3A_97 {dimension_numbers = #tpu.dot_dimension_numbers<[1], [0], [0], [1], [0, 0, 1, 1], [], []>, transpose_lhs_hint = false} : vector<512x256xf32>, vector<256x1xf32>, vector<512x1xf32> -> vector<512x1xf32>
      %get3A_99 = arith.constant 0 : index
      %get3A_100 = arith.constant 0 : index
      %get3A_101 = vector.load %arg15[%get3A_99, %get3A_100] : memref<1x1xf32, #tpu.memory_space<vmem>>, vector<1x1xf32>
      %add3A_102 = vector.broadcast %get3A_101 : vector<1x1xf32> to vector<512x1xf32>
      %add3A_103 = arith.addf %dot_general3A_98, %add3A_102 : vector<512x1xf32>
      %swap3A = arith.constant 0 : index
      %swap3A_104 = arith.constant 0 : index
      %swap3A_105 = vector.load %arg16[%swap3A, %swap3A_104] : memref<512x1xf32, #tpu.memory_space<vmem>>, vector<512x1xf32>
      tpu.vector_store %arg16[%swap3A, %swap3A_104], %add3A_103 {strides = array<i32>} : memref<512x1xf32, #tpu.memory_space<vmem>>, vector<512x1xf32>,
    } else {
    }
    return
  }
  func.func @transform_0(%arg0: i32) -> (i32, i32) {
    %lt3A = arith.constant 20 : i32
    %lt3A_0 = arith.cmpi slt, %arg0, %lt3A : i32
    %rem3A = arith.constant 10 : i32
    %rem3A_1 = arith.remsi %arg0, %rem3A : i32
    %jit3A = arith.constant 0 : i32
    %select_n3A = arith.select %lt3A_0, %rem3A_1, %jit3A : i32
    %c0_i32 = arith.constant 0 : i32
    %c0_i32_2 = arith.constant 0 : i32
    return %select_n3A, %c0_i32 : i32, i32
  }
  func.func @transform_1(%arg0: i32) -> (i32, i32) {
    %min3A = arith.constant 19 : i32
    %min3A_0 = arith.minsi %arg0, %min3A : i32
    %c0_i32 = arith.constant 0 : i32
    %c0_i32_1 = arith.constant 0 : i32
    return %min3A_0, %c0_i32 : i32, i32
  }
  func.func @transform_2(%arg0: i32) -> (i32, i32) {
    %min3A = arith.constant 19 : i32
    %min3A_0 = arith.minsi %arg0, %min3A : i32
    %c0_i32 = arith.constant 0 : i32
    %c0_i32_1 = arith.constant 0 : i32
    return %min3A_0, %c0_i32 : i32, i32
  }
  func.func @transform_3(%arg0: i32) -> (i32, i32) {
    %min3A = arith.constant 19 : i32
    %min3A_0 = arith.minsi %arg0, %min3A : i32
    %c0_i32 = arith.constant 0 : i32
    %c0_i32_1 = arith.constant 0 : i32
    return %min3A_0, %c0_i32 : i32, i32
  }
  func.func @transform_4(%arg0: i32) -> (i32, i32) {
    %min3A = arith.constant 19 : i32
    %min3A_0 = arith.minsi %arg0, %min3A : i32
    %c0_i32 = arith.constant 0 : i32
    %c0_i32_1 = arith.constant 0 : i32
    return %min3A_0, %c0_i32 : i32, i32
  }
  func.func @transform_5(%arg0: i32) -> (i32, i32) {
    %c0_i32 = arith.constant 0 : i32
    %c0_i32_0 = arith.constant 0 : i32
    %c0_i32_1 = arith.constant 0 : i32
    return %c0_i32, %c0_i32_0 : i32, i32
  }
  func.func @transform_6(%arg0: i32) -> (i32, i32) {
    %c0_i32 = arith.constant 0 : i32
    %c0_i32_0 = arith.constant 0 : i32
    %c0_i32_1 = arith.constant 0 : i32
    return %c0_i32, %c0_i32_0 : i32, i32
  }
  func.func @transform_7(%arg0: i32) -> (i32, i32) {
    %c0_i32 = arith.constant 0 : i32
    %c0_i32_0 = arith.constant 0 : i32
    %c0_i32_1 = arith.constant 0 : i32
    return %c0_i32, %c0_i32_0 : i32, i32
  }
  func.func @transform_8(%arg0: i32) -> (i32, i32) {
    %c0_i32 = arith.constant 0 : i32
    %c0_i32_0 = arith.constant 0 : i32
    %c0_i32_1 = arith.constant 0 : i32
    return %c0_i32, %c0_i32_0 : i32, i32
  }
  func.func @transform_9(%arg0: i32) -> (i32, i32) {
    %c0_i32 = arith.constant 0 : i32
    %c0_i32_0 = arith.constant 0 : i32
    %c0_i32_1 = arith.constant 0 : i32
    return %c0_i32, %c0_i32_0 : i32, i32
  }
  func.func @transform_10(%arg0: i32) -> (i32, i32) {
    %c0_i32 = arith.constant 0 : i32
    %c0_i32_0 = arith.constant 0 : i32
    %c0_i32_1 = arith.constant 0 : i32
    return %c0_i32, %c0_i32_0 : i32, i32
  }
  func.func @transform_11(%arg0: i32) -> (i32, i32) {
    %c0_i32 = arith.constant 0 : i32
    %c0_i32_0 = arith.constant 0 : i32
    %c0_i32_1 = arith.constant 0 : i32
    return %c0_i32, %c0_i32_0 : i32, i32
  }
  func.func @transform_12(%arg0: i32) -> (i32, i32) {
    %c0_i32 = arith.constant 0 : i32
    %c0_i32_0 = arith.constant 0 : i32
    %c0_i32_1 = arith.constant 0 : i32
    return %c0_i32, %c0_i32_0 : i32, i32
  }
  func.func @transform_13(%arg0: i32) -> (i32, i32) {
    %c0_i32 = arith.constant 0 : i32
    %c0_i32_0 = arith.constant 0 : i32
    %c0_i32_1 = arith.constant 0 : i32
    return %c0_i32, %c0_i32_0 : i32, i32
  }
  func.func @transform_14(%arg0: i32) -> (i32, i32) {
    %c0_i32 = arith.constant 0 : i32
    %c0_i32_0 = arith.constant 0 : i32
    %c0_i32_1 = arith.constant 0 : i32
    return %c0_i32, %c0_i32_0 : i32, i32
  }
  func.func @transform_15(%arg0: i32) -> (i32, i32) {
    %c0_i32 = arith.constant 0 : i32
    %c0_i32_0 = arith.constant 0 : i32
    %c0_i32_1 = arith.constant 0 : i32
    return %c0_i32, %c0_i32_0 : i32, i32
  }
}

</mosaic_0001>

<sc_bundles>
// kernel: kernel.11.cloned.1.call-start
scs
__scs_entry_jumppad:
0x0: {  	(pc) =	sbr.rel $0x88, $3  }
0x1: {  	(tag) =	ssettag $0x0;
	lr =	simm.s32 $0x1  }
0x2: {  	[smem:$0x3F8D] =	sst lr;
	_ =	strace $0xD0000000  }
0x3: {  	_ = 	snop  }
0x4: {  	_ = 	snop  }
0x5: {  	_ = 	snop  }
0x6: {  	_ = 	snop  }
0x7: {  	_ = 	snop  }
__scs_overlays_trampoline_lowered:
0x8: {  	[smem:$0x3F9C] =	sst s0  }
0x9: {  	[smem:$0x3F9D] =	sst s1  }
0xa: {  	[smem:$0x3F9E] =	sst s2  }
0xb: {  	[smem:$0x3F9F] =	sst s3  }
0xc: {  	[smem:$0x3FA0] =	sst s4  }
0xd: {  	[smem:$0x3FA1] =	sst s5  }
0xe: {  	[smem:$0x3FA2] =	sst s6  }
0xf: {  	[smem:$0x3FA3] =	sst s7  }
0x10: {  	[smem:$0x3FA4] =	sst s8  }
0x11: {  	[smem:$0x3FA5] =	sst s9;
	s0 =	simm.s32 @!p0 $0x0  }
0x12: {  	s1 =	sld [smem:$0x3F8B];
	s0 =	simm.s32 @p0 $0x1  }
0x13: {  	[smem:$0x3FA6] =	sst s0;
	s0 =	simm.s32 @!p1 $0x0  }
0x14: {  	s2 =	sld [smem:$0x3F8A];
	s0 =	simm.s32 @p1 $0x1  }
0x15: {  	[smem:$0x3FA7] =	sst s0;
	s0 =	simm.s32 @!p2 $0x0  }
0x16: {  	s3 =	sld [smem:$0x3FDB];
	s0 =	simm.s32 @p2 $0x1  }
0x17: {  	s4 =	simm.s32 $0x1BF5;
	[smem:$0x3FA9] =	sst s0  }
0x18: {  	s0 =	sld [smem:$0x3F8C];
	_ =	swait.ge [sflag:s4], $0x0  }
0x19: {  	s7 =	sld [smem:$0x3F8D]  }
0x1a: {  	s8 =	sadd.s32 $0xFFFFE003, lr  }
0x1b: {  	s9 =	sadd.s32 $0xFFFFFEF7, lr;
	s5 =	simm.s32 $0xFFFFFFFF;
	p2 =	slt.u32 s8, $0xFFFFF086  }
0x1c: {  	p1 =	slt.u32 s9, $0xF7A;
	s5 =	simm.s32 @!p2 $0x0  }
0x1d: {  	s5 =	simm.s32 @p1 $0x1;
	p0 =	seq.s32 s7, s2  }
0x1e: {  	s7 =	smul.u32 @!p0 $0xF7A, s2;
	p2 =	seq.s32 @!p0 s5, $0x0  }
0x1f: {  	s9 =	smul.u32 $0xF7A, s1;
	s8 =	simm.s32 @!p0 $0x1BF5;
	p2 =	por !p2, p0  }
0x20: {  	[sflag:s8] =	ssyncset.s32 @!p0 $0xFFFFF086;
	s6 =	sadd.s32 @!p0 s3, s7;
	s7 =	simm.s32 @!p0 $0x108  }
0x21: {  	s3 =	sadd.s32 s3, s9;
	s6 =	sadd.s32 @!p0 $0x88, s6;
	s7 =	simm.s32 @p2 $0x1082  }
0x22: {  	[simem:s7], [sflag:s8] =	dma.local @!p0 [hbm:s6], $0xF7A  }
0x23: {  	s9 =	sor.u32 $0xD0000000, s2;
	s6 =	simm.s32 $0x108;
	_ =	swait.ge @!p0 [sflag:s8], $0x0  }
0x24: {  	s3 =	sadd.s32 $0x88, s3;
	s6 =	simm.s32 @!p1 $0x1082;
	[sflag:s4] =	ssyncset.s32 $0xFFFFF086  }
0x25: {  	[simem:s6], [sflag:s4] =	dma.local [hbm:s3], $0xF7A  }
0x26: {  	[smem:$0x3F8D] =	sst s1;
	(tag) =	ssettag s2;
	_ =	strace s9  }
0x27: {  	s1 =	sld [smem:$0x3F9D]  }
0x28: {  	s2 =	sld [smem:$0x3F9E]  }
0x29: {  	s4 =	sld [smem:$0x3FA0]  }
0x2a: {  	p0 =	seq.s32 s5, $0x0;
	s5 =	sld [smem:$0x3FA1]  }
0x2b: {  	s6 =	sld [smem:$0x3FA2]  }
0x2c: {  	s7 =	sld [smem:$0x3FA3]  }
0x2d: {  	s3 =	simm.s32 $0x108;
	s8 =	sld [smem:$0x3FA4]  }
0x2e: {  	s3 =	simm.s32 @!p0 $0x1082;
	s9 =	sld [smem:$0x3FA5]  }
0x2f: {  	lr =	sadd.s32 s0, s3;
	s0 =	sld [smem:$0x3F9C]  }
0x30: {  	s3 =	sld [smem:$0x3F9F]  }
0x31: {  	[smem:$0x3FA8] =	sst s10  }
0x32: {  	s10 =	sld [smem:$0x3FA6];
	_ =	sdelay $0x3  }
0x33: {  	p0 =	seq.s32 s10, $0x1;
	s10 =	sld [smem:$0x3FA8];
	_ =	sdelay $0x3  }
0x34: {  	[smem:$0x3FA8] =	sst s10  }
0x35: {  	s10 =	sld [smem:$0x3FA7];
	_ =	sdelay $0x3  }
0x36: {  	p1 =	seq.s32 s10, $0x1;
	s10 =	sld [smem:$0x3FA8];
	_ =	sdelay $0x3  }
0x37: {  	[smem:$0x3FA8] =	sst s10  }
0x38: {  	s10 =	sld [smem:$0x3FA9]  }
0x39: {  	_ = 	snop;
	(pc) =	sbr.ind lr, $3  }
0x3a: {  	_ = 	snop  }
0x3b: {  	_ = 	snop  }
0x3c: {  	p2 =	seq.s32 s10, $0x1;
	s10 =	sld [smem:$0x3FA8]  }
0x3d: {  	_ =	shalt  }
0x3e: {  	_ =	shalt  }
0x3f: {  	_ =	shalt  }
0x40: {  	_ =	shalt  }
0x41: {  	_ =	shalt  }
0x42: {  	_ =	shalt  }
0x43: {  	_ =	shalt  }
0x44: {  	_ =	shalt  }
0x45: {  	_ =	shalt  }
0x46: {  	_ =	shalt  }
0x47: {  	_ =	shalt  }
0x48: {  	_ =	shalt  }
0x49: {  	_ =	shalt  }
0x4a: {  	_ =	shalt  }
0x4b: {  	_ =	shalt  }
0x4c: {  	_ =	shalt  }
0x4d: {  	_ =	shalt  }
0x4e: {  	_ =	shalt  }
0x4f: {  	_ =	shalt  }
0x50: {  	_ =	shalt  }
0x51: {  	_ =	shalt  }
0x52: {  	_ =	shalt  }
0x53: {  	_ =	shalt  }
0x54: {  	_ =	shalt  }
0x55: {  	_ =	shalt  }
0x56: {  	_ =	shalt  }
0x57: {  	_ =	shalt  }
0x58: {  	_ =	shalt  }
0x59: {  	_ =	shalt  }
0x5a: {  	_ =	shalt  }
0x5b: {  	_ =	shalt  }
0x5c: {  	_ =	shalt  }
0x5d: {  	_ =	shalt  }
0x5e: {  	_ =	shalt  }
0x5f: {  	_ =	shalt  }
0x60: {  	_ =	shalt  }
0x61: {  	_ =	shalt  }
0x62: {  	_ =	shalt  }
0x63: {  	_ =	shalt  }
0x64: {  	_ =	shalt  }
0x65: {  	_ =	shalt  }
0x66: {  	_ =	shalt  }
0x67: {  	_ =	shalt  }
0x68: {  	_ =	shalt  }
0x69: {  	_ =	shalt  }
0x6a: {  	_ =	shalt  }
0x6b: {  	_ =	shalt  }
0x6c: {  	_ =	shalt  }
0x6d: {  	_ =	shalt  }
0x6e: {  	_ =	shalt  }
0x6f: {  	_ =	shalt  }
0x70: {  	_ =	shalt  }
0x71: {  	_ =	shalt  }
0x72: {  	_ =	shalt  }
0x73: {  	_ =	shalt  }
0x74: {  	_ =	shalt  }
0x75: {  	_ =	shalt  }
0x76: {  	_ =	shalt  }
0x77: {  	_ =	shalt  }
0x78: {  	_ =	shalt  }
0x79: {  	_ =	shalt  }
0x7a: {  	_ =	shalt  }
0x7b: {  	_ =	shalt  }
0x7c: {  	_ =	shalt  }
0x7d: {  	_ =	shalt  }
0x7e: {  	_ =	shalt  }
0x7f: {  	_ =	shalt  }
0x80: {  	_ =	shalt  }
0x81: {  	_ =	shalt  }
0x82: {  	_ =	shalt  }
0x83: {  	_ =	shalt  }
0x84: {  	_ =	shalt  }
0x85: {  	_ =	shalt  }
0x86: {  	_ =	shalt  }
0x87: {  	_ =	shalt  }
.Lfunc_end0:
.L_simem_size_0:
called_computation_lowered:
.L_overlay_start_0:
0x88: {  	s2 =	sld [smem:$0x3FD9]  }
0x89: {  	s3 =	sld [smem:$0x3FFE];
	_ =	sdelay $0x1  }
0x8a: {  	s1 =	srdreg.scid  }
0x8b: {  	s0 =	sand.u32 $0x1, s1  }
0x8c: {  	s17 =	sshll.u32 s0, $0xA;
	s2 =	sadd.s32 s3, s2  }
0x8d: {  	s2 =	sadd.s32 s2, s17  }
0x8e: {  	[smem:$0x3FB4] =	sst s2  }
0x8f: {  	_ = 	snop  }
0x90: {  	(tm) =	ssettm $0x1  }
0x91: {  	s18 =	sld [smem:$0x3FFB];
	_ =	sdelay $0x3  }
0x92: {  	_ =	strace s18  }
0x93: {  	s2 =	sld [smem:$0x3FFC];
	_ =	sdelay $0x3  }
0x94: {  	_ =	strace s2  }
0x95: {  	s2 =	sld [smem:$0x3FFD];
	_ =	sdelay $0x3  }
0x96: {  	_ =	strace s2  }
0x97: {  	_ =	strace $0x8FFFFFFF  }
0x98: {  	s19 =	sld [smem:$0x3FDB];
	_ =	sdelay $0x1  }
0x99: {  	s20 =	simm.s32 $_scs_section_size  }
0x9a: {  	s4 =	simm.s32 $_size__tile_overlayer_lowered;
	s5 =	simm.s32 $_tile_overlayer_lowered  }
0x9b: {  	s6 =	simm.s32 $0x1BFF;
	s21 =	sshll.u32 s5, $0x1;
	s3 =	sadd.s32 s20, s19  }
0x9c: {  	s22 =	simm.s32 $0x0;
	s4 =	sshll.u32 s4, $0x1;
	s5 =	sadd.s32 s21, s3  }
0x9d: {  	[timem:s22], [sflag:s6] =	dma.local [hbm:s5], s4  }
0x9e: {  	_ =	swait.ge [sflag:s6], s4  }
0x9f: {  	s4 =	ssub.s32 $0x0, s4;
	[sflag:s6] =	ssyncset.done $0x0  }
0xa0: {  	[sflag:s6] =	ssyncadd.s32 s4;
	_ =	sdelay $0x1  }
0xa1: {  	s23 =	simm.s32 $0x1B8B  }
0xa2: {  	_ =	swait.ge [sflag:s23], $0x1  }
0xa3: {  	[sflag:s23] =	ssyncset.done $0x0  }
0xa4: {  	[sflag:s23] =	ssyncadd.s32 $0xFFFFFFFF  }
0xa5: {  	s4 =	sld [smem:$0x0]  }
0xa6: {  	s5 =	sand.u32 $0xFFFFFFFE, s1  }
0xa7: {  	p0 =	sne.s32 s1, s5  }
0xa8: {  	s5 =	sshll.u32 @p0 s5, $0xE  }
0xa9: {  	s5 =	sadd.s32 @p0 $0x11B8D, s5;
	s6 =	sshll.u32 @p0 s4, $0x11  }
0xaa: {  	s5 =	sor.u32 @p0 s6, s5  }
0xab: {  	[sflag:s5] =	ssyncadd.remote.s32 @p0 $0x1;
	_ =	sdelay $0x1  }
0xac: {  	s5 =	simm.s32 @p0 $0x1B8D  }
0xad: {  	_ =	swait.eq @p0 [sflag:s5], $0x1  }
0xae: {  	[sflag:s5] =	ssyncadd.s32 @p0 $0xFFFFFFFF  }
0xaf: {  	s6 =	sshll.u32 @!p0 s1, $0xE  }
0xb0: {  	s6 =	sor.u32 @!p0 $0x4000, s6;
	s5 =	simm.s32 @!p0 $0x1B8D  }
0xb1: {  	s4 =	sshll.u32 @!p0 s4, $0x11;
	s6 =	sadd.s32 @!p0 $0x11B8D, s6;
	_ =	swait.eq @!p0 [sflag:s5], $0x1  }
0xb2: {  	s4 =	sor.u32 @!p0 s4, s6;
	[sflag:s5] =	ssyncadd.s32 @!p0 $0xFFFFFFFF  }
0xb3: {  	s25 =	simm.s32 $0x1B8E;
	s24 =	sld [smem:$0x3FFE];
	[sflag:s4] =	ssyncadd.remote.s32 @!p0 $0x1  }
0xb4: {  	s26 =	simm.s32 $execute0_lowered;
	[smem:$0x3FD2] =	sst s25  }
0xb5: {  	s5 =	sshll.u32 s26, $0x1;
	_ =	strace $0x80000049;
	[dreg:$0x1] =	wrdreg $0xFFFFFFFF  }
0xb6: {  	s28 =	simm.s32 $_size_execute0_lowered;
	s3 =	sadd.s32 s3, s5;
	[dreg:$0x0] =	wrdreg $0x0  }
0xb7: {  	s5 =	sshll.u32 s28, $0x1;
	[dreg:$0x2] =	wrdreg s3  }
0xb8: {  	[dreg:$0x3] =	wrdreg s5  }
0xb9: {  	[dreg:$0x4] =	wrdreg $0xC0  }
0xba: {  	_ =	task [dreg:s22], $0x5FFFF  }
0xbb: {  	[dreg:$0x1] =	wrdreg $0xFFFFFFFF  }
0xbc: {  	[dreg:$0x0] =	wrdreg $0x60  }
0xbd: {  	[dreg:$0x2] =	wrdreg s24  }
0xbe: {  	[dreg:$0x3] =	wrdreg $0x7C000  }
0xbf: {  	[dreg:$0x4] =	wrdreg $0x9  }
0xc0: {  	_ =	task.clear_ibuf [dreg:s22], $0x5FFFF;
	_ =	strace $0x90000049  }
0xc1: {  	s29 =	simm.s32 $0x9;
	_ =	strace $0x8000004B  }
0xc2: {  	_ =	swait.ge [sflag:s29], $0x1  }
0xc3: {  	[sflag:s29] =	ssyncadd.s32 $0xFFFFFFFF  }
0xc4: {  	_ =	strace $0x9000004B  }
0xc5: {  	_ =	sfence  }
0xc6: {  	s30 =	sld [smem:$0x0];
	_ =	sdelay $0x2  }
0xc7: {  	s31 =	sshll.u32 s1, $0xD;
	s1 =	sshrl.u32 s1, $0x2  }
0xc8: {  	s4 =	sand.u32 $0x4000, s31;
	s1 =	sadd.s32 s1, s30  }
0xc9: {  	s0 =	sor.u32 s4, s0;
	s1 =	sshll.u32 s1, $0x11  }
0xca: {  	s0 =	sor.u32 s1, s0  }
0xcb: {  	s0 =	sadd.s32 $0x8F2B, s0  }
0xcc: {  	[sflag:s0] =	ssyncadd.remote.s32 $0x1  }
0xcd: {  	_ =	sfence.sel $0xFFFF  }
0xce: {  	[dreg:$0x0] =	wrdreg $0xFFFFFFFF;
	(pc) =	sbr.abs _section_cstart, $3  }
0xcf: {  	[dreg:$0x1] =	wrdreg $0xFFFFFFFF  }
0xd0: {  	_ =	task.clear_ibuf [dreg:s22], $0x2FFFF;
	_ =	strace $0x9FFFFFFF  }
0xd1: {  	(tm) =	ssettm $0x7FFFFFFF  }
tec
execute0_lowered:
.L_overlay_start_1:
0x0: {  	(tag) =	ssettag $0x1  }
0x1: {  	s1 =	srdreg.scid;
	s4 =	rddreg [dreg:$0x0]  }
0x2: {  	s0 =	stileid.u32;
	s2 =	rddreg [dreg:$0x1]  }
0x3: {  	s3 =	simm.s32 $0x0;
	s12 =	simm.s32 $0x1400;
	s7 =	smul.u32 $0x280, s0  }
0x4: {  	s5 =	sand.u32 $0x1, s1;
	s1 =	rddreg [dreg:$0x2];
	s9 =	smul.u32 $0x50000, s0  }
0x5: {  	s13 =	simm.s32 $0x0;
	[smem:$0x7FF] =	sst s3;
	s11 =	smul.u32 $0x2800, s0  }
0x6: {  	s6 =	sshll.u32 s5, $0x4;
	_ =	strace $0x8000004A;
	s8 =	smul.u32 $0x27100, s5  }
0x7: {  	s5 =	ssub.s32 $0x2, s5;
	s6 =	sor.u32 s0, s6;
	s7 =	ssub.s32 $0x2710, s7  }
0x8: {  	s29 =	sshrl.u32 s5, $0x1;
	s31 =	sshrl.u32 s9, $0x2;
	s9 =	simm.s32 $0x5400  }
0x9: {  	s6 =	smul.u32 $0x280, s6;
	s7 =	sand.u32 $0xFF90, s7;
	s8 =	sadd.s32 s8, s4  }
0xa: {  	s10 =	ssub.s32 s5, s29;
	s7 =	smul.u32 $0xCCCD, s7;
	s8 =	sadd.s32 s11, s8  }
0xb: {  	s11 =	simm.s32 $0x7D;
	s6 =	sadd.s32 s6, s4;
	s8 =	sadd.s32 $0xB8000, s8  }
0xc: {  	s30 =	sshrl.u32 s7, $0x16;
	s5 =	sadd.s32 $0xB3000, s6;
	s6 =	smax.u32 s10, $0x1  }
0xd: {  	v0 =	vimm.f32 $0.0e+00;
	v1 =	vimm.f32 $1.000000000e+00;
	s7 =	sadd.s32 s31, s2;
	s10 =	simm.s32 $0x1;
	s4 =	smin.u32 s30, $0x8  }
.LBB2_1:
0xe: {  	s14 =	simm.s32 $0x0;
	s15 =	simm.s32 $0x200  }
.LBB2_2:
0xf: {  	p0 =	sne.s32 s15, $0x9E00;
	[tilespmem:s14+$0x5470] =	vst v0  }
0x10: {  	[tilespmem:s14+$0x5400] =	vst v0  }
0x11: {  	[tilespmem:s14+$0x5410] =	vst v0  }
.Ltmp0:
0x12: {  	[tilespmem:s14+$0x5420] =	vst v0;
	(pc) =	sbr.rel @p0 .LBB2_2-.Ltmp0, $4  }
0x13: {  	[tilespmem:s14+$0x5430] =	vst v0  }
0x14: {  	[tilespmem:s14+$0x5440] =	vst v0  }
0x15: {  	[tilespmem:s14+$0x5450] =	vst v0  }
0x16: {  	[tilespmem:s14+$0x5460] =	vst v0;
	s14 =	sshra.s32 s15, $0x2;
	s15 =	sadd.s32 $0x200, s15  }
0x17: {  	[tilespmem:s14+$0x5470] =	vst v0  }
0x18: {  	[tilespmem:s14+$0x5400] =	vst v0  }
0x19: {  	[tilespmem:s14+$0x5410] =	vst v0  }
0x1a: {  	[tilespmem:s14+$0x5420] =	vst v0  }
0x1b: {  	[tilespmem:s14+$0x5430] =	vst v0  }
0x1c: {  	[tilespmem:s14+$0x5440] =	vst v0  }
0x1d: {  	[tilespmem:s14+$0x5450] =	vst v0  }
0x1e: {  	[tilespmem:s14+$0x5460] =	vst v0;
	s14 =	simm.s32 $0x0;
	s15 =	simm.s32 $0x200  }
.LBB2_4:
0x1f: {  	p0 =	sne.s32 s15, $0xF800;
	[tilespmem:s14+$0x1470] =	vst v1  }
0x20: {  	[tilespmem:s14+$0x1400] =	vst v1  }
0x21: {  	[tilespmem:s14+$0x1410] =	vst v1  }
.Ltmp1:
0x22: {  	[tilespmem:s14+$0x1420] =	vst v1;
	(pc) =	sbr.rel @p0 .LBB2_4-.Ltmp1, $4  }
0x23: {  	[tilespmem:s14+$0x1430] =	vst v1  }
0x24: {  	[tilespmem:s14+$0x1440] =	vst v1  }
0x25: {  	[tilespmem:s14+$0x1450] =	vst v1  }
0x26: {  	[tilespmem:s14+$0x1460] =	vst v1;
	s14 =	sshra.s32 s15, $0x2;
	s15 =	sadd.s32 $0x200, s15  }
0x27: {  	[tilespmem:s14+$0x1470] =	vst v1  }
0x28: {  	[tilespmem:s14+$0x1400] =	vst v1  }
0x29: {  	[tilespmem:s14+$0x1410] =	vst v1  }
0x2a: {  	[tilespmem:s14+$0x1420] =	vst v1  }
0x2b: {  	[tilespmem:s14+$0x1430] =	vst v1  }
0x2c: {  	[tilespmem:s14+$0x1440] =	vst v1;
	p0 =	sne.s32 s4, $0x1  }
.Ltmp2:
0x2d: {  	[tilespmem:s14+$0x1450] =	vst v1;
	(pc) =	sbr.rel @!p0 .LBB2_7-.Ltmp2, $4  }
0x2e: {  	[tilespmem:s14+$0x1460] =	vst v1  }
0x2f: {  	[spmem:s7] =	stream.linear.scatter [tilespmem:s9], [sflag:$0x1], $0x2800, $0x38;
	[tilespmem:$0x1B480] =	vst v63  }
0x30: {  	_ =	swait.ge [sflag:s10], $0x2800  }
0x31: {  	s14 =	sadd.s32 $0xFFFFFFFF, s4;
	s15 =	smov.u32 s7;
	[sflag:s10] =	ssyncset.done $0x0  }
.LBB2_6:
0x32: {  	p1 =	sne.s32 s14, $0x1;
	[sflag:s10] =	ssyncadd.s32 $0xFFFFD800;
	s15 =	sadd.s32 $0x2800, s15  }
.Ltmp3:
0x33: {  	s14 =	sadd.s32 $0xFFFFFFFF, s14;
	(pc) =	sbr.rel @p1 .LBB2_6-.Ltmp3, $4  }
0x34: {  	_ = 	snop  }
0x35: {  	[spmem:s15] =	stream.linear.scatter [tilespmem:s9], [sflag:$0x1], $0x2800, $0x38;
	[tilespmem:$0x1B480] =	vst v63  }
0x36: {  	_ =	swait.ge [sflag:s10], $0x2800  }
0x37: {  	[sflag:s10] =	ssyncset.done $0x0  }
.LBB2_7:
0x38: {  	[sflag:s10] =	ssyncadd.s32 $0xFFFFD800;
	s14 =	simm.s32 $0x0  }
0x39: {  	[tilespmem:s14], [sflag:$0x1] =	stream.linear.gather [hbm4b:s5+s14], $0x1400, $0x38;
	[tilespmem:$0x1B480] =	vst v63  }
0x3a: {  	_ =	swait.ge [sflag:s10], $0x1400  }
0x3b: {  	[sflag:s10] =	ssyncset.done $0x0  }
0x3c: {  	[sflag:s10] =	ssyncadd.s32 $0xFFFFEC00  }
0x3d: {  	s31 =	simm.s32 $0x0;
	[bflag:$0x0] =	sbarrier.arrive $0xFFFF  }
0x3e: {  	[spmem:s2] =	stream.indirect.scatter.add.f32 [tilespmem:s12], [sflag:$0x1], $0x80, s31, s11, $0xb8;
	[tilespmem:$0x1B480] =	vst v63  }
0x3f: {  	_ =	swait.ge [sflag:s10], $0x3E80  }
0x40: {  	s14 =	simm.s32 $0x200;
	[sflag:s10] =	ssyncset.done $0x0  }
.LBB2_8:
0x41: {  	s15 =	sshra.s32 s14, $0x2;
	[sflag:s10] =	ssyncadd.s32 $0xFFFFC180;
	p1 =	sne.s32 s14, $0x4E00  }
0x42: {  	[spmem:s2] =	stream.indirect.scatter.add.f32 [tilespmem:s12], [sflag:$0x1], $0x80, s15, s11, $0xb8;
	[tilespmem:$0x1B480] =	vst v63  }
.Ltmp4:
0x43: {  	_ = 	snop;
	(pc) =	sbr.rel @p1 .LBB2_8-.Ltmp4, $4  }
0x44: {  	_ = 	snop  }
0x45: {  	s14 =	sadd.s32 $0x200, s14  }
0x46: {  	_ =	swait.ge [sflag:s10], $0x3E80  }
0x47: {  	[sflag:s10] =	ssyncset.done $0x0  }
0x48: {  	[sflag:s10] =	ssyncadd.s32 $0xFFFFC180  }
0x49: {  	[bflag:$0x0] =	sbarrier.arrive $0xFFFF  }
0x4a: {  	[tilespmem:s9], [sflag:$0x1] =	stream.linear.gather [spmem:s7], $0x2800, $0x38;
	[tilespmem:$0x1B480] =	vst v63  }
0x4b: {  	_ =	swait.ge [sflag:s10], $0x2800  }
.Ltmp5:
0x4c: {  	[sflag:s10] =	ssyncset.done $0x0;
	(pc) =	sbr.rel @!p0 .LBB2_11-.Ltmp5, $4  }
0x4d: {  	[sflag:s10] =	ssyncadd.s32 $0xFFFFD800  }
0x4e: {  	[hbm4b:s8+s3] =	stream.linear.scatter [tilespmem:s9], [sflag:$0x1], $0x2800, $0x38;
	[tilespmem:$0x1B480] =	vst v63  }
0x4f: {  	s14 =	sadd.s32 $0xFFFFFFFF, s4;
	_ =	swait.ge [sflag:s10], $0x2800  }
0x50: {  	s15 =	smov.u32 s7;
	s16 =	smov.u32 s8;
	[sflag:s10] =	ssyncset.done $0x0  }
.LBB2_10:
0x51: {  	[sflag:s10] =	ssyncadd.s32 $0xFFFFD800;
	s15 =	sadd.s32 $0x2800, s15;
	s16 =	sadd.s32 $0x500, s16  }
0x52: {  	[tilespmem:s9], [sflag:$0x1] =	stream.linear.gather [spmem:s15], $0x2800, $0x38;
	[tilespmem:$0x1B480] =	vst v63  }
0x53: {  	p0 =	sne.s32 s14, $0x1;
	s14 =	sadd.s32 $0xFFFFFFFF, s14;
	_ =	swait.ge [sflag:s10], $0x2800  }
.Ltmp6:
0x54: {  	[sflag:s10] =	ssyncset.done $0x0;
	(pc) =	sbr.rel @p0 .LBB2_10-.Ltmp6, $4  }
0x55: {  	[sflag:s10] =	ssyncadd.s32 $0xFFFFD800  }
0x56: {  	[hbm4b:s16+s3] =	stream.linear.scatter [tilespmem:s9], [sflag:$0x1], $0x2800, $0x38;
	[tilespmem:$0x1B480] =	vst v63  }
0x57: {  	_ =	swait.ge [sflag:s10], $0x2800  }
0x58: {  	[sflag:s10] =	ssyncset.done $0x0  }
.LBB2_11:
0x59: {  	s13 =	sadd.s32 $0x1, s13  }
0x5a: {  	p0 =	sne.s32 s13, s6  }
.Ltmp7:
0x5b: {  	_ = 	snop;
	(pc) =	sbr.rel @p0 .LBB2_1-.Ltmp7, $2  }
0x5c: {  	_ =	sdelay $0x2  }
0x5d: {  	[sflag:s10] =	ssyncadd.s32 $0xFFFFD800  }
0x5e: {  	_ =	sfence.sel $0x180000  }
0x5f: {  	[bflag:$0x0] =	sbarrier.arrive $0xFFFF  }
0x60: {  	p0 =	sne.s32 s0, $0x0;
	_ =	strace $0x9000004A  }
0x61: {  	s0 =	sadd.s32 @!p0 $0x100000, s1;
	[bflag:$0x2] =	sbarrier.arrive $0xFFFF  }
0x62: {  	[sflag:s0] =	ssyncadd.tile.s32 @!p0 $0x1;
	_ =	shalt  }
.Lfunc_end2:
_tile_overlayer_lowered:
.L_overlay_start_2:
0x63: {  	(tag) =	ssettag $0x2  }
0x64: {  	s0 =	rddreg [dreg:$0x0];
	s2 =	stileid.u32  }
0x65: {  	s1 =	rddreg [dreg:$0x1];
	p0 =	sne.s32 s2, $0x0  }
0x66: {  	s3 =	rddreg [dreg:$0x2];
	[bflag:$0x3] =	sbarrier.arrive $0xFFFF;
	s2 =	simm.s32 @!p0 $0x1C01  }
0x67: {  	[timem:s3], [sflag:s2] =	dma.local @!p0 [hbm:s0], s1  }
0x68: {  	s0 =	simm.s32 @!p0 $0x1  }
0x69: {  	_ =	swait.ge @!p0 [sflag:s0], s1  }
0x6a: {  	s1 =	ssub.s32 @!p0 $0x0, s1;
	[sflag:s0] =	ssyncset.done @!p0 $0x0  }
0x6b: {  	[sflag:s0] =	ssyncadd.s32 @!p0 s1  }
0x6c: {  	[bflag:$0x3] =	sbarrier.arrive $0xFFFF  }
0x6d: {  	_ =	shalt  }

// kernel: kernel.14.cloned.1.call-start
scs
__scs_entry_jumppad:
0x0: {  	(pc) =	sbr.rel $0x88, $3  }
0x1: {  	(tag) =	ssettag $0x0;
	lr =	simm.s32 $0x1  }
0x2: {  	[smem:$0x3F8D] =	sst lr;
	_ =	strace $0xD0000000  }
0x3: {  	_ = 	snop  }
0x4: {  	_ = 	snop  }
0x5: {  	_ = 	snop  }
0x6: {  	_ = 	snop  }
0x7: {  	_ = 	snop  }
__scs_overlays_trampoline_lowered:
0x8: {  	[smem:$0x3F9C] =	sst s0  }
0x9: {  	[smem:$0x3F9D] =	sst s1  }
0xa: {  	[smem:$0x3F9E] =	sst s2  }
0xb: {  	[smem:$0x3F9F] =	sst s3  }
0xc: {  	[smem:$0x3FA0] =	sst s4  }
0xd: {  	[smem:$0x3FA1] =	sst s5  }
0xe: {  	[smem:$0x3FA2] =	sst s6  }
0xf: {  	[smem:$0x3FA3] =	sst s7  }
0x10: {  	[smem:$0x3FA4] =	sst s8  }
0x11: {  	[smem:$0x3FA5] =	sst s9;
	s0 =	simm.s32 @!p0 $0x0  }
0x12: {  	s1 =	sld [smem:$0x3F8B];
	s0 =	simm.s32 @p0 $0x1  }
0x13: {  	[smem:$0x3FA6] =	sst s0;
	s0 =	simm.s32 @!p1 $0x0  }
0x14: {  	s2 =	sld [smem:$0x3F8A];
	s0 =	simm.s32 @p1 $0x1  }
0x15: {  	[smem:$0x3FA7] =	sst s0;
	s0 =	simm.s32 @!p2 $0x0  }
0x16: {  	s3 =	sld [smem:$0x3FDB];
	s0 =	simm.s32 @p2 $0x1  }
0x17: {  	s4 =	simm.s32 $0x1BF5;
	[smem:$0x3FA9] =	sst s0  }
0x18: {  	s0 =	sld [smem:$0x3F8C];
	_ =	swait.ge [sflag:s4], $0x0  }
0x19: {  	s7 =	sld [smem:$0x3F8D]  }
0x1a: {  	s8 =	sadd.s32 $0xFFFFE003, lr  }
0x1b: {  	s9 =	sadd.s32 $0xFFFFFEF7, lr;
	s5 =	simm.s32 $0xFFFFFFFF;
	p2 =	slt.u32 s8, $0xFFFFF086  }
0x1c: {  	p1 =	slt.u32 s9, $0xF7A;
	s5 =	simm.s32 @!p2 $0x0  }
0x1d: {  	s5 =	simm.s32 @p1 $0x1;
	p0 =	seq.s32 s7, s2  }
0x1e: {  	s7 =	smul.u32 @!p0 $0xF7A, s2;
	p2 =	seq.s32 @!p0 s5, $0x0  }
0x1f: {  	s9 =	smul.u32 $0xF7A, s1;
	s8 =	simm.s32 @!p0 $0x1BF5;
	p2 =	por !p2, p0  }
0x20: {  	[sflag:s8] =	ssyncset.s32 @!p0 $0xFFFFF086;
	s6 =	sadd.s32 @!p0 s3, s7;
	s7 =	simm.s32 @!p0 $0x108  }
0x21: {  	s3 =	sadd.s32 s3, s9;
	s6 =	sadd.s32 @!p0 $0x88, s6;
	s7 =	simm.s32 @p2 $0x1082  }
0x22: {  	[simem:s7], [sflag:s8] =	dma.local @!p0 [hbm:s6], $0xF7A  }
0x23: {  	s9 =	sor.u32 $0xD0000000, s2;
	s6 =	simm.s32 $0x108;
	_ =	swait.ge @!p0 [sflag:s8], $0x0  }
0x24: {  	s3 =	sadd.s32 $0x88, s3;
	s6 =	simm.s32 @!p1 $0x1082;
	[sflag:s4] =	ssyncset.s32 $0xFFFFF086  }
0x25: {  	[simem:s6], [sflag:s4] =	dma.local [hbm:s3], $0xF7A  }
0x26: {  	[smem:$0x3F8D] =	sst s1;
	(tag) =	ssettag s2;
	_ =	strace s9  }
0x27: {  	s1 =	sld [smem:$0x3F9D]  }
0x28: {  	s2 =	sld [smem:$0x3F9E]  }
0x29: {  	s4 =	sld [smem:$0x3FA0]  }
0x2a: {  	p0 =	seq.s32 s5, $0x0;
	s5 =	sld [smem:$0x3FA1]  }
0x2b: {  	s6 =	sld [smem:$0x3FA2]  }
0x2c: {  	s7 =	sld [smem:$0x3FA3]  }
0x2d: {  	s3 =	simm.s32 $0x108;
	s8 =	sld [smem:$0x3FA4]  }
0x2e: {  	s3 =	simm.s32 @!p0 $0x1082;
	s9 =	sld [smem:$0x3FA5]  }
0x2f: {  	lr =	sadd.s32 s0, s3;
	s0 =	sld [smem:$0x3F9C]  }
0x30: {  	s3 =	sld [smem:$0x3F9F]  }
0x31: {  	[smem:$0x3FA8] =	sst s10  }
0x32: {  	s10 =	sld [smem:$0x3FA6];
	_ =	sdelay $0x3  }
0x33: {  	p0 =	seq.s32 s10, $0x1;
	s10 =	sld [smem:$0x3FA8];
	_ =	sdelay $0x3  }
0x34: {  	[smem:$0x3FA8] =	sst s10  }
0x35: {  	s10 =	sld [smem:$0x3FA7];
	_ =	sdelay $0x3  }
0x36: {  	p1 =	seq.s32 s10, $0x1;
	s10 =	sld [smem:$0x3FA8];
	_ =	sdelay $0x3  }
0x37: {  	[smem:$0x3FA8] =	sst s10  }
0x38: {  	s10 =	sld [smem:$0x3FA9]  }
0x39: {  	_ = 	snop;
	(pc) =	sbr.ind lr, $3  }
0x3a: {  	_ = 	snop  }
0x3b: {  	_ = 	snop  }
0x3c: {  	p2 =	seq.s32 s10, $0x1;
	s10 =	sld [smem:$0x3FA8]  }
0x3d: {  	_ =	shalt  }
0x3e: {  	_ =	shalt  }
0x3f: {  	_ =	shalt  }
0x40: {  	_ =	shalt  }
0x41: {  	_ =	shalt  }
0x42: {  	_ =	shalt  }
0x43: {  	_ =	shalt  }
0x44: {  	_ =	shalt  }
0x45: {  	_ =	shalt  }
0x46: {  	_ =	shalt  }
0x47: {  	_ =	shalt  }
0x48: {  	_ =	shalt  }
0x49: {  	_ =	shalt  }
0x4a: {  	_ =	shalt  }
0x4b: {  	_ =	shalt  }
0x4c: {  	_ =	shalt  }
0x4d: {  	_ =	shalt  }
0x4e: {  	_ =	shalt  }
0x4f: {  	_ =	shalt  }
0x50: {  	_ =	shalt  }
0x51: {  	_ =	shalt  }
0x52: {  	_ =	shalt  }
0x53: {  	_ =	shalt  }
0x54: {  	_ =	shalt  }
0x55: {  	_ =	shalt  }
0x56: {  	_ =	shalt  }
0x57: {  	_ =	shalt  }
0x58: {  	_ =	shalt  }
0x59: {  	_ =	shalt  }
0x5a: {  	_ =	shalt  }
0x5b: {  	_ =	shalt  }
0x5c: {  	_ =	shalt  }
0x5d: {  	_ =	shalt  }
0x5e: {  	_ =	shalt  }
0x5f: {  	_ =	shalt  }
0x60: {  	_ =	shalt  }
0x61: {  	_ =	shalt  }
0x62: {  	_ =	shalt  }
0x63: {  	_ =	shalt  }
0x64: {  	_ =	shalt  }
0x65: {  	_ =	shalt  }
0x66: {  	_ =	shalt  }
0x67: {  	_ =	shalt  }
0x68: {  	_ =	shalt  }
0x69: {  	_ =	shalt  }
0x6a: {  	_ =	shalt  }
0x6b: {  	_ =	shalt  }
0x6c: {  	_ =	shalt  }
0x6d: {  	_ =	shalt  }
0x6e: {  	_ =	shalt  }
0x6f: {  	_ =	shalt  }
0x70: {  	_ =	shalt  }
0x71: {  	_ =	shalt  }
0x72: {  	_ =	shalt  }
0x73: {  	_ =	shalt  }
0x74: {  	_ =	shalt  }
0x75: {  	_ =	shalt  }
0x76: {  	_ =	shalt  }
0x77: {  	_ =	shalt  }
0x78: {  	_ =	shalt  }
0x79: {  	_ =	shalt  }
0x7a: {  	_ =	shalt  }
0x7b: {  	_ =	shalt  }
0x7c: {  	_ =	shalt  }
0x7d: {  	_ =	shalt  }
0x7e: {  	_ =	shalt  }
0x7f: {  	_ =	shalt  }
0x80: {  	_ =	shalt  }
0x81: {  	_ =	shalt  }
0x82: {  	_ =	shalt  }
0x83: {  	_ =	shalt  }
0x84: {  	_ =	shalt  }
0x85: {  	_ =	shalt  }
0x86: {  	_ =	shalt  }
0x87: {  	_ =	shalt  }
.Lfunc_end0:
.L_simem_size_0:
called_computation.1_lowered:
.L_overlay_start_0:
0x88: {  	s2 =	sld [smem:$0x3FD9]  }
0x89: {  	s3 =	sld [smem:$0x3FFE];
	_ =	sdelay $0x1  }
0x8a: {  	s1 =	srdreg.scid  }
0x8b: {  	s0 =	sand.u32 $0x1, s1  }
0x8c: {  	s16 =	sshll.u32 s0, $0xA;
	s2 =	sadd.s32 s3, s2  }
0x8d: {  	s2 =	sadd.s32 s2, s16  }
0x8e: {  	[smem:$0x3FB4] =	sst s2  }
0x8f: {  	_ = 	snop  }
0x90: {  	(tm) =	ssettm $0x1  }
0x91: {  	s17 =	sld [smem:$0x3FFB];
	_ =	sdelay $0x3  }
0x92: {  	_ =	strace s17  }
0x93: {  	s2 =	sld [smem:$0x3FFC];
	_ =	sdelay $0x3  }
0x94: {  	_ =	strace s2  }
0x95: {  	s2 =	sld [smem:$0x3FFD];
	_ =	sdelay $0x3  }
0x96: {  	_ =	strace s2  }
0x97: {  	_ =	strace $0x8FFFFFFF  }
0x98: {  	s18 =	sld [smem:$0x3FDB];
	_ =	sdelay $0x1  }
0x99: {  	s19 =	simm.s32 $_scs_section_size  }
0x9a: {  	s4 =	simm.s32 $_size__tile_overlayer_lowered;
	s5 =	simm.s32 $_tile_overlayer_lowered  }
0x9b: {  	s22 =	simm.s32 $0x1BFF;
	s21 =	sshll.u32 s5, $0x1;
	s2 =	sadd.s32 s19, s18  }
0x9c: {  	s6 =	simm.s32 $0x0;
	s20 =	sshll.u32 s4, $0x1;
	s4 =	sadd.s32 s21, s2  }
0x9d: {  	[timem:s6], [sflag:s22] =	dma.local [hbm:s4], s20  }
0x9e: {  	_ =	swait.ge [sflag:s22], s20  }
0x9f: {  	s3 =	ssub.s32 $0x0, s20;
	[sflag:s22] =	ssyncset.done $0x0  }
0xa0: {  	[sflag:s22] =	ssyncadd.s32 s3;
	_ =	sdelay $0x1  }
0xa1: {  	s23 =	simm.s32 $0x1B8B  }
0xa2: {  	_ =	swait.ge [sflag:s23], $0x1  }
0xa3: {  	[sflag:s23] =	ssyncset.done $0x0  }
0xa4: {  	s25 =	simm.s32 $0x1B8E;
	s24 =	sld [smem:$0x3FFE];
	[sflag:s23] =	ssyncadd.s32 $0xFFFFFFFF  }
0xa5: {  	s26 =	simm.s32 $execute0_lowered;
	[smem:$0x3FD2] =	sst s25  }
0xa6: {  	s4 =	sshll.u32 s26, $0x1;
	_ =	strace $0x80000046;
	[dreg:$0x1] =	wrdreg $0xFFFFFFFF  }
0xa7: {  	s28 =	simm.s32 $_size_execute0_lowered;
	s2 =	sadd.s32 s2, s4;
	[dreg:$0x0] =	wrdreg $0x0  }
0xa8: {  	s4 =	sshll.u32 s28, $0x1;
	[dreg:$0x2] =	wrdreg s2  }
0xa9: {  	[dreg:$0x3] =	wrdreg s4  }
0xaa: {  	[dreg:$0x4] =	wrdreg $0xC0  }
0xab: {  	_ =	task [dreg:s6], $0x5FFFF  }
0xac: {  	[dreg:$0x1] =	wrdreg $0xFFFFFFFF  }
0xad: {  	[dreg:$0x0] =	wrdreg $0x60  }
0xae: {  	[dreg:$0x2] =	wrdreg s24  }
0xaf: {  	[dreg:$0x3] =	wrdreg $0xB7800  }
0xb0: {  	[dreg:$0x4] =	wrdreg $0xA  }
0xb1: {  	_ =	task.clear_ibuf [dreg:s6], $0x5FFFF;
	_ =	strace $0x90000046  }
0xb2: {  	s29 =	simm.s32 $0xA;
	_ =	strace $0x80000048  }
0xb3: {  	_ =	swait.ge [sflag:s29], $0x1  }
0xb4: {  	[sflag:s29] =	ssyncadd.s32 $0xFFFFFFFF  }
0xb5: {  	_ =	strace $0x90000048  }
0xb6: {  	_ =	sfence  }
0xb7: {  	s30 =	sld [smem:$0x0];
	_ =	sdelay $0x2  }
0xb8: {  	s31 =	sshll.u32 s1, $0xD;
	s1 =	sshrl.u32 s1, $0x2  }
0xb9: {  	s3 =	sand.u32 $0x4000, s31;
	s1 =	sadd.s32 s1, s30  }
0xba: {  	s0 =	sor.u32 s3, s0;
	s1 =	sshll.u32 s1, $0x11  }
0xbb: {  	s0 =	sor.u32 s1, s0  }
0xbc: {  	s0 =	sadd.s32 $0x8F2B, s0  }
0xbd: {  	[sflag:s0] =	ssyncadd.remote.s32 $0x1  }
0xbe: {  	_ =	sfence.sel $0xFFFF  }
0xbf: {  	[dreg:$0x0] =	wrdreg $0xFFFFFFFF;
	(pc) =	sbr.abs _section_cstart, $3  }
0xc0: {  	[dreg:$0x1] =	wrdreg $0xFFFFFFFF  }
0xc1: {  	_ =	task.clear_ibuf [dreg:s6], $0x2FFFF;
	_ =	strace $0x9FFFFFFF  }
0xc2: {  	(tm) =	ssettm $0x7FFFFFFF  }
0xc3: {  	_ =	shalt  }
tec
execute0_lowered:
.L_overlay_start_1:
0x0: {  	(tag) =	ssettag $0x1  }
0x1: {  	s5 =	rddreg [dreg:$0x0]  }
0x2: {  	s0 =	srdreg.scid;
	s2 =	rddreg [dreg:$0x1]  }
0x3: {  	s1 =	stileid.u32;
	s3 =	simm.s32 $0x0;
	s14 =	simm.s32 $0x50  }
0x4: {  	s15 =	simm.s32 $0x8F80;
	s16 =	simm.s32 $0x1;
	s8 =	smul.u32 $0x2710, s1  }
0x5: {  	s17 =	simm.s32 $0x2;
	s18 =	simm.s32 $0x6580;
	s9 =	smul.u32 $0x280, s1  }
0x6: {  	s6 =	sand.u32 $0x1, s0;
	s0 =	rddreg [dreg:$0x2];
	s12 =	smul.u32 $0x50000, s1  }
0x7: {  	s19 =	simm.s32 $0x0;
	[smem:$0x7FF] =	sst s3;
	s30 =	smul.u32 $0x2800, s1  }
0x8: {  	s4 =	sadd.s32 $0x16C00, s5;
	s10 =	sshll.u32 s1, $0xB;
	s7 =	smul.u32 $0x27100, s6  }
0x9: {  	_ =	strace $0x80000047;
	s10 =	sadd.s32 s10, s5;
	s28 =	ssub.s32 $0x2, s6  }
0xa: {  	s9 =	ssub.s32 $0x2710, s9;
	s6 =	sshrl.u32 s28, $0x1;
	s31 =	sshrl.u32 s12, $0x2  }
0xb: {  	s12 =	simm.s32 $0x3;
	s8 =	sadd.s32 s8, s7;
	s9 =	sand.u32 $0xFF90, s9  }
0xc: {  	s11 =	sadd.s32 s7, s5;
	s13 =	ssub.s32 s28, s6;
	s7 =	sadd.s32 $0xEC00, s10  }
0xd: {  	s8 =	sshrl.u32 s8, $0x3;
	s9 =	smul.u32 $0xCCCD, s9;
	s11 =	sadd.s32 s30, s11  }
0xe: {  	s8 =	sadd.s32 s8, s5;
	s10 =	sadd.s32 $0x64E00, s11;
	s11 =	simm.s32 $0x6780  }
0xf: {  	s29 =	sshrl.u32 s9, $0x16;
	s6 =	sadd.s32 $0x4E00, s8;
	s8 =	smax.u32 s13, $0x1  }
0x10: {  	v0 =	vimm.f32 $0.0e+00;
	s9 =	sadd.s32 s31, s2;
	s13 =	simm.s32 $0x2780;
	s5 =	smin.u32 s29, $0x8  }
.LBB2_1:
0x11: {  	s20 =	simm.s32 $0x0;
	s21 =	simm.s32 $0x200  }
.LBB2_2:
0x12: {  	p0 =	sne.s32 s21, $0x9E00;
	[tilespmem:s20+$0x67F0] =	vst v0  }
0x13: {  	[tilespmem:s20+$0x6780] =	vst v0  }
0x14: {  	[tilespmem:s20+$0x6790] =	vst v0  }
.Ltmp0:
0x15: {  	[tilespmem:s20+$0x67A0] =	vst v0;
	(pc) =	sbr.rel @p0 .LBB2_2-.Ltmp0, $4  }
0x16: {  	[tilespmem:s20+$0x67B0] =	vst v0  }
0x17: {  	[tilespmem:s20+$0x67C0] =	vst v0  }
0x18: {  	[tilespmem:s20+$0x67D0] =	vst v0  }
0x19: {  	[tilespmem:s20+$0x67E0] =	vst v0;
	s20 =	sshra.s32 s21, $0x2;
	s21 =	sadd.s32 $0x200, s21  }
0x1a: {  	[tilespmem:s20+$0x67F0] =	vst v0  }
0x1b: {  	[tilespmem:s20+$0x6780] =	vst v0  }
0x1c: {  	[tilespmem:s20+$0x6790] =	vst v0  }
0x1d: {  	[tilespmem:s20+$0x67A0] =	vst v0  }
0x1e: {  	[tilespmem:s20+$0x67B0] =	vst v0  }
0x1f: {  	[tilespmem:s20+$0x67C0] =	vst v0;
	p0 =	sne.s32 s5, $0x1  }
.Ltmp1:
0x20: {  	[tilespmem:s20+$0x67D0] =	vst v0;
	(pc) =	sbr.rel @!p0 .LBB2_5-.Ltmp1, $4  }
0x21: {  	[tilespmem:s20+$0x67E0] =	vst v0  }
0x22: {  	[spmem:s9] =	stream.linear.scatter [tilespmem:s11], [sflag:$0x3], $0x2800, $0x38;
	[tilespmem:$0x1F000] =	vst v63  }
0x23: {  	_ =	swait.ge [sflag:s12], $0x2800  }
0x24: {  	s20 =	sadd.s32 $0xFFFFFFFF, s5;
	s21 =	smov.u32 s9;
	[sflag:s12] =	ssyncset.done $0x0  }
.LBB2_4:
0x25: {  	p1 =	sne.s32 s20, $0x1;
	[sflag:s12] =	ssyncadd.s32 $0xFFFFD800;
	s21 =	sadd.s32 $0x2800, s21  }
.Ltmp2:
0x26: {  	s20 =	sadd.s32 $0xFFFFFFFF, s20;
	(pc) =	sbr.rel @p1 .LBB2_4-.Ltmp2, $4  }
0x27: {  	_ = 	snop  }
0x28: {  	[spmem:s21] =	stream.linear.scatter [tilespmem:s11], [sflag:$0x3], $0x2800, $0x38;
	[tilespmem:$0x1F000] =	vst v63  }
0x29: {  	_ =	swait.ge [sflag:s12], $0x2800  }
0x2a: {  	[sflag:s12] =	ssyncset.done $0x0  }
.LBB2_5:
0x2b: {  	[sflag:s12] =	ssyncadd.s32 $0xFFFFD800;
	s20 =	simm.s32 $0x0  }
0x2c: {  	[tilespmem:s20], [sflag:$0x3] =	stream.linear.gather [hbm4b:s6+s20], $0x2710, $0x38;
	[tilespmem:$0x1F000] =	vst v63  }
0x2d: {  	_ =	swait.ge [sflag:s12], $0x2710  }
0x2e: {  	[sflag:s12] =	ssyncset.done $0x0  }
0x2f: {  	[sflag:s12] =	ssyncadd.s32 $0xFFFFD8F0  }
0x30: {  	[tilespmem:s13], [sflag:$0x3] =	stream.linear.gather [hbm4b:s7+s20], $0x4000, $0x38;
	[tilespmem:$0x1F000] =	vst v63  }
0x31: {  	_ =	swait.ge [sflag:s12], $0x4000  }
0x32: {  	[sflag:s12] =	ssyncset.done $0x0  }
0x33: {  	[sflag:s12] =	ssyncadd.s32 $0xFFFFC000  }
0x34: {  	[bflag:$0x0] =	sbarrier.arrive $0xFFFF  }
0x35: {  	[tilespmem:s11], [sflag:$0x1] =	stream.indirect.gather [hbm4b:s4+s14], $0x80, s20, s14, $0xb8;
	[tilespmem:$0x1F000] =	vst v63  }
0x36: {  	s28 =	simm.s32 $0x50  }
0x37: {  	[tilespmem:s15], [sflag:$0x2] =	stream.indirect.gather [hbm4b:s4+s14], $0x80, s28, s14, $0xb8;
	[tilespmem:$0x1F000] =	vst v63  }
0x38: {  	_ =	swait.ge [sflag:s16], $0x2800  }
0x39: {  	[sflag:s16] =	ssyncset.done $0x0  }
0x3a: {  	s29 =	simm.s32 $0x2780;
	[sflag:s16] =	ssyncadd.s32 $0xFFFFD800  }
0x3b: {  	[spmem:s2] =	stream.indirect.scatter.add.f32 [tilespmem:s11], [sflag:$0x3], $0x80, s29, s14, $0xb8;
	[tilespmem:$0x1F000] =	vst v63  }
0x3c: {  	_ =	swait.ge [sflag:s12], $0x2800  }
0x3d: {  	[sflag:s12] =	ssyncset.done $0x0  }
0x3e: {  	s30 =	simm.s32 $0xA0;
	[sflag:s12] =	ssyncadd.s32 $0xFFFFD800  }
0x3f: {  	[tilespmem:s11], [sflag:$0x1] =	stream.indirect.gather [hbm4b:s4+s14], $0x80, s30, s14, $0xb8;
	[tilespmem:$0x1F000] =	vst v63  }
0x40: {  	_ =	swait.ge [sflag:s17], $0x2800  }
0x41: {  	[sflag:s17] =	ssyncset.done $0x0  }
0x42: {  	s31 =	simm.s32 $0x2800;
	[sflag:s17] =	ssyncadd.s32 $0xFFFFD800  }
0x43: {  	[spmem:s2] =	stream.indirect.scatter.add.f32 [tilespmem:s15], [sflag:$0x3], $0x80, s31, s14, $0xb8;
	[tilespmem:$0x1F000] =	vst v63  }
0x44: {  	s21 =	simm.s32 $0x400;
	_ =	swait.ge [sflag:s12], $0x2800  }
0x45: {  	s22 =	simm.s32 $0x800;
	s20 =	simm.s32 $0x140;
	[sflag:s12] =	ssyncset.done $0x0  }
.LBB2_6:
0x46: {  	p1 =	sne.s32 s22, $0xF400;
	s23 =	sadd.s32 $0xFFFFFFB0, s20;
	[sflag:s12] =	ssyncadd.s32 $0xFFFFD800  }
0x47: {  	[tilespmem:s15], [sflag:$0x2] =	stream.indirect.gather [hbm4b:s4+s14], $0x80, s23, s14, $0xb8;
	[tilespmem:$0x1F000] =	vst v63  }
0x48: {  	s23 =	smov.u32 s22;
	s22 =	sadd.s32 $0x400, s22;
	_ =	swait.ge [sflag:s16], $0x2800  }
0x49: {  	s24 =	sshra.s32 s21, $0x2;
	s21 =	smov.u32 s23;
	[sflag:s16] =	ssyncset.done $0x0  }
0x4a: {  	s23 =	sadd.s32 $0x2780, s24;
	[sflag:s16] =	ssyncadd.s32 $0xFFFFD800  }
0x4b: {  	[spmem:s2] =	stream.indirect.scatter.add.f32 [tilespmem:s11], [sflag:$0x3], $0x80, s23, s14, $0xb8;
	[tilespmem:$0x1F000] =	vst v63  }
0x4c: {  	_ =	swait.ge [sflag:s12], $0x2800  }
0x4d: {  	[sflag:s12] =	ssyncset.done $0x0  }
0x4e: {  	[sflag:s12] =	ssyncadd.s32 $0xFFFFD800  }
0x4f: {  	[tilespmem:s11], [sflag:$0x1] =	stream.indirect.gather [hbm4b:s4+s14], $0x80, s20, s14, $0xb8;
	[tilespmem:$0x1F000] =	vst v63  }
0x50: {  	_ =	swait.ge [sflag:s17], $0x2800  }
.Ltmp3:
0x51: {  	[sflag:s17] =	ssyncset.done $0x0;
	(pc) =	sbr.rel @p1 .LBB2_6-.Ltmp3, $4  }
0x52: {  	s23 =	sadd.s32 $0x2800, s24;
	[sflag:s17] =	ssyncadd.s32 $0xFFFFD800  }
0x53: {  	[spmem:s2] =	stream.indirect.scatter.add.f32 [tilespmem:s15], [sflag:$0x3], $0x80, s23, s14, $0xb8;
	[tilespmem:$0x1F000] =	vst v63  }
0x54: {  	_ =	swait.ge [sflag:s12], $0x2800  }
0x55: {  	s20 =	sadd.s32 $0xA0, s20;
	[sflag:s12] =	ssyncset.done $0x0  }
0x56: {  	s22 =	sadd.s32 $0xFFFFFFB0, s20;
	[sflag:s12] =	ssyncadd.s32 $0xFFFFD800  }
0x57: {  	[tilespmem:s15], [sflag:$0x2] =	stream.indirect.gather [hbm4b:s4+s14], $0x80, s22, s14, $0xb8;
	[tilespmem:$0x1F000] =	vst v63  }
0x58: {  	_ =	swait.ge [sflag:s16], $0x2800  }
0x59: {  	s21 =	sshra.s32 s21, $0x2;
	[sflag:s16] =	ssyncset.done $0x0  }
0x5a: {  	s30 =	sadd.s32 $0x2780, s21;
	[sflag:s16] =	ssyncadd.s32 $0xFFFFD800  }
0x5b: {  	[spmem:s2] =	stream.indirect.scatter.add.f32 [tilespmem:s11], [sflag:$0x3], $0x80, s30, s14, $0xb8;
	[tilespmem:$0x1F000] =	vst v63  }
0x5c: {  	_ =	swait.ge [sflag:s12], $0x2800  }
0x5d: {  	[sflag:s12] =	ssyncset.done $0x0  }
0x5e: {  	[sflag:s12] =	ssyncadd.s32 $0xFFFFD800  }
0x5f: {  	[tilespmem:s11], [sflag:$0x1] =	stream.indirect.gather [hbm4b:s4+s14], $0x80, s20, s14, $0xb8;
	[tilespmem:$0x1F000] =	vst v63  }
0x60: {  	_ =	swait.ge [sflag:s17], $0x2800  }
0x61: {  	[sflag:s17] =	ssyncset.done $0x0  }
0x62: {  	s31 =	sadd.s32 $0x2800, s21;
	[sflag:s17] =	ssyncadd.s32 $0xFFFFD800  }
0x63: {  	[spmem:s2] =	stream.indirect.scatter.add.f32 [tilespmem:s15], [sflag:$0x3], $0x80, s31, s14, $0xb8;
	[tilespmem:$0x1F000] =	vst v63  }
0x64: {  	_ =	swait.ge [sflag:s12], $0x2800  }
0x65: {  	[sflag:s12] =	ssyncset.done $0x0  }
0x66: {  	[sflag:s12] =	ssyncadd.s32 $0xFFFFD800  }
0x67: {  	_ =	swait.ge [sflag:s16], $0x2800  }
0x68: {  	[sflag:s16] =	ssyncset.done $0x0  }
0x69: {  	[sflag:s16] =	ssyncadd.s32 $0xFFFFD800  }
0x6a: {  	[spmem:s2] =	stream.indirect.scatter.add.f32 [tilespmem:s11], [sflag:$0x3], $0x80, s18, s14, $0xb8;
	[tilespmem:$0x1F000] =	vst v63  }
0x6b: {  	_ =	swait.ge [sflag:s12], $0x2800  }
0x6c: {  	[sflag:s12] =	ssyncset.done $0x0  }
0x6d: {  	[sflag:s12] =	ssyncadd.s32 $0xFFFFD800  }
0x6e: {  	[bflag:$0x0] =	sbarrier.arrive $0xFFFF  }
0x6f: {  	[tilespmem:s11], [sflag:$0x3] =	stream.linear.gather [spmem:s9], $0x2800, $0x38;
	[tilespmem:$0x1F000] =	vst v63  }
0x70: {  	_ =	swait.ge [sflag:s12], $0x2800  }
.Ltmp4:
0x71: {  	[sflag:s12] =	ssyncset.done $0x0;
	(pc) =	sbr.rel @!p0 .LBB2_9-.Ltmp4, $4  }
0x72: {  	[sflag:s12] =	ssyncadd.s32 $0xFFFFD800  }
0x73: {  	[hbm4b:s10+s3] =	stream.linear.scatter [tilespmem:s11], [sflag:$0x3], $0x2800, $0x38;
	[tilespmem:$0x1F000] =	vst v63  }
0x74: {  	s21 =	smov.u32 s9;
	_ =	swait.ge [sflag:s12], $0x2800  }
0x75: {  	s22 =	smov.u32 s10;
	s20 =	sadd.s32 $0xFFFFFFFF, s5;
	[sflag:s12] =	ssyncset.done $0x0  }
.LBB2_8:
0x76: {  	[sflag:s12] =	ssyncadd.s32 $0xFFFFD800;
	s21 =	sadd.s32 $0x2800, s21;
	s22 =	sadd.s32 $0x500, s22  }
0x77: {  	[tilespmem:s11], [sflag:$0x3] =	stream.linear.gather [spmem:s21], $0x2800, $0x38;
	[tilespmem:$0x1F000] =	vst v63  }
0x78: {  	p0 =	sne.s32 s20, $0x1;
	s20 =	sadd.s32 $0xFFFFFFFF, s20;
	_ =	swait.ge [sflag:s12], $0x2800  }
.Ltmp5:
0x79: {  	[sflag:s12] =	ssyncset.done $0x0;
	(pc) =	sbr.rel @p0 .LBB2_8-.Ltmp5, $4  }
0x7a: {  	[sflag:s12] =	ssyncadd.s32 $0xFFFFD800  }
0x7b: {  	[hbm4b:s22+s3] =	stream.linear.scatter [tilespmem:s11], [sflag:$0x3], $0x2800, $0x38;
	[tilespmem:$0x1F000] =	vst v63  }
0x7c: {  	_ =	swait.ge [sflag:s12], $0x2800  }
0x7d: {  	[sflag:s12] =	ssyncset.done $0x0  }
.LBB2_9:
0x7e: {  	s19 =	sadd.s32 $0x1, s19  }
0x7f: {  	p0 =	sne.s32 s19, s8  }
.Ltmp6:
0x80: {  	_ = 	snop;
	(pc) =	sbr.rel @p0 .LBB2_1-.Ltmp6, $2  }
0x81: {  	_ =	sdelay $0x2  }
0x82: {  	[sflag:s12] =	ssyncadd.s32 $0xFFFFD800  }
0x83: {  	_ =	sfence.sel $0x180000  }
0x84: {  	[bflag:$0x0] =	sbarrier.arrive $0xFFFF  }
0x85: {  	p0 =	sne.s32 s1, $0x0;
	_ =	strace $0x90000047  }
0x86: {  	s0 =	sadd.s32 @!p0 $0x100000, s0;
	[bflag:$0x2] =	sbarrier.arrive $0xFFFF  }
0x87: {  	[sflag:s0] =	ssyncadd.tile.s32 @!p0 $0x1;
	_ =	shalt  }
.Lfunc_end2:
_tile_overlayer_lowered:
.L_overlay_start_2:
0x88: {  	(tag) =	ssettag $0x2  }
0x89: {  	s0 =	rddreg [dreg:$0x0];
	s2 =	stileid.u32  }
0x8a: {  	s1 =	rddreg [dreg:$0x1];
	p0 =	sne.s32 s2, $0x0  }
0x8b: {  	s3 =	rddreg [dreg:$0x2];
	[bflag:$0x3] =	sbarrier.arrive $0xFFFF;
	s2 =	simm.s32 @!p0 $0x1C03  }
0x8c: {  	[timem:s3], [sflag:s2] =	dma.local @!p0 [hbm:s0], s1  }
0x8d: {  	s0 =	simm.s32 @!p0 $0x3  }
0x8e: {  	_ =	swait.ge @!p0 [sflag:s0], s1  }
0x8f: {  	s1 =	ssub.s32 @!p0 $0x0, s1;
	[sflag:s0] =	ssyncset.done @!p0 $0x0  }
0x90: {  	[sflag:s0] =	ssyncadd.s32 @!p0 s1  }
0x91: {  	[bflag:$0x3] =	sbarrier.arrive $0xFFFF  }
0x92: {  	_ =	shalt  }

// kernel: kernel.17.cloned.1.call-start
scs
__scs_entry_jumppad:
0x0: {  	(pc) =	sbr.rel $0x88, $3  }
0x1: {  	(tag) =	ssettag $0x0;
	lr =	simm.s32 $0x1  }
0x2: {  	[smem:$0x3F8D] =	sst lr;
	_ =	strace $0xD0000000  }
0x3: {  	_ = 	snop  }
0x4: {  	_ = 	snop  }
0x5: {  	_ = 	snop  }
0x6: {  	_ = 	snop  }
0x7: {  	_ = 	snop  }
__scs_overlays_trampoline_lowered:
0x8: {  	[smem:$0x3F9C] =	sst s0  }
0x9: {  	[smem:$0x3F9D] =	sst s1  }
0xa: {  	[smem:$0x3F9E] =	sst s2  }
0xb: {  	[smem:$0x3F9F] =	sst s3  }
0xc: {  	[smem:$0x3FA0] =	sst s4  }
0xd: {  	[smem:$0x3FA1] =	sst s5  }
0xe: {  	[smem:$0x3FA2] =	sst s6  }
0xf: {  	[smem:$0x3FA3] =	sst s7  }
0x10: {  	[smem:$0x3FA4] =	sst s8  }
0x11: {  	[smem:$0x3FA5] =	sst s9;
	s0 =	simm.s32 @!p0 $0x0  }
0x12: {  	s1 =	sld [smem:$0x3F8B];
	s0 =	simm.s32 @p0 $0x1  }
0x13: {  	[smem:$0x3FA6] =	sst s0;
	s0 =	simm.s32 @!p1 $0x0  }
0x14: {  	s2 =	sld [smem:$0x3F8A];
	s0 =	simm.s32 @p1 $0x1  }
0x15: {  	[smem:$0x3FA7] =	sst s0;
	s0 =	simm.s32 @!p2 $0x0  }
0x16: {  	s3 =	sld [smem:$0x3FDB];
	s0 =	simm.s32 @p2 $0x1  }
0x17: {  	s4 =	simm.s32 $0x1BF5;
	[smem:$0x3FA9] =	sst s0  }
0x18: {  	s0 =	sld [smem:$0x3F8C];
	_ =	swait.ge [sflag:s4], $0x0  }
0x19: {  	s7 =	sld [smem:$0x3F8D]  }
0x1a: {  	s8 =	sadd.s32 $0xFFFFE003, lr  }
0x1b: {  	s9 =	sadd.s32 $0xFFFFFEF7, lr;
	s5 =	simm.s32 $0xFFFFFFFF;
	p2 =	slt.u32 s8, $0xFFFFF086  }
0x1c: {  	p1 =	slt.u32 s9, $0xF7A;
	s5 =	simm.s32 @!p2 $0x0  }
0x1d: {  	s5 =	simm.s32 @p1 $0x1;
	p0 =	seq.s32 s7, s2  }
0x1e: {  	s7 =	smul.u32 @!p0 $0xF7A, s2;
	p2 =	seq.s32 @!p0 s5, $0x0  }
0x1f: {  	s9 =	smul.u32 $0xF7A, s1;
	s8 =	simm.s32 @!p0 $0x1BF5;
	p2 =	por !p2, p0  }
0x20: {  	[sflag:s8] =	ssyncset.s32 @!p0 $0xFFFFF086;
	s6 =	sadd.s32 @!p0 s3, s7;
	s7 =	simm.s32 @!p0 $0x108  }
0x21: {  	s3 =	sadd.s32 s3, s9;
	s6 =	sadd.s32 @!p0 $0x88, s6;
	s7 =	simm.s32 @p2 $0x1082  }
0x22: {  	[simem:s7], [sflag:s8] =	dma.local @!p0 [hbm:s6], $0xF7A  }
0x23: {  	s9 =	sor.u32 $0xD0000000, s2;
	s6 =	simm.s32 $0x108;
	_ =	swait.ge @!p0 [sflag:s8], $0x0  }
0x24: {  	s3 =	sadd.s32 $0x88, s3;
	s6 =	simm.s32 @!p1 $0x1082;
	[sflag:s4] =	ssyncset.s32 $0xFFFFF086  }
0x25: {  	[simem:s6], [sflag:s4] =	dma.local [hbm:s3], $0xF7A  }
0x26: {  	[smem:$0x3F8D] =	sst s1;
	(tag) =	ssettag s2;
	_ =	strace s9  }
0x27: {  	s1 =	sld [smem:$0x3F9D]  }
0x28: {  	s2 =	sld [smem:$0x3F9E]  }
0x29: {  	s4 =	sld [smem:$0x3FA0]  }
0x2a: {  	p0 =	seq.s32 s5, $0x0;
	s5 =	sld [smem:$0x3FA1]  }
0x2b: {  	s6 =	sld [smem:$0x3FA2]  }
0x2c: {  	s7 =	sld [smem:$0x3FA3]  }
0x2d: {  	s3 =	simm.s32 $0x108;
	s8 =	sld [smem:$0x3FA4]  }
0x2e: {  	s3 =	simm.s32 @!p0 $0x1082;
	s9 =	sld [smem:$0x3FA5]  }
0x2f: {  	lr =	sadd.s32 s0, s3;
	s0 =	sld [smem:$0x3F9C]  }
0x30: {  	s3 =	sld [smem:$0x3F9F]  }
0x31: {  	[smem:$0x3FA8] =	sst s10  }
0x32: {  	s10 =	sld [smem:$0x3FA6];
	_ =	sdelay $0x3  }
0x33: {  	p0 =	seq.s32 s10, $0x1;
	s10 =	sld [smem:$0x3FA8];
	_ =	sdelay $0x3  }
0x34: {  	[smem:$0x3FA8] =	sst s10  }
0x35: {  	s10 =	sld [smem:$0x3FA7];
	_ =	sdelay $0x3  }
0x36: {  	p1 =	seq.s32 s10, $0x1;
	s10 =	sld [smem:$0x3FA8];
	_ =	sdelay $0x3  }
0x37: {  	[smem:$0x3FA8] =	sst s10  }
0x38: {  	s10 =	sld [smem:$0x3FA9]  }
0x39: {  	_ = 	snop;
	(pc) =	sbr.ind lr, $3  }
0x3a: {  	_ = 	snop  }
0x3b: {  	_ = 	snop  }
0x3c: {  	p2 =	seq.s32 s10, $0x1;
	s10 =	sld [smem:$0x3FA8]  }
0x3d: {  	_ =	shalt  }
0x3e: {  	_ =	shalt  }
0x3f: {  	_ =	shalt  }
0x40: {  	_ =	shalt  }
0x41: {  	_ =	shalt  }
0x42: {  	_ =	shalt  }
0x43: {  	_ =	shalt  }
0x44: {  	_ =	shalt  }
0x45: {  	_ =	shalt  }
0x46: {  	_ =	shalt  }
0x47: {  	_ =	shalt  }
0x48: {  	_ =	shalt  }
0x49: {  	_ =	shalt  }
0x4a: {  	_ =	shalt  }
0x4b: {  	_ =	shalt  }
0x4c: {  	_ =	shalt  }
0x4d: {  	_ =	shalt  }
0x4e: {  	_ =	shalt  }
0x4f: {  	_ =	shalt  }
0x50: {  	_ =	shalt  }
0x51: {  	_ =	shalt  }
0x52: {  	_ =	shalt  }
0x53: {  	_ =	shalt  }
0x54: {  	_ =	shalt  }
0x55: {  	_ =	shalt  }
0x56: {  	_ =	shalt  }
0x57: {  	_ =	shalt  }
0x58: {  	_ =	shalt  }
0x59: {  	_ =	shalt  }
0x5a: {  	_ =	shalt  }
0x5b: {  	_ =	shalt  }
0x5c: {  	_ =	shalt  }
0x5d: {  	_ =	shalt  }
0x5e: {  	_ =	shalt  }
0x5f: {  	_ =	shalt  }
0x60: {  	_ =	shalt  }
0x61: {  	_ =	shalt  }
0x62: {  	_ =	shalt  }
0x63: {  	_ =	shalt  }
0x64: {  	_ =	shalt  }
0x65: {  	_ =	shalt  }
0x66: {  	_ =	shalt  }
0x67: {  	_ =	shalt  }
0x68: {  	_ =	shalt  }
0x69: {  	_ =	shalt  }
0x6a: {  	_ =	shalt  }
0x6b: {  	_ =	shalt  }
0x6c: {  	_ =	shalt  }
0x6d: {  	_ =	shalt  }
0x6e: {  	_ =	shalt  }
0x6f: {  	_ =	shalt  }
0x70: {  	_ =	shalt  }
0x71: {  	_ =	shalt  }
0x72: {  	_ =	shalt  }
0x73: {  	_ =	shalt  }
0x74: {  	_ =	shalt  }
0x75: {  	_ =	shalt  }
0x76: {  	_ =	shalt  }
0x77: {  	_ =	shalt  }
0x78: {  	_ =	shalt  }
0x79: {  	_ =	shalt  }
0x7a: {  	_ =	shalt  }
0x7b: {  	_ =	shalt  }
0x7c: {  	_ =	shalt  }
0x7d: {  	_ =	shalt  }
0x7e: {  	_ =	shalt  }
0x7f: {  	_ =	shalt  }
0x80: {  	_ =	shalt  }
0x81: {  	_ =	shalt  }
0x82: {  	_ =	shalt  }
0x83: {  	_ =	shalt  }
0x84: {  	_ =	shalt  }
0x85: {  	_ =	shalt  }
0x86: {  	_ =	shalt  }
0x87: {  	_ =	shalt  }
.Lfunc_end0:
.L_simem_size_0:
called_computation.2_lowered:
.L_overlay_start_0:
0x88: {  	s2 =	sld [smem:$0x3FD9]  }
0x89: {  	s3 =	sld [smem:$0x3FFE];
	_ =	sdelay $0x1  }
0x8a: {  	s1 =	srdreg.scid  }
0x8b: {  	s0 =	sand.u32 $0x1, s1  }
0x8c: {  	s16 =	sshll.u32 s0, $0xA;
	s2 =	sadd.s32 s3, s2  }
0x8d: {  	s2 =	sadd.s32 s2, s16  }
0x8e: {  	[smem:$0x3FB4] =	sst s2  }
0x8f: {  	_ = 	snop  }
0x90: {  	(tm) =	ssettm $0x1  }
0x91: {  	s17 =	sld [smem:$0x3FFB];
	_ =	sdelay $0x3  }
0x92: {  	_ =	strace s17  }
0x93: {  	s2 =	sld [smem:$0x3FFC];
	_ =	sdelay $0x3  }
0x94: {  	_ =	strace s2  }
0x95: {  	s2 =	sld [smem:$0x3FFD];
	_ =	sdelay $0x3  }
0x96: {  	_ =	strace s2  }
0x97: {  	_ =	strace $0x8FFFFFFF  }
0x98: {  	s18 =	sld [smem:$0x3FDB];
	_ =	sdelay $0x1  }
0x99: {  	s19 =	simm.s32 $_scs_section_size  }
0x9a: {  	s4 =	simm.s32 $_size__tile_overlayer_lowered;
	s5 =	simm.s32 $_tile_overlayer_lowered  }
0x9b: {  	s22 =	simm.s32 $0x1BFF;
	s21 =	sshll.u32 s5, $0x1;
	s2 =	sadd.s32 s19, s18  }
0x9c: {  	s6 =	simm.s32 $0x0;
	s20 =	sshll.u32 s4, $0x1;
	s4 =	sadd.s32 s21, s2  }
0x9d: {  	[timem:s6], [sflag:s22] =	dma.local [hbm:s4], s20  }
0x9e: {  	_ =	swait.ge [sflag:s22], s20  }
0x9f: {  	s3 =	ssub.s32 $0x0, s20;
	[sflag:s22] =	ssyncset.done $0x0  }
0xa0: {  	[sflag:s22] =	ssyncadd.s32 s3;
	_ =	sdelay $0x1  }
0xa1: {  	s23 =	simm.s32 $0x1B8B  }
0xa2: {  	_ =	swait.ge [sflag:s23], $0x1  }
0xa3: {  	[sflag:s23] =	ssyncset.done $0x0  }
0xa4: {  	s25 =	simm.s32 $0x1B8E;
	s24 =	sld [smem:$0x3FFE];
	[sflag:s23] =	ssyncadd.s32 $0xFFFFFFFF  }
0xa5: {  	s26 =	simm.s32 $execute0_lowered;
	[smem:$0x3FD2] =	sst s25  }
0xa6: {  	s4 =	sshll.u32 s26, $0x1;
	_ =	strace $0x8000004C;
	[dreg:$0x1] =	wrdreg $0xFFFFFFFF  }
0xa7: {  	s28 =	simm.s32 $_size_execute0_lowered;
	s2 =	sadd.s32 s2, s4;
	[dreg:$0x0] =	wrdreg $0x0  }
0xa8: {  	s4 =	sshll.u32 s28, $0x1;
	[dreg:$0x2] =	wrdreg s2  }
0xa9: {  	[dreg:$0x3] =	wrdreg s4  }
0xaa: {  	[dreg:$0x4] =	wrdreg $0xC0  }
0xab: {  	_ =	task [dreg:s6], $0x5FFFF  }
0xac: {  	[dreg:$0x1] =	wrdreg $0xFFFFFFFF  }
0xad: {  	[dreg:$0x0] =	wrdreg $0x60  }
0xae: {  	[dreg:$0x2] =	wrdreg s24  }
0xaf: {  	[dreg:$0x3] =	wrdreg $0xB7800  }
0xb0: {  	[dreg:$0x4] =	wrdreg $0x9  }
0xb1: {  	_ =	task.clear_ibuf [dreg:s6], $0x5FFFF;
	_ =	strace $0x9000004C  }
0xb2: {  	s29 =	simm.s32 $0x9;
	_ =	strace $0x8000004E  }
0xb3: {  	_ =	swait.ge [sflag:s29], $0x1  }
0xb4: {  	[sflag:s29] =	ssyncadd.s32 $0xFFFFFFFF  }
0xb5: {  	_ =	strace $0x9000004E  }
0xb6: {  	_ =	sfence  }
0xb7: {  	s30 =	sld [smem:$0x0];
	_ =	sdelay $0x2  }
0xb8: {  	s31 =	sshll.u32 s1, $0xD;
	s1 =	sshrl.u32 s1, $0x2  }
0xb9: {  	s3 =	sand.u32 $0x4000, s31;
	s1 =	sadd.s32 s1, s30  }
0xba: {  	s0 =	sor.u32 s3, s0;
	s1 =	sshll.u32 s1, $0x11  }
0xbb: {  	s0 =	sor.u32 s1, s0  }
0xbc: {  	s0 =	sadd.s32 $0x8F2B, s0  }
0xbd: {  	[sflag:s0] =	ssyncadd.remote.s32 $0x1  }
0xbe: {  	_ =	sfence.sel $0xFFFF  }
0xbf: {  	[dreg:$0x0] =	wrdreg $0xFFFFFFFF;
	(pc) =	sbr.abs _section_cstart, $3  }
0xc0: {  	[dreg:$0x1] =	wrdreg $0xFFFFFFFF  }
0xc1: {  	_ =	task.clear_ibuf [dreg:s6], $0x2FFFF;
	_ =	strace $0x9FFFFFFF  }
0xc2: {  	(tm) =	ssettm $0x7FFFFFFF  }
0xc3: {  	_ =	shalt  }
tec
execute0_lowered:
.L_overlay_start_1:
0x0: {  	(tag) =	ssettag $0x1  }
0x1: {  	s5 =	rddreg [dreg:$0x0]  }
0x2: {  	s0 =	srdreg.scid;
	s2 =	rddreg [dreg:$0x1]  }
0x3: {  	s1 =	stileid.u32;
	s3 =	simm.s32 $0x0;
	s14 =	simm.s32 $0x50  }
0x4: {  	s15 =	simm.s32 $0x8F80;
	s16 =	simm.s32 $0x1;
	s8 =	smul.u32 $0x2710, s1  }
0x5: {  	s17 =	simm.s32 $0x2;
	s18 =	simm.s32 $0x6580;
	s9 =	smul.u32 $0x280, s1  }
0x6: {  	s6 =	sand.u32 $0x1, s0;
	s0 =	rddreg [dreg:$0x2];
	s12 =	smul.u32 $0x50000, s1  }
0x7: {  	s19 =	simm.s32 $0x0;
	[smem:$0x7FF] =	sst s3;
	s30 =	smul.u32 $0x2800, s1  }
0x8: {  	s4 =	sadd.s32 $0x64E00, s5;
	s10 =	sshll.u32 s1, $0xB;
	s7 =	smul.u32 $0x27100, s6  }
0x9: {  	_ =	strace $0x8000004D;
	s10 =	sadd.s32 s10, s5;
	s28 =	ssub.s32 $0x2, s6  }
0xa: {  	s9 =	ssub.s32 $0x2710, s9;
	s6 =	sshrl.u32 s28, $0x1;
	s31 =	sshrl.u32 s12, $0x2  }
0xb: {  	s12 =	simm.s32 $0x3;
	s8 =	sadd.s32 s8, s7;
	s9 =	sand.u32 $0xFF90, s9  }
0xc: {  	s11 =	sadd.s32 s7, s5;
	s13 =	ssub.s32 s28, s6;
	s7 =	sadd.s32 $0xEC00, s10  }
0xd: {  	s8 =	sshrl.u32 s8, $0x3;
	s9 =	smul.u32 $0xCCCD, s9;
	s11 =	sadd.s32 s30, s11  }
0xe: {  	s8 =	sadd.s32 s8, s5;
	s10 =	sadd.s32 $0x106200, s11;
	s11 =	simm.s32 $0x6780  }
0xf: {  	s29 =	sshrl.u32 s9, $0x16;
	s6 =	sadd.s32 $0x4E00, s8;
	s8 =	smax.u32 s13, $0x1  }
0x10: {  	v0 =	vimm.f32 $0.0e+00;
	s9 =	sadd.s32 s31, s2;
	s13 =	simm.s32 $0x2780;
	s5 =	smin.u32 s29, $0x8  }
.LBB2_1:
0x11: {  	s20 =	simm.s32 $0x0;
	s21 =	simm.s32 $0x200  }
.LBB2_2:
0x12: {  	p0 =	sne.s32 s21, $0x9E00;
	[tilespmem:s20+$0x67F0] =	vst v0  }
0x13: {  	[tilespmem:s20+$0x6780] =	vst v0  }
0x14: {  	[tilespmem:s20+$0x6790] =	vst v0  }
.Ltmp0:
0x15: {  	[tilespmem:s20+$0x67A0] =	vst v0;
	(pc) =	sbr.rel @p0 .LBB2_2-.Ltmp0, $4  }
0x16: {  	[tilespmem:s20+$0x67B0] =	vst v0  }
0x17: {  	[tilespmem:s20+$0x67C0] =	vst v0  }
0x18: {  	[tilespmem:s20+$0x67D0] =	vst v0  }
0x19: {  	[tilespmem:s20+$0x67E0] =	vst v0;
	s20 =	sshra.s32 s21, $0x2;
	s21 =	sadd.s32 $0x200, s21  }
0x1a: {  	[tilespmem:s20+$0x67F0] =	vst v0  }
0x1b: {  	[tilespmem:s20+$0x6780] =	vst v0  }
0x1c: {  	[tilespmem:s20+$0x6790] =	vst v0  }
0x1d: {  	[tilespmem:s20+$0x67A0] =	vst v0  }
0x1e: {  	[tilespmem:s20+$0x67B0] =	vst v0  }
0x1f: {  	[tilespmem:s20+$0x67C0] =	vst v0;
	p0 =	sne.s32 s5, $0x1  }
.Ltmp1:
0x20: {  	[tilespmem:s20+$0x67D0] =	vst v0;
	(pc) =	sbr.rel @!p0 .LBB2_5-.Ltmp1, $4  }
0x21: {  	[tilespmem:s20+$0x67E0] =	vst v0  }
0x22: {  	[spmem:s9] =	stream.linear.scatter [tilespmem:s11], [sflag:$0x3], $0x2800, $0x38;
	[tilespmem:$0x1F000] =	vst v63  }
0x23: {  	_ =	swait.ge [sflag:s12], $0x2800  }
0x24: {  	s20 =	sadd.s32 $0xFFFFFFFF, s5;
	s21 =	smov.u32 s9;
	[sflag:s12] =	ssyncset.done $0x0  }
.LBB2_4:
0x25: {  	p1 =	sne.s32 s20, $0x1;
	[sflag:s12] =	ssyncadd.s32 $0xFFFFD800;
	s21 =	sadd.s32 $0x2800, s21  }
.Ltmp2:
0x26: {  	s20 =	sadd.s32 $0xFFFFFFFF, s20;
	(pc) =	sbr.rel @p1 .LBB2_4-.Ltmp2, $4  }
0x27: {  	_ = 	snop  }
0x28: {  	[spmem:s21] =	stream.linear.scatter [tilespmem:s11], [sflag:$0x3], $0x2800, $0x38;
	[tilespmem:$0x1F000] =	vst v63  }
0x29: {  	_ =	swait.ge [sflag:s12], $0x2800  }
0x2a: {  	[sflag:s12] =	ssyncset.done $0x0  }
.LBB2_5:
0x2b: {  	[sflag:s12] =	ssyncadd.s32 $0xFFFFD800;
	s20 =	simm.s32 $0x0  }
0x2c: {  	[tilespmem:s20], [sflag:$0x3] =	stream.linear.gather [hbm4b:s6+s20], $0x2710, $0x38;
	[tilespmem:$0x1F000] =	vst v63  }
0x2d: {  	_ =	swait.ge [sflag:s12], $0x2710  }
0x2e: {  	[sflag:s12] =	ssyncset.done $0x0  }
0x2f: {  	[sflag:s12] =	ssyncadd.s32 $0xFFFFD8F0  }
0x30: {  	[tilespmem:s13], [sflag:$0x3] =	stream.linear.gather [hbm4b:s7+s20], $0x4000, $0x38;
	[tilespmem:$0x1F000] =	vst v63  }
0x31: {  	_ =	swait.ge [sflag:s12], $0x4000  }
0x32: {  	[sflag:s12] =	ssyncset.done $0x0  }
0x33: {  	[sflag:s12] =	ssyncadd.s32 $0xFFFFC000  }
0x34: {  	[bflag:$0x0] =	sbarrier.arrive $0xFFFF  }
0x35: {  	[tilespmem:s11], [sflag:$0x1] =	stream.indirect.gather [hbm4b:s4+s14], $0x80, s20, s14, $0xb8;
	[tilespmem:$0x1F000] =	vst v63  }
0x36: {  	s28 =	simm.s32 $0x50  }
0x37: {  	[tilespmem:s15], [sflag:$0x2] =	stream.indirect.gather [hbm4b:s4+s14], $0x80, s28, s14, $0xb8;
	[tilespmem:$0x1F000] =	vst v63  }
0x38: {  	_ =	swait.ge [sflag:s16], $0x2800  }
0x39: {  	[sflag:s16] =	ssyncset.done $0x0  }
0x3a: {  	s29 =	simm.s32 $0x2780;
	[sflag:s16] =	ssyncadd.s32 $0xFFFFD800  }
0x3b: {  	[spmem:s2] =	stream.indirect.scatter.add.f32 [tilespmem:s11], [sflag:$0x3], $0x80, s29, s14, $0xb8;
	[tilespmem:$0x1F000] =	vst v63  }
0x3c: {  	_ =	swait.ge [sflag:s12], $0x2800  }
0x3d: {  	[sflag:s12] =	ssyncset.done $0x0  }
0x3e: {  	s30 =	simm.s32 $0xA0;
	[sflag:s12] =	ssyncadd.s32 $0xFFFFD800  }
0x3f: {  	[tilespmem:s11], [sflag:$0x1] =	stream.indirect.gather [hbm4b:s4+s14], $0x80, s30, s14, $0xb8;
	[tilespmem:$0x1F000] =	vst v63  }
0x40: {  	_ =	swait.ge [sflag:s17], $0x2800  }
0x41: {  	[sflag:s17] =	ssyncset.done $0x0  }
0x42: {  	s31 =	simm.s32 $0x2800;
	[sflag:s17] =	ssyncadd.s32 $0xFFFFD800  }
0x43: {  	[spmem:s2] =	stream.indirect.scatter.add.f32 [tilespmem:s15], [sflag:$0x3], $0x80, s31, s14, $0xb8;
	[tilespmem:$0x1F000] =	vst v63  }
0x44: {  	s21 =	simm.s32 $0x400;
	_ =	swait.ge [sflag:s12], $0x2800  }
0x45: {  	s22 =	simm.s32 $0x800;
	s20 =	simm.s32 $0x140;
	[sflag:s12] =	ssyncset.done $0x0  }
.LBB2_6:
0x46: {  	p1 =	sne.s32 s22, $0xF400;
	s23 =	sadd.s32 $0xFFFFFFB0, s20;
	[sflag:s12] =	ssyncadd.s32 $0xFFFFD800  }
0x47: {  	[tilespmem:s15], [sflag:$0x2] =	stream.indirect.gather [hbm4b:s4+s14], $0x80, s23, s14, $0xb8;
	[tilespmem:$0x1F000] =	vst v63  }
0x48: {  	s23 =	smov.u32 s22;
	s22 =	sadd.s32 $0x400, s22;
	_ =	swait.ge [sflag:s16], $0x2800  }
0x49: {  	s24 =	sshra.s32 s21, $0x2;
	s21 =	smov.u32 s23;
	[sflag:s16] =	ssyncset.done $0x0  }
0x4a: {  	s23 =	sadd.s32 $0x2780, s24;
	[sflag:s16] =	ssyncadd.s32 $0xFFFFD800  }
0x4b: {  	[spmem:s2] =	stream.indirect.scatter.add.f32 [tilespmem:s11], [sflag:$0x3], $0x80, s23, s14, $0xb8;
	[tilespmem:$0x1F000] =	vst v63  }
0x4c: {  	_ =	swait.ge [sflag:s12], $0x2800  }
0x4d: {  	[sflag:s12] =	ssyncset.done $0x0  }
0x4e: {  	[sflag:s12] =	ssyncadd.s32 $0xFFFFD800  }
0x4f: {  	[tilespmem:s11], [sflag:$0x1] =	stream.indirect.gather [hbm4b:s4+s14], $0x80, s20, s14, $0xb8;
	[tilespmem:$0x1F000] =	vst v63  }
0x50: {  	_ =	swait.ge [sflag:s17], $0x2800  }
.Ltmp3:
0x51: {  	[sflag:s17] =	ssyncset.done $0x0;
	(pc) =	sbr.rel @p1 .LBB2_6-.Ltmp3, $4  }
0x52: {  	s23 =	sadd.s32 $0x2800, s24;
	[sflag:s17] =	ssyncadd.s32 $0xFFFFD800  }
0x53: {  	[spmem:s2] =	stream.indirect.scatter.add.f32 [tilespmem:s15], [sflag:$0x3], $0x80, s23, s14, $0xb8;
	[tilespmem:$0x1F000] =	vst v63  }
0x54: {  	_ =	swait.ge [sflag:s12], $0x2800  }
0x55: {  	s20 =	sadd.s32 $0xA0, s20;
	[sflag:s12] =	ssyncset.done $0x0  }
0x56: {  	s22 =	sadd.s32 $0xFFFFFFB0, s20;
	[sflag:s12] =	ssyncadd.s32 $0xFFFFD800  }
0x57: {  	[tilespmem:s15], [sflag:$0x2] =	stream.indirect.gather [hbm4b:s4+s14], $0x80, s22, s14, $0xb8;
	[tilespmem:$0x1F000] =	vst v63  }
0x58: {  	_ =	swait.ge [sflag:s16], $0x2800  }
0x59: {  	s21 =	sshra.s32 s21, $0x2;
	[sflag:s16] =	ssyncset.done $0x0  }
0x5a: {  	s30 =	sadd.s32 $0x2780, s21;
	[sflag:s16] =	ssyncadd.s32 $0xFFFFD800  }
0x5b: {  	[spmem:s2] =	stream.indirect.scatter.add.f32 [tilespmem:s11], [sflag:$0x3], $0x80, s30, s14, $0xb8;
	[tilespmem:$0x1F000] =	vst v63  }
0x5c: {  	_ =	swait.ge [sflag:s12], $0x2800  }
0x5d: {  	[sflag:s12] =	ssyncset.done $0x0  }
0x5e: {  	[sflag:s12] =	ssyncadd.s32 $0xFFFFD800  }
0x5f: {  	[tilespmem:s11], [sflag:$0x1] =	stream.indirect.gather [hbm4b:s4+s14], $0x80, s20, s14, $0xb8;
	[tilespmem:$0x1F000] =	vst v63  }
0x60: {  	_ =	swait.ge [sflag:s17], $0x2800  }
0x61: {  	[sflag:s17] =	ssyncset.done $0x0  }
0x62: {  	s31 =	sadd.s32 $0x2800, s21;
	[sflag:s17] =	ssyncadd.s32 $0xFFFFD800  }
0x63: {  	[spmem:s2] =	stream.indirect.scatter.add.f32 [tilespmem:s15], [sflag:$0x3], $0x80, s31, s14, $0xb8;
	[tilespmem:$0x1F000] =	vst v63  }
0x64: {  	_ =	swait.ge [sflag:s12], $0x2800  }
0x65: {  	[sflag:s12] =	ssyncset.done $0x0  }
0x66: {  	[sflag:s12] =	ssyncadd.s32 $0xFFFFD800  }
0x67: {  	_ =	swait.ge [sflag:s16], $0x2800  }
0x68: {  	[sflag:s16] =	ssyncset.done $0x0  }
0x69: {  	[sflag:s16] =	ssyncadd.s32 $0xFFFFD800  }
0x6a: {  	[spmem:s2] =	stream.indirect.scatter.add.f32 [tilespmem:s11], [sflag:$0x3], $0x80, s18, s14, $0xb8;
	[tilespmem:$0x1F000] =	vst v63  }
0x6b: {  	_ =	swait.ge [sflag:s12], $0x2800  }
0x6c: {  	[sflag:s12] =	ssyncset.done $0x0  }
0x6d: {  	[sflag:s12] =	ssyncadd.s32 $0xFFFFD800  }
0x6e: {  	[bflag:$0x0] =	sbarrier.arrive $0xFFFF  }
0x6f: {  	[tilespmem:s11], [sflag:$0x3] =	stream.linear.gather [spmem:s9], $0x2800, $0x38;
	[tilespmem:$0x1F000] =	vst v63  }
0x70: {  	_ =	swait.ge [sflag:s12], $0x2800  }
.Ltmp4:
0x71: {  	[sflag:s12] =	ssyncset.done $0x0;
	(pc) =	sbr.rel @!p0 .LBB2_9-.Ltmp4, $4  }
0x72: {  	[sflag:s12] =	ssyncadd.s32 $0xFFFFD800  }
0x73: {  	[hbm4b:s10+s3] =	stream.linear.scatter [tilespmem:s11], [sflag:$0x3], $0x2800, $0x38;
	[tilespmem:$0x1F000] =	vst v63  }
0x74: {  	s21 =	smov.u32 s9;
	_ =	swait.ge [sflag:s12], $0x2800  }
0x75: {  	s22 =	smov.u32 s10;
	s20 =	sadd.s32 $0xFFFFFFFF, s5;
	[sflag:s12] =	ssyncset.done $0x0  }
.LBB2_8:
0x76: {  	[sflag:s12] =	ssyncadd.s32 $0xFFFFD800;
	s21 =	sadd.s32 $0x2800, s21;
	s22 =	sadd.s32 $0x500, s22  }
0x77: {  	[tilespmem:s11], [sflag:$0x3] =	stream.linear.gather [spmem:s21], $0x2800, $0x38;
	[tilespmem:$0x1F000] =	vst v63  }
0x78: {  	p0 =	sne.s32 s20, $0x1;
	s20 =	sadd.s32 $0xFFFFFFFF, s20;
	_ =	swait.ge [sflag:s12], $0x2800  }
.Ltmp5:
0x79: {  	[sflag:s12] =	ssyncset.done $0x0;
	(pc) =	sbr.rel @p0 .LBB2_8-.Ltmp5, $4  }
0x7a: {  	[sflag:s12] =	ssyncadd.s32 $0xFFFFD800  }
0x7b: {  	[hbm4b:s22+s3] =	stream.linear.scatter [tilespmem:s11], [sflag:$0x3], $0x2800, $0x38;
	[tilespmem:$0x1F000] =	vst v63  }
0x7c: {  	_ =	swait.ge [sflag:s12], $0x2800  }
0x7d: {  	[sflag:s12] =	ssyncset.done $0x0  }
.LBB2_9:
0x7e: {  	s19 =	sadd.s32 $0x1, s19  }
0x7f: {  	p0 =	sne.s32 s19, s8  }
.Ltmp6:
0x80: {  	_ = 	snop;
	(pc) =	sbr.rel @p0 .LBB2_1-.Ltmp6, $2  }
0x81: {  	_ =	sdelay $0x2  }
0x82: {  	[sflag:s12] =	ssyncadd.s32 $0xFFFFD800  }
0x83: {  	_ =	sfence.sel $0x180000  }
0x84: {  	[bflag:$0x0] =	sbarrier.arrive $0xFFFF  }
0x85: {  	p0 =	sne.s32 s1, $0x0;
	_ =	strace $0x9000004D  }
0x86: {  	s0 =	sadd.s32 @!p0 $0x100000, s0;
	[bflag:$0x2] =	sbarrier.arrive $0xFFFF  }
0x87: {  	[sflag:s0] =	ssyncadd.tile.s32 @!p0 $0x1;
	_ =	shalt  }
.Lfunc_end2:
_tile_overlayer_lowered:
.L_overlay_start_2:
0x88: {  	(tag) =	ssettag $0x2  }
0x89: {  	s0 =	rddreg [dreg:$0x0];
	s2 =	stileid.u32  }
0x8a: {  	s1 =	rddreg [dreg:$0x1];
	p0 =	sne.s32 s2, $0x0  }
0x8b: {  	s3 =	rddreg [dreg:$0x2];
	[bflag:$0x3] =	sbarrier.arrive $0xFFFF;
	s2 =	simm.s32 @!p0 $0x1C03  }
0x8c: {  	[timem:s3], [sflag:s2] =	dma.local @!p0 [hbm:s0], s1  }
0x8d: {  	s0 =	simm.s32 @!p0 $0x3  }
0x8e: {  	_ =	swait.ge @!p0 [sflag:s0], s1  }
0x8f: {  	s1 =	ssub.s32 @!p0 $0x0, s1;
	[sflag:s0] =	ssyncset.done @!p0 $0x0  }
0x90: {  	[sflag:s0] =	ssyncadd.s32 @!p0 s1  }
0x91: {  	[bflag:$0x3] =	sbarrier.arrive $0xFFFF  }
0x92: {  	_ =	shalt  }

// kernel: kernel.20.cloned.1.call-start
scs
__scs_entry_jumppad:
0x0: {  	(pc) =	sbr.rel $0x88, $3  }
0x1: {  	(tag) =	ssettag $0x0;
	lr =	simm.s32 $0x1  }
0x2: {  	[smem:$0x3F8D] =	sst lr;
	_ =	strace $0xD0000000  }
0x3: {  	_ = 	snop  }
0x4: {  	_ = 	snop  }
0x5: {  	_ = 	snop  }
0x6: {  	_ = 	snop  }
0x7: {  	_ = 	snop  }
__scs_overlays_trampoline_lowered:
0x8: {  	[smem:$0x3F9C] =	sst s0  }
0x9: {  	[smem:$0x3F9D] =	sst s1  }
0xa: {  	[smem:$0x3F9E] =	sst s2  }
0xb: {  	[smem:$0x3F9F] =	sst s3  }
0xc: {  	[smem:$0x3FA0] =	sst s4  }
0xd: {  	[smem:$0x3FA1] =	sst s5  }
0xe: {  	[smem:$0x3FA2] =	sst s6  }
0xf: {  	[smem:$0x3FA3] =	sst s7  }
0x10: {  	[smem:$0x3FA4] =	sst s8  }
0x11: {  	[smem:$0x3FA5] =	sst s9;
	s0 =	simm.s32 @!p0 $0x0  }
0x12: {  	s1 =	sld [smem:$0x3F8B];
	s0 =	simm.s32 @p0 $0x1  }
0x13: {  	[smem:$0x3FA6] =	sst s0;
	s0 =	simm.s32 @!p1 $0x0  }
0x14: {  	s2 =	sld [smem:$0x3F8A];
	s0 =	simm.s32 @p1 $0x1  }
0x15: {  	[smem:$0x3FA7] =	sst s0;
	s0 =	simm.s32 @!p2 $0x0  }
0x16: {  	s3 =	sld [smem:$0x3FDB];
	s0 =	simm.s32 @p2 $0x1  }
0x17: {  	s4 =	simm.s32 $0x1BF5;
	[smem:$0x3FA9] =	sst s0  }
0x18: {  	s0 =	sld [smem:$0x3F8C];
	_ =	swait.ge [sflag:s4], $0x0  }
0x19: {  	s7 =	sld [smem:$0x3F8D]  }
0x1a: {  	s8 =	sadd.s32 $0xFFFFE003, lr  }
0x1b: {  	s9 =	sadd.s32 $0xFFFFFEF7, lr;
	s5 =	simm.s32 $0xFFFFFFFF;
	p2 =	slt.u32 s8, $0xFFFFF086  }
0x1c: {  	p1 =	slt.u32 s9, $0xF7A;
	s5 =	simm.s32 @!p2 $0x0  }
0x1d: {  	s5 =	simm.s32 @p1 $0x1;
	p0 =	seq.s32 s7, s2  }
0x1e: {  	s7 =	smul.u32 @!p0 $0xF7A, s2;
	p2 =	seq.s32 @!p0 s5, $0x0  }
0x1f: {  	s9 =	smul.u32 $0xF7A, s1;
	s8 =	simm.s32 @!p0 $0x1BF5;
	p2 =	por !p2, p0  }
0x20: {  	[sflag:s8] =	ssyncset.s32 @!p0 $0xFFFFF086;
	s6 =	sadd.s32 @!p0 s3, s7;
	s7 =	simm.s32 @!p0 $0x108  }
0x21: {  	s3 =	sadd.s32 s3, s9;
	s6 =	sadd.s32 @!p0 $0x88, s6;
	s7 =	simm.s32 @p2 $0x1082  }
0x22: {  	[simem:s7], [sflag:s8] =	dma.local @!p0 [hbm:s6], $0xF7A  }
0x23: {  	s9 =	sor.u32 $0xD0000000, s2;
	s6 =	simm.s32 $0x108;
	_ =	swait.ge @!p0 [sflag:s8], $0x0  }
0x24: {  	s3 =	sadd.s32 $0x88, s3;
	s6 =	simm.s32 @!p1 $0x1082;
	[sflag:s4] =	ssyncset.s32 $0xFFFFF086  }
0x25: {  	[simem:s6], [sflag:s4] =	dma.local [hbm:s3], $0xF7A  }
0x26: {  	[smem:$0x3F8D] =	sst s1;
	(tag) =	ssettag s2;
	_ =	strace s9  }
0x27: {  	s1 =	sld [smem:$0x3F9D]  }
0x28: {  	s2 =	sld [smem:$0x3F9E]  }
0x29: {  	s4 =	sld [smem:$0x3FA0]  }
0x2a: {  	p0 =	seq.s32 s5, $0x0;
	s5 =	sld [smem:$0x3FA1]  }
0x2b: {  	s6 =	sld [smem:$0x3FA2]  }
0x2c: {  	s7 =	sld [smem:$0x3FA3]  }
0x2d: {  	s3 =	simm.s32 $0x108;
	s8 =	sld [smem:$0x3FA4]  }
0x2e: {  	s3 =	simm.s32 @!p0 $0x1082;
	s9 =	sld [smem:$0x3FA5]  }
0x2f: {  	lr =	sadd.s32 s0, s3;
	s0 =	sld [smem:$0x3F9C]  }
0x30: {  	s3 =	sld [smem:$0x3F9F]  }
0x31: {  	[smem:$0x3FA8] =	sst s10  }
0x32: {  	s10 =	sld [smem:$0x3FA6];
	_ =	sdelay $0x3  }
0x33: {  	p0 =	seq.s32 s10, $0x1;
	s10 =	sld [smem:$0x3FA8];
	_ =	sdelay $0x3  }
0x34: {  	[smem:$0x3FA8] =	sst s10  }
0x35: {  	s10 =	sld [smem:$0x3FA7];
	_ =	sdelay $0x3  }
0x36: {  	p1 =	seq.s32 s10, $0x1;
	s10 =	sld [smem:$0x3FA8];
	_ =	sdelay $0x3  }
0x37: {  	[smem:$0x3FA8] =	sst s10  }
0x38: {  	s10 =	sld [smem:$0x3FA9]  }
0x39: {  	_ = 	snop;
	(pc) =	sbr.ind lr, $3  }
0x3a: {  	_ = 	snop  }
0x3b: {  	_ = 	snop  }
0x3c: {  	p2 =	seq.s32 s10, $0x1;
	s10 =	sld [smem:$0x3FA8]  }
0x3d: {  	_ =	shalt  }
0x3e: {  	_ =	shalt  }
0x3f: {  	_ =	shalt  }
0x40: {  	_ =	shalt  }
0x41: {  	_ =	shalt  }
0x42: {  	_ =	shalt  }
0x43: {  	_ =	shalt  }
0x44: {  	_ =	shalt  }
0x45: {  	_ =	shalt  }
0x46: {  	_ =	shalt  }
0x47: {  	_ =	shalt  }
0x48: {  	_ =	shalt  }
0x49: {  	_ =	shalt  }
0x4a: {  	_ =	shalt  }
0x4b: {  	_ =	shalt  }
0x4c: {  	_ =	shalt  }
0x4d: {  	_ =	shalt  }
0x4e: {  	_ =	shalt  }
0x4f: {  	_ =	shalt  }
0x50: {  	_ =	shalt  }
0x51: {  	_ =	shalt  }
0x52: {  	_ =	shalt  }
0x53: {  	_ =	shalt  }
0x54: {  	_ =	shalt  }
0x55: {  	_ =	shalt  }
0x56: {  	_ =	shalt  }
0x57: {  	_ =	shalt  }
0x58: {  	_ =	shalt  }
0x59: {  	_ =	shalt  }
0x5a: {  	_ =	shalt  }
0x5b: {  	_ =	shalt  }
0x5c: {  	_ =	shalt  }
0x5d: {  	_ =	shalt  }
0x5e: {  	_ =	shalt  }
0x5f: {  	_ =	shalt  }
0x60: {  	_ =	shalt  }
0x61: {  	_ =	shalt  }
0x62: {  	_ =	shalt  }
0x63: {  	_ =	shalt  }
0x64: {  	_ =	shalt  }
0x65: {  	_ =	shalt  }
0x66: {  	_ =	shalt  }
0x67: {  	_ =	shalt  }
0x68: {  	_ =	shalt  }
0x69: {  	_ =	shalt  }
0x6a: {  	_ =	shalt  }
0x6b: {  	_ =	shalt  }
0x6c: {  	_ =	shalt  }
0x6d: {  	_ =	shalt  }
0x6e: {  	_ =	shalt  }
0x6f: {  	_ =	shalt  }
0x70: {  	_ =	shalt  }
0x71: {  	_ =	shalt  }
0x72: {  	_ =	shalt  }
0x73: {  	_ =	shalt  }
0x74: {  	_ =	shalt  }
0x75: {  	_ =	shalt  }
0x76: {  	_ =	shalt  }
0x77: {  	_ =	shalt  }
0x78: {  	_ =	shalt  }
0x79: {  	_ =	shalt  }
0x7a: {  	_ =	shalt  }
0x7b: {  	_ =	shalt  }
0x7c: {  	_ =	shalt  }
0x7d: {  	_ =	shalt  }
0x7e: {  	_ =	shalt  }
0x7f: {  	_ =	shalt  }
0x80: {  	_ =	shalt  }
0x81: {  	_ =	shalt  }
0x82: {  	_ =	shalt  }
0x83: {  	_ =	shalt  }
0x84: {  	_ =	shalt  }
0x85: {  	_ =	shalt  }
0x86: {  	_ =	shalt  }
0x87: {  	_ =	shalt  }
.Lfunc_end0:
.L_simem_size_0:
called_computation.3_lowered:
.L_overlay_start_0:
0x88: {  	s2 =	sld [smem:$0x3FD9]  }
0x89: {  	s3 =	sld [smem:$0x3FFE];
	_ =	sdelay $0x1  }
0x8a: {  	s1 =	srdreg.scid  }
0x8b: {  	s0 =	sand.u32 $0x1, s1  }
0x8c: {  	s16 =	sshll.u32 s0, $0xA;
	s2 =	sadd.s32 s3, s2  }
0x8d: {  	s2 =	sadd.s32 s2, s16  }
0x8e: {  	[smem:$0x3FB4] =	sst s2  }
0x8f: {  	_ = 	snop  }
0x90: {  	(tm) =	ssettm $0x1  }
0x91: {  	s17 =	sld [smem:$0x3FFB];
	_ =	sdelay $0x3  }
0x92: {  	_ =	strace s17  }
0x93: {  	s2 =	sld [smem:$0x3FFC];
	_ =	sdelay $0x3  }
0x94: {  	_ =	strace s2  }
0x95: {  	s2 =	sld [smem:$0x3FFD];
	_ =	sdelay $0x3  }
0x96: {  	_ =	strace s2  }
0x97: {  	_ =	strace $0x8FFFFFFF  }
0x98: {  	s18 =	sld [smem:$0x3FDB];
	_ =	sdelay $0x1  }
0x99: {  	s19 =	simm.s32 $_scs_section_size  }
0x9a: {  	s4 =	simm.s32 $_size__tile_overlayer_lowered;
	s5 =	simm.s32 $_tile_overlayer_lowered  }
0x9b: {  	s22 =	simm.s32 $0x1BFF;
	s21 =	sshll.u32 s5, $0x1;
	s2 =	sadd.s32 s19, s18  }
0x9c: {  	s6 =	simm.s32 $0x0;
	s20 =	sshll.u32 s4, $0x1;
	s4 =	sadd.s32 s21, s2  }
0x9d: {  	[timem:s6], [sflag:s22] =	dma.local [hbm:s4], s20  }
0x9e: {  	_ =	swait.ge [sflag:s22], s20  }
0x9f: {  	s3 =	ssub.s32 $0x0, s20;
	[sflag:s22] =	ssyncset.done $0x0  }
0xa0: {  	[sflag:s22] =	ssyncadd.s32 s3;
	_ =	sdelay $0x1  }
0xa1: {  	s23 =	simm.s32 $0x1B8B  }
0xa2: {  	_ =	swait.ge [sflag:s23], $0x1  }
0xa3: {  	[sflag:s23] =	ssyncset.done $0x0  }
0xa4: {  	s25 =	simm.s32 $0x1B8E;
	s24 =	sld [smem:$0x3FFE];
	[sflag:s23] =	ssyncadd.s32 $0xFFFFFFFF  }
0xa5: {  	s26 =	simm.s32 $execute0_lowered;
	[smem:$0x3FD2] =	sst s25  }
0xa6: {  	s4 =	sshll.u32 s26, $0x1;
	_ =	strace $0x8000004F;
	[dreg:$0x1] =	wrdreg $0xFFFFFFFF  }
0xa7: {  	s28 =	simm.s32 $_size_execute0_lowered;
	s2 =	sadd.s32 s2, s4;
	[dreg:$0x0] =	wrdreg $0x0  }
0xa8: {  	s4 =	sshll.u32 s28, $0x1;
	[dreg:$0x2] =	wrdreg s2  }
0xa9: {  	[dreg:$0x3] =	wrdreg s4  }
0xaa: {  	[dreg:$0x4] =	wrdreg $0xC0  }
0xab: {  	_ =	task [dreg:s6], $0x5FFFF  }
0xac: {  	[dreg:$0x1] =	wrdreg $0xFFFFFFFF  }
0xad: {  	[dreg:$0x0] =	wrdreg $0x60  }
0xae: {  	[dreg:$0x2] =	wrdreg s24  }
0xaf: {  	[dreg:$0x3] =	wrdreg $0xB7800  }
0xb0: {  	[dreg:$0x4] =	wrdreg $0x9  }
0xb1: {  	_ =	task.clear_ibuf [dreg:s6], $0x5FFFF;
	_ =	strace $0x9000004F  }
0xb2: {  	s29 =	simm.s32 $0x9;
	_ =	strace $0x80000051  }
0xb3: {  	_ =	swait.ge [sflag:s29], $0x1  }
0xb4: {  	[sflag:s29] =	ssyncadd.s32 $0xFFFFFFFF  }
0xb5: {  	_ =	strace $0x90000051  }
0xb6: {  	_ =	sfence  }
0xb7: {  	s30 =	sld [smem:$0x0];
	_ =	sdelay $0x2  }
0xb8: {  	s31 =	sshll.u32 s1, $0xD;
	s1 =	sshrl.u32 s1, $0x2  }
0xb9: {  	s3 =	sand.u32 $0x4000, s31;
	s1 =	sadd.s32 s1, s30  }
0xba: {  	s0 =	sor.u32 s3, s0;
	s1 =	sshll.u32 s1, $0x11  }
0xbb: {  	s0 =	sor.u32 s1, s0  }
0xbc: {  	s0 =	sadd.s32 $0x8F2B, s0  }
0xbd: {  	[sflag:s0] =	ssyncadd.remote.s32 $0x1  }
0xbe: {  	_ =	sfence.sel $0xFFFF  }
0xbf: {  	[dreg:$0x0] =	wrdreg $0xFFFFFFFF;
	(pc) =	sbr.abs _section_cstart, $3  }
0xc0: {  	[dreg:$0x1] =	wrdreg $0xFFFFFFFF  }
0xc1: {  	_ =	task.clear_ibuf [dreg:s6], $0x2FFFF;
	_ =	strace $0x9FFFFFFF  }
0xc2: {  	(tm) =	ssettm $0x7FFFFFFF  }
0xc3: {  	_ =	shalt  }
tec
execute0_lowered:
.L_overlay_start_1:
0x0: {  	(tag) =	ssettag $0x1  }
0x1: {  	s5 =	rddreg [dreg:$0x0]  }
0x2: {  	s0 =	srdreg.scid;
	s2 =	rddreg [dreg:$0x1]  }
0x3: {  	s1 =	stileid.u32;
	s3 =	simm.s32 $0x0;
	s14 =	simm.s32 $0x50  }
0x4: {  	s15 =	simm.s32 $0x8F80;
	s16 =	simm.s32 $0x1;
	s8 =	smul.u32 $0x2710, s1  }
0x5: {  	s17 =	simm.s32 $0x2;
	s18 =	simm.s32 $0x6580;
	s9 =	smul.u32 $0x280, s1  }
0x6: {  	s6 =	sand.u32 $0x1, s0;
	s0 =	rddreg [dreg:$0x2];
	s12 =	smul.u32 $0x50000, s1  }
0x7: {  	s19 =	simm.s32 $0x0;
	[smem:$0x7FF] =	sst s3;
	s30 =	smul.u32 $0x2800, s1  }
0x8: {  	s4 =	sadd.s32 $0x106200, s5;
	s10 =	sshll.u32 s1, $0xB;
	s7 =	smul.u32 $0x27100, s6  }
0x9: {  	_ =	strace $0x80000050;
	s10 =	sadd.s32 s10, s5;
	s28 =	ssub.s32 $0x2, s6  }
0xa: {  	s9 =	ssub.s32 $0x2710, s9;
	s6 =	sshrl.u32 s28, $0x1;
	s31 =	sshrl.u32 s12, $0x2  }
0xb: {  	s12 =	simm.s32 $0x3;
	s8 =	sadd.s32 s8, s7;
	s9 =	sand.u32 $0xFF90, s9  }
0xc: {  	s11 =	sadd.s32 s7, s5;
	s13 =	ssub.s32 s28, s6;
	s7 =	sadd.s32 $0xEC00, s10  }
0xd: {  	s8 =	sshrl.u32 s8, $0x3;
	s9 =	smul.u32 $0xCCCD, s9;
	s11 =	sadd.s32 s30, s11  }
0xe: {  	s8 =	sadd.s32 s8, s5;
	s10 =	sadd.s32 $0x154400, s11;
	s11 =	simm.s32 $0x6780  }
0xf: {  	s29 =	sshrl.u32 s9, $0x16;
	s6 =	sadd.s32 $0x4E00, s8;
	s8 =	smax.u32 s13, $0x1  }
0x10: {  	v0 =	vimm.f32 $0.0e+00;
	s9 =	sadd.s32 s31, s2;
	s13 =	simm.s32 $0x2780;
	s5 =	smin.u32 s29, $0x8  }
.LBB2_1:
0x11: {  	s20 =	simm.s32 $0x0;
	s21 =	simm.s32 $0x200  }
.LBB2_2:
0x12: {  	p0 =	sne.s32 s21, $0x9E00;
	[tilespmem:s20+$0x67F0] =	vst v0  }
0x13: {  	[tilespmem:s20+$0x6780] =	vst v0  }
0x14: {  	[tilespmem:s20+$0x6790] =	vst v0  }
.Ltmp0:
0x15: {  	[tilespmem:s20+$0x67A0] =	vst v0;
	(pc) =	sbr.rel @p0 .LBB2_2-.Ltmp0, $4  }
0x16: {  	[tilespmem:s20+$0x67B0] =	vst v0  }
0x17: {  	[tilespmem:s20+$0x67C0] =	vst v0  }
0x18: {  	[tilespmem:s20+$0x67D0] =	vst v0  }
0x19: {  	[tilespmem:s20+$0x67E0] =	vst v0;
	s20 =	sshra.s32 s21, $0x2;
	s21 =	sadd.s32 $0x200, s21  }
0x1a: {  	[tilespmem:s20+$0x67F0] =	vst v0  }
0x1b: {  	[tilespmem:s20+$0x6780] =	vst v0  }
0x1c: {  	[tilespmem:s20+$0x6790] =	vst v0  }
0x1d: {  	[tilespmem:s20+$0x67A0] =	vst v0  }
0x1e: {  	[tilespmem:s20+$0x67B0] =	vst v0  }
0x1f: {  	[tilespmem:s20+$0x67C0] =	vst v0;
	p0 =	sne.s32 s5, $0x1  }
.Ltmp1:
0x20: {  	[tilespmem:s20+$0x67D0] =	vst v0;
	(pc) =	sbr.rel @!p0 .LBB2_5-.Ltmp1, $4  }
0x21: {  	[tilespmem:s20+$0x67E0] =	vst v0  }
0x22: {  	[spmem:s9] =	stream.linear.scatter [tilespmem:s11], [sflag:$0x3], $0x2800, $0x38;
	[tilespmem:$0x1F000] =	vst v63  }
0x23: {  	_ =	swait.ge [sflag:s12], $0x2800  }
0x24: {  	s20 =	sadd.s32 $0xFFFFFFFF, s5;
	s21 =	smov.u32 s9;
	[sflag:s12] =	ssyncset.done $0x0  }
.LBB2_4:
0x25: {  	p1 =	sne.s32 s20, $0x1;
	[sflag:s12] =	ssyncadd.s32 $0xFFFFD800;
	s21 =	sadd.s32 $0x2800, s21  }
.Ltmp2:
0x26: {  	s20 =	sadd.s32 $0xFFFFFFFF, s20;
	(pc) =	sbr.rel @p1 .LBB2_4-.Ltmp2, $4  }
0x27: {  	_ = 	snop  }
0x28: {  	[spmem:s21] =	stream.linear.scatter [tilespmem:s11], [sflag:$0x3], $0x2800, $0x38;
	[tilespmem:$0x1F000] =	vst v63  }
0x29: {  	_ =	swait.ge [sflag:s12], $0x2800  }
0x2a: {  	[sflag:s12] =	ssyncset.done $0x0  }
.LBB2_5:
0x2b: {  	[sflag:s12] =	ssyncadd.s32 $0xFFFFD800;
	s20 =	simm.s32 $0x0  }
0x2c: {  	[tilespmem:s20], [sflag:$0x3] =	stream.linear.gather [hbm4b:s6+s20], $0x2710, $0x38;
	[tilespmem:$0x1F000] =	vst v63  }
0x2d: {  	_ =	swait.ge [sflag:s12], $0x2710  }
0x2e: {  	[sflag:s12] =	ssyncset.done $0x0  }
0x2f: {  	[sflag:s12] =	ssyncadd.s32 $0xFFFFD8F0  }
0x30: {  	[tilespmem:s13], [sflag:$0x3] =	stream.linear.gather [hbm4b:s7+s20], $0x4000, $0x38;
	[tilespmem:$0x1F000] =	vst v63  }
0x31: {  	_ =	swait.ge [sflag:s12], $0x4000  }
0x32: {  	[sflag:s12] =	ssyncset.done $0x0  }
0x33: {  	[sflag:s12] =	ssyncadd.s32 $0xFFFFC000  }
0x34: {  	[bflag:$0x0] =	sbarrier.arrive $0xFFFF  }
0x35: {  	[tilespmem:s11], [sflag:$0x1] =	stream.indirect.gather [hbm4b:s4+s14], $0x80, s20, s14, $0xb8;
	[tilespmem:$0x1F000] =	vst v63  }
0x36: {  	s28 =	simm.s32 $0x50  }
0x37: {  	[tilespmem:s15], [sflag:$0x2] =	stream.indirect.gather [hbm4b:s4+s14], $0x80, s28, s14, $0xb8;
	[tilespmem:$0x1F000] =	vst v63  }
0x38: {  	_ =	swait.ge [sflag:s16], $0x2800  }
0x39: {  	[sflag:s16] =	ssyncset.done $0x0  }
0x3a: {  	s29 =	simm.s32 $0x2780;
	[sflag:s16] =	ssyncadd.s32 $0xFFFFD800  }
0x3b: {  	[spmem:s2] =	stream.indirect.scatter.add.f32 [tilespmem:s11], [sflag:$0x3], $0x80, s29, s14, $0xb8;
	[tilespmem:$0x1F000] =	vst v63  }
0x3c: {  	_ =	swait.ge [sflag:s12], $0x2800  }
0x3d: {  	[sflag:s12] =	ssyncset.done $0x0  }
0x3e: {  	s30 =	simm.s32 $0xA0;
	[sflag:s12] =	ssyncadd.s32 $0xFFFFD800  }
0x3f: {  	[tilespmem:s11], [sflag:$0x1] =	stream.indirect.gather [hbm4b:s4+s14], $0x80, s30, s14, $0xb8;
	[tilespmem:$0x1F000] =	vst v63  }
0x40: {  	_ =	swait.ge [sflag:s17], $0x2800  }
0x41: {  	[sflag:s17] =	ssyncset.done $0x0  }
0x42: {  	s31 =	simm.s32 $0x2800;
	[sflag:s17] =	ssyncadd.s32 $0xFFFFD800  }
0x43: {  	[spmem:s2] =	stream.indirect.scatter.add.f32 [tilespmem:s15], [sflag:$0x3], $0x80, s31, s14, $0xb8;
	[tilespmem:$0x1F000] =	vst v63  }
0x44: {  	s21 =	simm.s32 $0x400;
	_ =	swait.ge [sflag:s12], $0x2800  }
0x45: {  	s22 =	simm.s32 $0x800;
	s20 =	simm.s32 $0x140;
	[sflag:s12] =	ssyncset.done $0x0  }
.LBB2_6:
0x46: {  	p1 =	sne.s32 s22, $0xF400;
	s23 =	sadd.s32 $0xFFFFFFB0, s20;
	[sflag:s12] =	ssyncadd.s32 $0xFFFFD800  }
0x47: {  	[tilespmem:s15], [sflag:$0x2] =	stream.indirect.gather [hbm4b:s4+s14], $0x80, s23, s14, $0xb8;
	[tilespmem:$0x1F000] =	vst v63  }
0x48: {  	s23 =	smov.u32 s22;
	s22 =	sadd.s32 $0x400, s22;
	_ =	swait.ge [sflag:s16], $0x2800  }
0x49: {  	s24 =	sshra.s32 s21, $0x2;
	s21 =	smov.u32 s23;
	[sflag:s16] =	ssyncset.done $0x0  }
0x4a: {  	s23 =	sadd.s32 $0x2780, s24;
	[sflag:s16] =	ssyncadd.s32 $0xFFFFD800  }
0x4b: {  	[spmem:s2] =	stream.indirect.scatter.add.f32 [tilespmem:s11], [sflag:$0x3], $0x80, s23, s14, $0xb8;
	[tilespmem:$0x1F000] =	vst v63  }
0x4c: {  	_ =	swait.ge [sflag:s12], $0x2800  }
0x4d: {  	[sflag:s12] =	ssyncset.done $0x0  }
0x4e: {  	[sflag:s12] =	ssyncadd.s32 $0xFFFFD800  }
0x4f: {  	[tilespmem:s11], [sflag:$0x1] =	stream.indirect.gather [hbm4b:s4+s14], $0x80, s20, s14, $0xb8;
	[tilespmem:$0x1F000] =	vst v63  }
0x50: {  	_ =	swait.ge [sflag:s17], $0x2800  }
.Ltmp3:
0x51: {  	[sflag:s17] =	ssyncset.done $0x0;
	(pc) =	sbr.rel @p1 .LBB2_6-.Ltmp3, $4  }
0x52: {  	s23 =	sadd.s32 $0x2800, s24;
	[sflag:s17] =	ssyncadd.s32 $0xFFFFD800  }
0x53: {  	[spmem:s2] =	stream.indirect.scatter.add.f32 [tilespmem:s15], [sflag:$0x3], $0x80, s23, s14, $0xb8;
	[tilespmem:$0x1F000] =	vst v63  }
0x54: {  	_ =	swait.ge [sflag:s12], $0x2800  }
0x55: {  	s20 =	sadd.s32 $0xA0, s20;
	[sflag:s12] =	ssyncset.done $0x0  }
0x56: {  	s22 =	sadd.s32 $0xFFFFFFB0, s20;
	[sflag:s12] =	ssyncadd.s32 $0xFFFFD800  }
0x57: {  	[tilespmem:s15], [sflag:$0x2] =	stream.indirect.gather [hbm4b:s4+s14], $0x80, s22, s14, $0xb8;
	[tilespmem:$0x1F000] =	vst v63  }
0x58: {  	_ =	swait.ge [sflag:s16], $0x2800  }
0x59: {  	s21 =	sshra.s32 s21, $0x2;
	[sflag:s16] =	ssyncset.done $0x0  }
0x5a: {  	s30 =	sadd.s32 $0x2780, s21;
	[sflag:s16] =	ssyncadd.s32 $0xFFFFD800  }
0x5b: {  	[spmem:s2] =	stream.indirect.scatter.add.f32 [tilespmem:s11], [sflag:$0x3], $0x80, s30, s14, $0xb8;
	[tilespmem:$0x1F000] =	vst v63  }
0x5c: {  	_ =	swait.ge [sflag:s12], $0x2800  }
0x5d: {  	[sflag:s12] =	ssyncset.done $0x0  }
0x5e: {  	[sflag:s12] =	ssyncadd.s32 $0xFFFFD800  }
0x5f: {  	[tilespmem:s11], [sflag:$0x1] =	stream.indirect.gather [hbm4b:s4+s14], $0x80, s20, s14, $0xb8;
	[tilespmem:$0x1F000] =	vst v63  }
0x60: {  	_ =	swait.ge [sflag:s17], $0x2800  }
0x61: {  	[sflag:s17] =	ssyncset.done $0x0  }
0x62: {  	s31 =	sadd.s32 $0x2800, s21;
	[sflag:s17] =	ssyncadd.s32 $0xFFFFD800  }
0x63: {  	[spmem:s2] =	stream.indirect.scatter.add.f32 [tilespmem:s15], [sflag:$0x3], $0x80, s31, s14, $0xb8;
	[tilespmem:$0x1F000] =	vst v63  }
0x64: {  	_ =	swait.ge [sflag:s12], $0x2800  }
0x65: {  	[sflag:s12] =	ssyncset.done $0x0  }
0x66: {  	[sflag:s12] =	ssyncadd.s32 $0xFFFFD800  }
0x67: {  	_ =	swait.ge [sflag:s16], $0x2800  }
0x68: {  	[sflag:s16] =	ssyncset.done $0x0  }
0x69: {  	[sflag:s16] =	ssyncadd.s32 $0xFFFFD800  }
0x6a: {  	[spmem:s2] =	stream.indirect.scatter.add.f32 [tilespmem:s11], [sflag:$0x3], $0x80, s18, s14, $0xb8;
	[tilespmem:$0x1F000] =	vst v63  }
0x6b: {  	_ =	swait.ge [sflag:s12], $0x2800  }
0x6c: {  	[sflag:s12] =	ssyncset.done $0x0  }
0x6d: {  	[sflag:s12] =	ssyncadd.s32 $0xFFFFD800  }
0x6e: {  	[bflag:$0x0] =	sbarrier.arrive $0xFFFF  }
0x6f: {  	[tilespmem:s11], [sflag:$0x3] =	stream.linear.gather [spmem:s9], $0x2800, $0x38;
	[tilespmem:$0x1F000] =	vst v63  }
0x70: {  	_ =	swait.ge [sflag:s12], $0x2800  }
.Ltmp4:
0x71: {  	[sflag:s12] =	ssyncset.done $0x0;
	(pc) =	sbr.rel @!p0 .LBB2_9-.Ltmp4, $4  }
0x72: {  	[sflag:s12] =	ssyncadd.s32 $0xFFFFD800  }
0x73: {  	[hbm4b:s10+s3] =	stream.linear.scatter [tilespmem:s11], [sflag:$0x3], $0x2800, $0x38;
	[tilespmem:$0x1F000] =	vst v63  }
0x74: {  	s21 =	smov.u32 s9;
	_ =	swait.ge [sflag:s12], $0x2800  }
0x75: {  	s22 =	smov.u32 s10;
	s20 =	sadd.s32 $0xFFFFFFFF, s5;
	[sflag:s12] =	ssyncset.done $0x0  }
.LBB2_8:
0x76: {  	[sflag:s12] =	ssyncadd.s32 $0xFFFFD800;
	s21 =	sadd.s32 $0x2800, s21;
	s22 =	sadd.s32 $0x500, s22  }
0x77: {  	[tilespmem:s11], [sflag:$0x3] =	stream.linear.gather [spmem:s21], $0x2800, $0x38;
	[tilespmem:$0x1F000] =	vst v63  }
0x78: {  	p0 =	sne.s32 s20, $0x1;
	s20 =	sadd.s32 $0xFFFFFFFF, s20;
	_ =	swait.ge [sflag:s12], $0x2800  }
.Ltmp5:
0x79: {  	[sflag:s12] =	ssyncset.done $0x0;
	(pc) =	sbr.rel @p0 .LBB2_8-.Ltmp5, $4  }
0x7a: {  	[sflag:s12] =	ssyncadd.s32 $0xFFFFD800  }
0x7b: {  	[hbm4b:s22+s3] =	stream.linear.scatter [tilespmem:s11], [sflag:$0x3], $0x2800, $0x38;
	[tilespmem:$0x1F000] =	vst v63  }
0x7c: {  	_ =	swait.ge [sflag:s12], $0x2800  }
0x7d: {  	[sflag:s12] =	ssyncset.done $0x0  }
.LBB2_9:
0x7e: {  	s19 =	sadd.s32 $0x1, s19  }
0x7f: {  	p0 =	sne.s32 s19, s8  }
.Ltmp6:
0x80: {  	_ = 	snop;
	(pc) =	sbr.rel @p0 .LBB2_1-.Ltmp6, $2  }
0x81: {  	_ =	sdelay $0x2  }
0x82: {  	[sflag:s12] =	ssyncadd.s32 $0xFFFFD800  }
0x83: {  	_ =	sfence.sel $0x180000  }
0x84: {  	[bflag:$0x0] =	sbarrier.arrive $0xFFFF  }
0x85: {  	p0 =	sne.s32 s1, $0x0;
	_ =	strace $0x90000050  }
0x86: {  	s0 =	sadd.s32 @!p0 $0x100000, s0;
	[bflag:$0x2] =	sbarrier.arrive $0xFFFF  }
0x87: {  	[sflag:s0] =	ssyncadd.tile.s32 @!p0 $0x1;
	_ =	shalt  }
.Lfunc_end2:
_tile_overlayer_lowered:
.L_overlay_start_2:
0x88: {  	(tag) =	ssettag $0x2  }
0x89: {  	s0 =	rddreg [dreg:$0x0];
	s2 =	stileid.u32  }
0x8a: {  	s1 =	rddreg [dreg:$0x1];
	p0 =	sne.s32 s2, $0x0  }
0x8b: {  	s3 =	rddreg [dreg:$0x2];
	[bflag:$0x3] =	sbarrier.arrive $0xFFFF;
	s2 =	simm.s32 @!p0 $0x1C03  }
0x8c: {  	[timem:s3], [sflag:s2] =	dma.local @!p0 [hbm:s0], s1  }
0x8d: {  	s0 =	simm.s32 @!p0 $0x3  }
0x8e: {  	_ =	swait.ge @!p0 [sflag:s0], s1  }
0x8f: {  	s1 =	ssub.s32 @!p0 $0x0, s1;
	[sflag:s0] =	ssyncset.done @!p0 $0x0  }
0x90: {  	[sflag:s0] =	ssyncadd.s32 @!p0 s1  }
0x91: {  	[bflag:$0x3] =	sbarrier.arrive $0xFFFF  }
0x92: {  	_ =	shalt  }

</sc_bundles>
